<compile_context>
chip_gen: v7x
topology: tpu7x:2x2x1
jax: 0.10.2.dev20260603
libtpu: 0.0.44.dev20260713+nightly
codegen_flags: <defaults>
</compile_context>

<pallas_src>
import functools

import jax
import jax.numpy as jnp
from jax import lax
from jax.experimental import pallas as pl
from jax.experimental.pallas import tpu as pltpu
from jax.experimental.pallas import tpu_sc as plsc

LANES = 16
SEQ_SPLIT = 2
RING = 4


@functools.lru_cache(maxsize=None)
def _build(batch: int, seq_len: int, vocab: int, embed: int):
    info = plsc.get_sparse_core_info()
    nw = info.num_cores * info.num_subcores
    nb = nw // SEQ_SPLIT
    assert batch % nb == 0 and seq_len % (RING * SEQ_SPLIT) == 0
    bpw = batch // nb
    spw = seq_len // SEQ_SPLIT
    vecs = embed // LANES
    pitch = bpw + 1

    mesh = plsc.VectorSubcoreMesh(core_axis_name="c", subcore_axis_name="s")

    @functools.partial(
        pl.kernel,
        out_type=jax.ShapeDtypeStruct((seq_len, embed, batch), jnp.float32),
        mesh=mesh,
        scratch_types=(
            [pltpu.VMEM((bpw,), jnp.int32) for _ in range(RING)]
            + [pltpu.VMEM((bpw, embed), jnp.float32) for _ in range(RING)]
            + [pltpu.VMEM((embed, pitch), jnp.float32) for _ in range(2)]
            + [pltpu.VMEM((seq_len, embed), jnp.float32)]
            + [pltpu.SemaphoreType.DMA for _ in range(2 * RING + 2)]
        ),
        compiler_params=pltpu.CompilerParams(
            use_tc_tiling_on_sc=False, needs_layout_passes=False,
            disable_bounds_checks=True),
    )
    def emb_kernel(table_hbm, idxt_hbm, pos_hbm, out_hbm, *scratch):
        idx_v = scratch[:RING]
        rows_v = scratch[RING:2 * RING]
        tblk = scratch[2 * RING:2 * RING + 2]
        pos_v = scratch[2 * RING + 2]
        gsem = scratch[2 * RING + 3:3 * RING + 3]
        isem = scratch[3 * RING + 3:4 * RING + 3]
        wsem = scratch[4 * RING + 3:]

        wid = lax.axis_index("s") * info.num_cores + lax.axis_index("c")
        b0 = (wid % nb) * bpw
        s_lo = (wid // nb) * spw

        pltpu.sync_copy(pos_hbm, pos_v)

        iota = lax.iota(jnp.int32, LANES)

        for b in range(RING):
            pltpu.sync_copy(idxt_hbm.at[s_lo + b, pl.ds(b0, bpw)], idx_v[b])
            pltpu.async_copy(table_hbm.at[idx_v[b]], rows_v[b], gsem[b])

        def pos_body(i, _):
            for b in range(RING):
                c = s_lo + RING * i + b
                w = b % 2
                pltpu.make_async_copy(
                    table_hbm.at[idx_v[b]], rows_v[b], gsem[b]).wait()
                c2 = lax.min(c + RING, s_lo + spw - 1)
                pltpu.async_copy(
                    idxt_hbm.at[c2, pl.ds(b0, bpw)], idx_v[b], isem[b])

                def _wait_prev_write():
                    pltpu.make_async_copy(
                        tblk[w].at[:, pl.ds(0, bpw)],
                        out_hbm.at[0, :, pl.ds(b0, bpw)], wsem[w]).wait()

                if b < 2:
                    pl.when(i > 0)(_wait_prev_write)
                else:
                    _wait_prev_write()

                pvecs = [pos_v[c, pl.ds(k * LANES, LANES)] for k in range(vecs)]
                row_ids = [iota + k * LANES for k in range(vecs)]

                @plsc.parallel_loop(0, bpw, unroll=16, carry=iota * 0)
                def _row(r, col):
                    for k in range(vecs):
                        val = rows_v[b][r, pl.ds(k * LANES, LANES)] + pvecs[k]
                        plsc.store_scatter(tblk[w], [row_ids[k], col], val)
                    return col + 1

                pltpu.make_async_copy(
                    idxt_hbm.at[0, pl.ds(b0, bpw)], idx_v[b], isem[b]).wait()
                pltpu.async_copy(table_hbm.at[idx_v[b]], rows_v[b], gsem[b])
                pltpu.async_copy(
                    tblk[w].at[:, pl.ds(0, bpw)],
                    out_hbm.at[c, :, pl.ds(b0, bpw)], wsem[w])
            return _

        lax.fori_loop(0, spw // RING, pos_body, None)

        for b in range(RING):
            pltpu.make_async_copy(
                table_hbm.at[idx_v[b]], rows_v[b], gsem[b]).wait()
        for w in range(2):
            pltpu.make_async_copy(
                tblk[w].at[:, pl.ds(0, bpw)],
                out_hbm.at[0, :, pl.ds(b0, bpw)], wsem[w]).wait()

    return emb_kernel


def kernel(inputs, token_table, pos_table):
    batch, seq_len = inputs.shape
    vocab, embed = token_table.shape
    idx_t = inputs.T.astype(jnp.int32)
    fn = _build(batch, seq_len, vocab, embed)
    out = fn(token_table, idx_t, pos_table)
    return out.transpose(2, 0, 1)

# --- scband reference (transcript-rebuilt; emitter-appended) ---
"""Pipeline reference for scband-positional-embedding-41412074668581 (READ-ONLY COPY).

The authoritative reference and input builder live on the scoring server;
editing this copy changes nothing except your own understanding.
"""

import jax, jax.numpy as jnp
import numpy as np

VOCAB = 100000
SEQ_LEN = 200
EMBED = 64
BATCH = 4096

def setup_inputs(seed: int = 0) -> dict:
    key = jax.random.key(seed)
    k1, k2, k3 = jax.random.split(key, 3)
    inputs = jax.random.randint(k1, (BATCH, SEQ_LEN), 0, VOCAB, dtype=jnp.int64 if jax.config.jax_enable_x64 else jnp.int32)
    token_table = jax.random.normal(k2, (VOCAB, EMBED), dtype=jnp.float32) * 0.02
    pos_table = jax.random.normal(k3, (SEQ_LEN, EMBED), dtype=jnp.float32) * 0.02
    return {"inputs": inputs, "token_table": token_table, "pos_table": pos_table}

def reference(inputs, token_table, pos_table):
    length = inputs.shape[-1]
    positions = jnp.arange(0, length, 1)
    embedded_tokens = jnp.take(token_table, inputs, axis=0)
    embedded_positions = jnp.take(pos_table, positions, axis=0)
    return embedded_tokens + embedded_positions

if __name__ == "__main__":
    import jax
    _d = setup_inputs()
    print(jax.jit(kernel)(*tuple(_d.values())))

</pallas_src>

<mosaic_0001>
#map = affine_map<(d0, d1) -> (0, 0)>
#map1 = affine_map<(d0, d1) -> (0, 0, 0)>
module attributes {stable_mosaic.version = 14 : i64} {
  func.func @emb_kernel(%arg0: i32, %arg1: i32, %arg2: memref<100000x64xf32, #tpu.memory_space<hbm>>, %arg3: memref<200x4096xi32, #tpu.memory_space<hbm>>, %arg4: memref<200x64xf32, #tpu.memory_space<hbm>>, %arg5: memref<200x64x4096xf32, #tpu.memory_space<hbm>>, %arg6: memref<256xi32, #tpu.memory_space<vmem>>, %arg7: memref<256xi32, #tpu.memory_space<vmem>>, %arg8: memref<256xi32, #tpu.memory_space<vmem>>, %arg9: memref<256xi32, #tpu.memory_space<vmem>>, %arg10: memref<256x64xf32, #tpu.memory_space<vmem>>, %arg11: memref<256x64xf32, #tpu.memory_space<vmem>>, %arg12: memref<256x64xf32, #tpu.memory_space<vmem>>, %arg13: memref<256x64xf32, #tpu.memory_space<vmem>>, %arg14: memref<64x257xf32, #tpu.memory_space<vmem>>, %arg15: memref<64x257xf32, #tpu.memory_space<vmem>>, %arg16: memref<200x64xf32, #tpu.memory_space<vmem>>, %arg17: memref<!tpu.dma_semaphore, #tpu.memory_space<semaphore_mem>>, %arg18: memref<!tpu.dma_semaphore, #tpu.memory_space<semaphore_mem>>, %arg19: memref<!tpu.dma_semaphore, #tpu.memory_space<semaphore_mem>>, %arg20: memref<!tpu.dma_semaphore, #tpu.memory_space<semaphore_mem>>, %arg21: memref<!tpu.dma_semaphore, #tpu.memory_space<semaphore_mem>>, %arg22: memref<!tpu.dma_semaphore, #tpu.memory_space<semaphore_mem>>, %arg23: memref<!tpu.dma_semaphore, #tpu.memory_space<semaphore_mem>>, %arg24: memref<!tpu.dma_semaphore, #tpu.memory_space<semaphore_mem>>, %arg25: memref<!tpu.dma_semaphore, #tpu.memory_space<semaphore_mem>>, %arg26: memref<!tpu.dma_semaphore, #tpu.memory_space<semaphore_mem>>) attributes {dimension_semantics = [#tpu.dimension_semantics<core_parallel>, #tpu.dimension_semantics<subcore_parallel>], iteration_bounds = array<i64: 2, 16>, scalar_prefetch = 0 : i64, scratch_operands = 21 : i64, tpu.core_type = #tpu.core_type<sc_vector_subcore>, window_params = [{transform_indices = #map}, {transform_indices = #map}, {transform_indices = #map}, {transform_indices = #map1}]} {
    %mul3A = arith.constant 2 : i32
    %mul3A_0 = arith.muli %arg1, %mul3A : i32
    %add3A = arith.addi %mul3A_0, %arg0 : i32
    %jit3A = arith.constant 16 : i32
    %eq3A = arith.constant 0 : i32
    %eq3A_1 = arith.cmpi eq, %jit3A, %eq3A : i32
    %jit3A_2 = arith.constant 1 : i32
    %select_n3A = arith.select %eq3A_1, %jit3A_2, %jit3A : i32
    %rem3A = arith.remsi %add3A, %select_n3A : i32
    %ne3A = arith.constant 0 : i32
    %ne3A_3 = arith.cmpi ne, %rem3A, %ne3A : i32
    %lt3A = arith.constant 0 : i32
    %lt3A_4 = arith.cmpi slt, %rem3A, %lt3A : i32
    %lt3A_5 = arith.constant 0 : i32
    %lt3A_6 = arith.cmpi slt, %select_n3A, %lt3A_5 : i32
    %ne3A_7 = arith.xori %lt3A_4, %lt3A_6 : i1
    %and3A = arith.andi %ne3A_7, %ne3A_3 : i1
    %add3A_8 = arith.addi %rem3A, %select_n3A : i32
    %select_n3A_9 = arith.select %and3A, %add3A_8, %rem3A : i32
    %mul3A_10 = arith.constant 256 : i32
    %mul3A_11 = arith.muli %select_n3A_9, %mul3A_10 : i32
    %jit3A_12 = arith.constant 16 : i32
    %div3A = arith.divsi %add3A, %jit3A_12 : i32
    %sign3A = arith.constant 0 : i32
    %sign3A_13 = arith.cmpi sgt, %add3A, %sign3A : i32
    %sign3A_14 = arith.extui %sign3A_13 : i1 to i32
    %sign3A_15 = arith.constant 0 : i32
    %sign3A_16 = arith.cmpi slt, %add3A, %sign3A_15 : i32
    %sign3A_17 = arith.extui %sign3A_16 : i1 to i32
    %sign3A_18 = arith.subi %sign3A_14, %sign3A_17 : i32
    %sign3A_19 = arith.constant 0 : i32
    %sign3A_20 = arith.cmpi sgt, %jit3A_12, %sign3A_19 : i32
    %sign3A_21 = arith.extui %sign3A_20 : i1 to i32
    %sign3A_22 = arith.constant 0 : i32
    %sign3A_23 = arith.cmpi slt, %jit3A_12, %sign3A_22 : i32
    %sign3A_24 = arith.extui %sign3A_23 : i1 to i32
    %sign3A_25 = arith.subi %sign3A_21, %sign3A_24 : i32
    %ne3A_26 = arith.cmpi ne, %sign3A_18, %sign3A_25 : i32
    %rem3A_27 = arith.remsi %add3A, %jit3A_12 : i32
    %ne3A_28 = arith.constant 0 : i32
    %ne3A_29 = arith.cmpi ne, %rem3A_27, %ne3A_28 : i32
    %and3A_30 = arith.andi %ne3A_26, %ne3A_29 : i1
    %sub3A = arith.constant 1 : i32
    %sub3A_31 = arith.subi %div3A, %sub3A : i32
    %select_n3A_32 = arith.select %and3A_30, %sub3A_31, %div3A : i32
    %mul3A_33 = arith.constant 100 : i32
    %mul3A_34 = arith.muli %select_n3A_32, %mul3A_33 : i32
    "tpu.region"() ({
      %run_scoped3A = tpu.sem_alloc : memref<!tpu.dma_semaphore, #tpu.memory_space<semaphore_mem>>
      tpu.enqueue_dma source(%arg4 : memref<200x64xf32, #tpu.memory_space<hbm>>) target(%arg16 : memref<200x64xf32, #tpu.memory_space<vmem>>) target_semaphore(%run_scoped3A : memref<!tpu.dma_semaphore, #tpu.memory_space<semaphore_mem>>)
      tpu.wait_dma2 semaphore(%run_scoped3A : memref<!tpu.dma_semaphore, #tpu.memory_space<semaphore_mem>>) src(%arg4 : memref<200x64xf32, #tpu.memory_space<hbm>>) dst(%arg16 : memref<200x64xf32, #tpu.memory_space<vmem>>)
      tpu.yield
    }) : () -> ()
    %iota3A = tpu.iota {dimensions = array<i32: 0>} : vector<16xi32>
    %add3A_35 = arith.constant 0 : i32
    %add3A_36 = arith.addi %mul3A_34, %add3A_35 : i32
    "tpu.region"() ({
      %run_scoped3A = tpu.sem_alloc : memref<!tpu.dma_semaphore, #tpu.memory_space<semaphore_mem>>
      %dma_start3A_95 = tpu.memref_slice %arg3[%add3A_36, %mul3A_11] : memref<200x4096xi32, #tpu.memory_space<hbm>> -> memref<1x256xi32, #tpu.memory_space<hbm>>
      %dma_start3A_96 = tpu.memref_squeeze %dma_start3A_95 : memref<1x256xi32, #tpu.memory_space<hbm>> -> memref<256xi32, #tpu.memory_space<hbm>>
      %dma_start3A_97 = tpu.memref_slice %arg3[%add3A_36, %mul3A_11] : memref<200x4096xi32, #tpu.memory_space<hbm>> -> memref<1x256xi32, #tpu.memory_space<hbm>>
      %dma_start3A_98 = tpu.memref_squeeze %dma_start3A_97 : memref<1x256xi32, #tpu.memory_space<hbm>> -> memref<256xi32, #tpu.memory_space<hbm>>
      tpu.enqueue_dma source(%dma_start3A_98 : memref<256xi32, #tpu.memory_space<hbm>>) target(%arg6 : memref<256xi32, #tpu.memory_space<vmem>>) target_semaphore(%run_scoped3A : memref<!tpu.dma_semaphore, #tpu.memory_space<semaphore_mem>>)
      %dma_wait3A_99 = tpu.memref_slice %arg3[%add3A_36, %mul3A_11] : memref<200x4096xi32, #tpu.memory_space<hbm>> -> memref<1x256xi32, #tpu.memory_space<hbm>>
      %dma_wait3A_100 = tpu.memref_squeeze %dma_wait3A_99 : memref<1x256xi32, #tpu.memory_space<hbm>> -> memref<256xi32, #tpu.memory_space<hbm>>
      %dma_wait3A_101 = tpu.memref_slice %arg3[%add3A_36, %mul3A_11] : memref<200x4096xi32, #tpu.memory_space<hbm>> -> memref<1x256xi32, #tpu.memory_space<hbm>>
      %dma_wait3A_102 = tpu.memref_squeeze %dma_wait3A_101 : memref<1x256xi32, #tpu.memory_space<hbm>> -> memref<256xi32, #tpu.memory_space<hbm>>
      tpu.wait_dma2 semaphore(%run_scoped3A : memref<!tpu.dma_semaphore, #tpu.memory_space<semaphore_mem>>) src(%dma_wait3A_102 : memref<256xi32, #tpu.memory_space<hbm>>) dst(%arg6 : memref<256xi32, #tpu.memory_space<vmem>>)
      tpu.yield
    }) : () -> ()
    %dma_start3A = arith.constant 0 : i32
    %dma_start3A_37 = arith.constant 0 : i32
    %dma_start3A_38 = tpu.memref_slice %arg2[%dma_start3A, %dma_start3A_37] : memref<100000x64xf32, #tpu.memory_space<hbm>> -> memref<100000x64xf32, #tpu.memory_space<hbm>>
    tpu.enqueue_indirect_dma source(%dma_start3A_38 : memref<100000x64xf32, #tpu.memory_space<hbm>>) target(%arg10 : memref<256x64xf32, #tpu.memory_space<vmem>>) offsets(%arg6 : memref<256xi32, #tpu.memory_space<vmem>>) semaphore(%arg17 : memref<!tpu.dma_semaphore, #tpu.memory_space<semaphore_mem>>)
    %add3A_39 = arith.constant 1 : i32
    %add3A_40 = arith.addi %mul3A_34, %add3A_39 : i32
    "tpu.region"() ({
      %run_scoped3A = tpu.sem_alloc : memref<!tpu.dma_semaphore, #tpu.memory_space<semaphore_mem>>
      %dma_start3A_95 = tpu.memref_slice %arg3[%add3A_40, %mul3A_11] : memref<200x4096xi32, #tpu.memory_space<hbm>> -> memref<1x256xi32, #tpu.memory_space<hbm>>
      %dma_start3A_96 = tpu.memref_squeeze %dma_start3A_95 : memref<1x256xi32, #tpu.memory_space<hbm>> -> memref<256xi32, #tpu.memory_space<hbm>>
      %dma_start3A_97 = tpu.memref_slice %arg3[%add3A_40, %mul3A_11] : memref<200x4096xi32, #tpu.memory_space<hbm>> -> memref<1x256xi32, #tpu.memory_space<hbm>>
      %dma_start3A_98 = tpu.memref_squeeze %dma_start3A_97 : memref<1x256xi32, #tpu.memory_space<hbm>> -> memref<256xi32, #tpu.memory_space<hbm>>
      tpu.enqueue_dma source(%dma_start3A_98 : memref<256xi32, #tpu.memory_space<hbm>>) target(%arg7 : memref<256xi32, #tpu.memory_space<vmem>>) target_semaphore(%run_scoped3A : memref<!tpu.dma_semaphore, #tpu.memory_space<semaphore_mem>>)
      %dma_wait3A_99 = tpu.memref_slice %arg3[%add3A_40, %mul3A_11] : memref<200x4096xi32, #tpu.memory_space<hbm>> -> memref<1x256xi32, #tpu.memory_space<hbm>>
      %dma_wait3A_100 = tpu.memref_squeeze %dma_wait3A_99 : memref<1x256xi32, #tpu.memory_space<hbm>> -> memref<256xi32, #tpu.memory_space<hbm>>
      %dma_wait3A_101 = tpu.memref_slice %arg3[%add3A_40, %mul3A_11] : memref<200x4096xi32, #tpu.memory_space<hbm>> -> memref<1x256xi32, #tpu.memory_space<hbm>>
      %dma_wait3A_102 = tpu.memref_squeeze %dma_wait3A_101 : memref<1x256xi32, #tpu.memory_space<hbm>> -> memref<256xi32, #tpu.memory_space<hbm>>
      tpu.wait_dma2 semaphore(%run_scoped3A : memref<!tpu.dma_semaphore, #tpu.memory_space<semaphore_mem>>) src(%dma_wait3A_102 : memref<256xi32, #tpu.memory_space<hbm>>) dst(%arg7 : memref<256xi32, #tpu.memory_space<vmem>>)
      tpu.yield
    }) : () -> ()
    %dma_start3A_41 = arith.constant 0 : i32
    %dma_start3A_42 = arith.constant 0 : i32
    %dma_start3A_43 = tpu.memref_slice %arg2[%dma_start3A_41, %dma_start3A_42] : memref<100000x64xf32, #tpu.memory_space<hbm>> -> memref<100000x64xf32, #tpu.memory_space<hbm>>
    tpu.enqueue_indirect_dma source(%dma_start3A_43 : memref<100000x64xf32, #tpu.memory_space<hbm>>) target(%arg11 : memref<256x64xf32, #tpu.memory_space<vmem>>) offsets(%arg7 : memref<256xi32, #tpu.memory_space<vmem>>) semaphore(%arg18 : memref<!tpu.dma_semaphore, #tpu.memory_space<semaphore_mem>>)
    %add3A_44 = arith.constant 2 : i32
    %add3A_45 = arith.addi %mul3A_34, %add3A_44 : i32
    "tpu.region"() ({
      %run_scoped3A = tpu.sem_alloc : memref<!tpu.dma_semaphore, #tpu.memory_space<semaphore_mem>>
      %dma_start3A_95 = tpu.memref_slice %arg3[%add3A_45, %mul3A_11] : memref<200x4096xi32, #tpu.memory_space<hbm>> -> memref<1x256xi32, #tpu.memory_space<hbm>>
      %dma_start3A_96 = tpu.memref_squeeze %dma_start3A_95 : memref<1x256xi32, #tpu.memory_space<hbm>> -> memref<256xi32, #tpu.memory_space<hbm>>
      %dma_start3A_97 = tpu.memref_slice %arg3[%add3A_45, %mul3A_11] : memref<200x4096xi32, #tpu.memory_space<hbm>> -> memref<1x256xi32, #tpu.memory_space<hbm>>
      %dma_start3A_98 = tpu.memref_squeeze %dma_start3A_97 : memref<1x256xi32, #tpu.memory_space<hbm>> -> memref<256xi32, #tpu.memory_space<hbm>>
      tpu.enqueue_dma source(%dma_start3A_98 : memref<256xi32, #tpu.memory_space<hbm>>) target(%arg8 : memref<256xi32, #tpu.memory_space<vmem>>) target_semaphore(%run_scoped3A : memref<!tpu.dma_semaphore, #tpu.memory_space<semaphore_mem>>)
      %dma_wait3A_99 = tpu.memref_slice %arg3[%add3A_45, %mul3A_11] : memref<200x4096xi32, #tpu.memory_space<hbm>> -> memref<1x256xi32, #tpu.memory_space<hbm>>
      %dma_wait3A_100 = tpu.memref_squeeze %dma_wait3A_99 : memref<1x256xi32, #tpu.memory_space<hbm>> -> memref<256xi32, #tpu.memory_space<hbm>>
      %dma_wait3A_101 = tpu.memref_slice %arg3[%add3A_45, %mul3A_11] : memref<200x4096xi32, #tpu.memory_space<hbm>> -> memref<1x256xi32, #tpu.memory_space<hbm>>
      %dma_wait3A_102 = tpu.memref_squeeze %dma_wait3A_101 : memref<1x256xi32, #tpu.memory_space<hbm>> -> memref<256xi32, #tpu.memory_space<hbm>>
      tpu.wait_dma2 semaphore(%run_scoped3A : memref<!tpu.dma_semaphore, #tpu.memory_space<semaphore_mem>>) src(%dma_wait3A_102 : memref<256xi32, #tpu.memory_space<hbm>>) dst(%arg8 : memref<256xi32, #tpu.memory_space<vmem>>)
      tpu.yield
    }) : () -> ()
    %dma_start3A_46 = arith.constant 0 : i32
    %dma_start3A_47 = arith.constant 0 : i32
    %dma_start3A_48 = tpu.memref_slice %arg2[%dma_start3A_46, %dma_start3A_47] : memref<100000x64xf32, #tpu.memory_space<hbm>> -> memref<100000x64xf32, #tpu.memory_space<hbm>>
    tpu.enqueue_indirect_dma source(%dma_start3A_48 : memref<100000x64xf32, #tpu.memory_space<hbm>>) target(%arg12 : memref<256x64xf32, #tpu.memory_space<vmem>>) offsets(%arg8 : memref<256xi32, #tpu.memory_space<vmem>>) semaphore(%arg19 : memref<!tpu.dma_semaphore, #tpu.memory_space<semaphore_mem>>)
    %add3A_49 = arith.constant 3 : i32
    %add3A_50 = arith.addi %mul3A_34, %add3A_49 : i32
    "tpu.region"() ({
      %run_scoped3A = tpu.sem_alloc : memref<!tpu.dma_semaphore, #tpu.memory_space<semaphore_mem>>
      %dma_start3A_95 = tpu.memref_slice %arg3[%add3A_50, %mul3A_11] : memref<200x4096xi32, #tpu.memory_space<hbm>> -> memref<1x256xi32, #tpu.memory_space<hbm>>
      %dma_start3A_96 = tpu.memref_squeeze %dma_start3A_95 : memref<1x256xi32, #tpu.memory_space<hbm>> -> memref<256xi32, #tpu.memory_space<hbm>>
      %dma_start3A_97 = tpu.memref_slice %arg3[%add3A_50, %mul3A_11] : memref<200x4096xi32, #tpu.memory_space<hbm>> -> memref<1x256xi32, #tpu.memory_space<hbm>>
      %dma_start3A_98 = tpu.memref_squeeze %dma_start3A_97 : memref<1x256xi32, #tpu.memory_space<hbm>> -> memref<256xi32, #tpu.memory_space<hbm>>
      tpu.enqueue_dma source(%dma_start3A_98 : memref<256xi32, #tpu.memory_space<hbm>>) target(%arg9 : memref<256xi32, #tpu.memory_space<vmem>>) target_semaphore(%run_scoped3A : memref<!tpu.dma_semaphore, #tpu.memory_space<semaphore_mem>>)
      %dma_wait3A_99 = tpu.memref_slice %arg3[%add3A_50, %mul3A_11] : memref<200x4096xi32, #tpu.memory_space<hbm>> -> memref<1x256xi32, #tpu.memory_space<hbm>>
      %dma_wait3A_100 = tpu.memref_squeeze %dma_wait3A_99 : memref<1x256xi32, #tpu.memory_space<hbm>> -> memref<256xi32, #tpu.memory_space<hbm>>
      %dma_wait3A_101 = tpu.memref_slice %arg3[%add3A_50, %mul3A_11] : memref<200x4096xi32, #tpu.memory_space<hbm>> -> memref<1x256xi32, #tpu.memory_space<hbm>>
      %dma_wait3A_102 = tpu.memref_squeeze %dma_wait3A_101 : memref<1x256xi32, #tpu.memory_space<hbm>> -> memref<256xi32, #tpu.memory_space<hbm>>
      tpu.wait_dma2 semaphore(%run_scoped3A : memref<!tpu.dma_semaphore, #tpu.memory_space<semaphore_mem>>) src(%dma_wait3A_102 : memref<256xi32, #tpu.memory_space<hbm>>) dst(%arg9 : memref<256xi32, #tpu.memory_space<vmem>>)
      tpu.yield
    }) : () -> ()
    %dma_start3A_51 = arith.constant 0 : i32
    %dma_start3A_52 = arith.constant 0 : i32
    %dma_start3A_53 = tpu.memref_slice %arg2[%dma_start3A_51, %dma_start3A_52] : memref<100000x64xf32, #tpu.memory_space<hbm>> -> memref<100000x64xf32, #tpu.memory_space<hbm>>
    tpu.enqueue_indirect_dma source(%dma_start3A_53 : memref<100000x64xf32, #tpu.memory_space<hbm>>) target(%arg13 : memref<256x64xf32, #tpu.memory_space<vmem>>) offsets(%arg9 : memref<256xi32, #tpu.memory_space<vmem>>) semaphore(%arg20 : memref<!tpu.dma_semaphore, #tpu.memory_space<semaphore_mem>>)
    %scan3A = arith.constant 0 : i32
    %scan3A_54 = arith.constant 25 : i32
    %scan3A_55 = arith.addi %scan3A, %scan3A_54 : i32
    %scan3A_56 = arith.constant 1 : i32
    scf.for %scan3A_95 = %scan3A to %scan3A_55 step %scan3A_56  : i32 {
      %mul3A_96 = arith.constant 4 : i32
      %mul3A_97 = arith.muli %mul3A_96, %scan3A_95 : i32
      %add3A_98 = arith.addi %mul3A_34, %mul3A_97 : i32
      %add3A_99 = arith.constant 0 : i32
      %add3A_100 = arith.addi %add3A_98, %add3A_99 : i32
      %dma_wait3A_101 = arith.constant 0 : i32
      %dma_wait3A_102 = arith.constant 0 : i32
      %dma_wait3A_103 = tpu.memref_slice %arg2[%dma_wait3A_101, %dma_wait3A_102] : memref<100000x64xf32, #tpu.memory_space<hbm>> -> memref<100000x64xf32, #tpu.memory_space<hbm>>
      tpu.wait_indirect_dma semaphore(%arg17 : memref<!tpu.dma_semaphore, #tpu.memory_space<semaphore_mem>>) src(%dma_wait3A_103 : memref<100000x64xf32, #tpu.memory_space<hbm>>) dst(%arg10 : memref<256x64xf32, #tpu.memory_space<vmem>>)
      %add3A_104 = arith.constant 4 : i32
      %add3A_105 = arith.addi %add3A_100, %add3A_104 : i32
      %add3A_106 = arith.constant 100 : i32
      %add3A_107 = arith.addi %mul3A_34, %add3A_106 : i32
      %sub3A_108 = arith.constant 1 : i32
      %sub3A_109 = arith.subi %add3A_107, %sub3A_108 : i32
      %min3A = arith.minsi %add3A_105, %sub3A_109 : i32
      %dma_start3A_110 = tpu.memref_slice %arg3[%min3A, %mul3A_11] : memref<200x4096xi32, #tpu.memory_space<hbm>> -> memref<1x256xi32, #tpu.memory_space<hbm>>
      %dma_start3A_111 = tpu.memref_squeeze %dma_start3A_110 : memref<1x256xi32, #tpu.memory_space<hbm>> -> memref<256xi32, #tpu.memory_space<hbm>>
      %dma_start3A_112 = tpu.memref_slice %arg3[%min3A, %mul3A_11] : memref<200x4096xi32, #tpu.memory_space<hbm>> -> memref<1x256xi32, #tpu.memory_space<hbm>>
      %dma_start3A_113 = tpu.memref_squeeze %dma_start3A_112 : memref<1x256xi32, #tpu.memory_space<hbm>> -> memref<256xi32, #tpu.memory_space<hbm>>
      tpu.enqueue_dma source(%dma_start3A_113 : memref<256xi32, #tpu.memory_space<hbm>>) target(%arg6 : memref<256xi32, #tpu.memory_space<vmem>>) target_semaphore(%arg21 : memref<!tpu.dma_semaphore, #tpu.memory_space<semaphore_mem>>)
      %gt3A = arith.constant 0 : i32
      %gt3A_114 = arith.cmpi sgt, %scan3A_95, %gt3A : i32
      %convert_element_type3A = arith.extui %gt3A_114 : i1 to i32
      %cond3A = arith.constant 0 : i32
      %cond3A_115 = arith.cmpi ne, %convert_element_type3A, %cond3A : i32
      scf.if %cond3A_115 {
        %dma_wait3A_406 = arith.constant 0 : i32
        %dma_wait3A_407 = arith.constant 0 : i32
        %dma_wait3A_408 = arith.constant 0 : i32
        %dma_wait3A_409 = tpu.memref_slice %arg14[%dma_wait3A_407, %dma_wait3A_408] : memref<64x257xf32, #tpu.memory_space<vmem>> -> memref<64x256xf32, #tpu.memory_space<vmem>>
        %dma_wait3A_410 = arith.constant 0 : i32
        %dma_wait3A_411 = tpu.memref_slice %arg5[%dma_wait3A_406, %dma_wait3A_410, %mul3A_11] : memref<200x64x4096xf32, #tpu.memory_space<hbm>> -> memref<1x64x256xf32, #tpu.memory_space<hbm>>
        %dma_wait3A_412 = tpu.memref_squeeze %dma_wait3A_411 : memref<1x64x256xf32, #tpu.memory_space<hbm>> -> memref<64x256xf32, #tpu.memory_space<hbm>>
        %dma_wait3A_413 = arith.constant 0 : i32
        %dma_wait3A_414 = tpu.memref_slice %arg5[%dma_wait3A_406, %dma_wait3A_413, %mul3A_11] : memref<200x64x4096xf32, #tpu.memory_space<hbm>> -> memref<1x64x256xf32, #tpu.memory_space<hbm>>
        %dma_wait3A_415 = tpu.memref_squeeze %dma_wait3A_414 : memref<1x64x256xf32, #tpu.memory_space<hbm>> -> memref<64x256xf32, #tpu.memory_space<hbm>>
        %dma_wait3A_416 = arith.constant 0 : i32
        %dma_wait3A_417 = arith.constant 0 : i32
        %dma_wait3A_418 = tpu.memref_slice %arg14[%dma_wait3A_416, %dma_wait3A_417] : memref<64x257xf32, #tpu.memory_space<vmem>> -> memref<64x256xf32, #tpu.memory_space<vmem>>
        tpu.wait_dma2 semaphore(%arg25 : memref<!tpu.dma_semaphore, #tpu.memory_space<semaphore_mem>>) src(%dma_wait3A_418 : memref<64x256xf32, #tpu.memory_space<vmem>>) dst(%dma_wait3A_415 : memref<64x256xf32, #tpu.memory_space<hbm>>)
      } else {
      }
      %get3A = arith.index_cast %add3A_100 : i32 to index
      %get3A_116 = arith.constant 0 : index
      %get3A_117 = tpu.vector_load %arg16[%get3A, %get3A_116] {strides = array<i32>} : memref<200x64xf32, #tpu.memory_space<vmem>>, vector<16xf32>,
      %get3A_118 = arith.index_cast %add3A_100 : i32 to index
      %get3A_119 = arith.constant 16 : index
      %get3A_120 = tpu.vector_load %arg16[%get3A_118, %get3A_119] {strides = array<i32>} : memref<200x64xf32, #tpu.memory_space<vmem>>, vector<16xf32>,
      %get3A_121 = arith.index_cast %add3A_100 : i32 to index
      %get3A_122 = arith.constant 32 : index
      %get3A_123 = tpu.vector_load %arg16[%get3A_121, %get3A_122] {strides = array<i32>} : memref<200x64xf32, #tpu.memory_space<vmem>>, vector<16xf32>,
      %get3A_124 = arith.index_cast %add3A_100 : i32 to index
      %get3A_125 = arith.constant 48 : index
      %get3A_126 = tpu.vector_load %arg16[%get3A_124, %get3A_125] {strides = array<i32>} : memref<200x64xf32, #tpu.memory_space<vmem>>, vector<16xf32>,
      %add3A_127 = arith.constant 0 : i32
      %add3A_128 = vector.broadcast %add3A_127 : i32 to vector<16xi32>
      %add3A_129 = arith.addi %iota3A, %add3A_128 : vector<16xi32>
      %add3A_130 = arith.constant 16 : i32
      %add3A_131 = vector.broadcast %add3A_130 : i32 to vector<16xi32>
      %add3A_132 = arith.addi %iota3A, %add3A_131 : vector<16xi32>
      %add3A_133 = arith.constant 32 : i32
      %add3A_134 = vector.broadcast %add3A_133 : i32 to vector<16xi32>
      %add3A_135 = arith.addi %iota3A, %add3A_134 : vector<16xi32>
      %add3A_136 = arith.constant 48 : i32
      %add3A_137 = vector.broadcast %add3A_136 : i32 to vector<16xi32>
      %add3A_138 = arith.addi %iota3A, %add3A_137 : vector<16xi32>
      %mul3A_139 = arith.constant 0 : i32
      %mul3A_140 = vector.broadcast %mul3A_139 : i32 to vector<16xi32>
      %mul3A_141 = arith.muli %iota3A, %mul3A_140 : vector<16xi32>
      %parallel_loop3A = arith.constant 0 : i32
      %parallel_loop3A_142 = arith.constant 256 : i32
      %parallel_loop3A_143 = arith.constant 1 : i32
      %parallel_loop3A_144 = scf.for %parallel_loop3A_406 = %parallel_loop3A to %parallel_loop3A_142 step %parallel_loop3A_143 iter_args(%parallel_loop3A_407 = %mul3A_141) -> (vector<16xi32>)  : i32 {
        %parallel_loop3A_408 = arith.index_cast %parallel_loop3A_406 : i32 to index
        %parallel_loop3A_409 = arith.constant 0 : index
        %parallel_loop3A_410 = tpu.vector_load %arg10[%parallel_loop3A_408, %parallel_loop3A_409] {strides = array<i32>} : memref<256x64xf32, #tpu.memory_space<vmem>>, vector<16xf32>,
        %parallel_loop3A_411 = arith.addf %parallel_loop3A_410, %get3A_117 : vector<16xf32>
        tpu.vector_store_idx %arg14[%add3A_129, %parallel_loop3A_407], %parallel_loop3A_411 : memref<64x257xf32, #tpu.memory_space<vmem>>[vector<16xi32>, vector<16xi32>], vector<16xf32>,
        %parallel_loop3A_412 = arith.index_cast %parallel_loop3A_406 : i32 to index
        %parallel_loop3A_413 = arith.constant 16 : index
        %parallel_loop3A_414 = tpu.vector_load %arg10[%parallel_loop3A_412, %parallel_loop3A_413] {strides = array<i32>} : memref<256x64xf32, #tpu.memory_space<vmem>>, vector<16xf32>,
        %parallel_loop3A_415 = arith.addf %parallel_loop3A_414, %get3A_120 : vector<16xf32>
        tpu.vector_store_idx %arg14[%add3A_132, %parallel_loop3A_407], %parallel_loop3A_415 : memref<64x257xf32, #tpu.memory_space<vmem>>[vector<16xi32>, vector<16xi32>], vector<16xf32>,
        %parallel_loop3A_416 = arith.index_cast %parallel_loop3A_406 : i32 to index
        %parallel_loop3A_417 = arith.constant 32 : index
        %parallel_loop3A_418 = tpu.vector_load %arg10[%parallel_loop3A_416, %parallel_loop3A_417] {strides = array<i32>} : memref<256x64xf32, #tpu.memory_space<vmem>>, vector<16xf32>,
        %parallel_loop3A_419 = arith.addf %parallel_loop3A_418, %get3A_123 : vector<16xf32>
        tpu.vector_store_idx %arg14[%add3A_135, %parallel_loop3A_407], %parallel_loop3A_419 : memref<64x257xf32, #tpu.memory_space<vmem>>[vector<16xi32>, vector<16xi32>], vector<16xf32>,
        %parallel_loop3A_420 = arith.index_cast %parallel_loop3A_406 : i32 to index
        %parallel_loop3A_421 = arith.constant 48 : index
        %parallel_loop3A_422 = tpu.vector_load %arg10[%parallel_loop3A_420, %parallel_loop3A_421] {strides = array<i32>} : memref<256x64xf32, #tpu.memory_space<vmem>>, vector<16xf32>,
        %parallel_loop3A_423 = arith.addf %parallel_loop3A_422, %get3A_126 : vector<16xf32>
        tpu.vector_store_idx %arg14[%add3A_138, %parallel_loop3A_407], %parallel_loop3A_423 : memref<64x257xf32, #tpu.memory_space<vmem>>[vector<16xi32>, vector<16xi32>], vector<16xf32>,
        %parallel_loop3A_424 = arith.constant 1 : i32
        %parallel_loop3A_425 = vector.broadcast %parallel_loop3A_424 : i32 to vector<16xi32>
        %parallel_loop3A_426 = arith.addi %parallel_loop3A_407, %parallel_loop3A_425 : vector<16xi32>
        scf.yield %parallel_loop3A_426 : vector<16xi32>
      } {sc.loop_unroll_factor = 16 : i64, sc.parallel_access}
      %dma_wait3A_145 = arith.constant 0 : i32
      %dma_wait3A_146 = tpu.memref_slice %arg3[%dma_wait3A_145, %mul3A_11] : memref<200x4096xi32, #tpu.memory_space<hbm>> -> memref<1x256xi32, #tpu.memory_space<hbm>>
      %dma_wait3A_147 = tpu.memref_squeeze %dma_wait3A_146 : memref<1x256xi32, #tpu.memory_space<hbm>> -> memref<256xi32, #tpu.memory_space<hbm>>
      %dma_wait3A_148 = tpu.memref_slice %arg3[%dma_wait3A_145, %mul3A_11] : memref<200x4096xi32, #tpu.memory_space<hbm>> -> memref<1x256xi32, #tpu.memory_space<hbm>>
      %dma_wait3A_149 = tpu.memref_squeeze %dma_wait3A_148 : memref<1x256xi32, #tpu.memory_space<hbm>> -> memref<256xi32, #tpu.memory_space<hbm>>
      tpu.wait_dma2 semaphore(%arg21 : memref<!tpu.dma_semaphore, #tpu.memory_space<semaphore_mem>>) src(%dma_wait3A_149 : memref<256xi32, #tpu.memory_space<hbm>>) dst(%arg6 : memref<256xi32, #tpu.memory_space<vmem>>)
      %dma_start3A_150 = arith.constant 0 : i32
      %dma_start3A_151 = arith.constant 0 : i32
      %dma_start3A_152 = tpu.memref_slice %arg2[%dma_start3A_150, %dma_start3A_151] : memref<100000x64xf32, #tpu.memory_space<hbm>> -> memref<100000x64xf32, #tpu.memory_space<hbm>>
      tpu.enqueue_indirect_dma source(%dma_start3A_152 : memref<100000x64xf32, #tpu.memory_space<hbm>>) target(%arg10 : memref<256x64xf32, #tpu.memory_space<vmem>>) offsets(%arg6 : memref<256xi32, #tpu.memory_space<vmem>>) semaphore(%arg17 : memref<!tpu.dma_semaphore, #tpu.memory_space<semaphore_mem>>)
      %dma_start3A_153 = arith.constant 0 : i32
      %dma_start3A_154 = arith.constant 0 : i32
      %dma_start3A_155 = tpu.memref_slice %arg14[%dma_start3A_153, %dma_start3A_154] : memref<64x257xf32, #tpu.memory_space<vmem>> -> memref<64x256xf32, #tpu.memory_space<vmem>>
      %dma_start3A_156 = arith.constant 0 : i32
      %dma_start3A_157 = tpu.memref_slice %arg5[%add3A_100, %dma_start3A_156, %mul3A_11] : memref<200x64x4096xf32, #tpu.memory_space<hbm>> -> memref<1x64x256xf32, #tpu.memory_space<hbm>>
      %dma_start3A_158 = tpu.memref_squeeze %dma_start3A_157 : memref<1x64x256xf32, #tpu.memory_space<hbm>> -> memref<64x256xf32, #tpu.memory_space<hbm>>
      %dma_start3A_159 = arith.constant 0 : i32
      %dma_start3A_160 = tpu.memref_slice %arg5[%add3A_100, %dma_start3A_159, %mul3A_11] : memref<200x64x4096xf32, #tpu.memory_space<hbm>> -> memref<1x64x256xf32, #tpu.memory_space<hbm>>
      %dma_start3A_161 = tpu.memref_squeeze %dma_start3A_160 : memref<1x64x256xf32, #tpu.memory_space<hbm>> -> memref<64x256xf32, #tpu.memory_space<hbm>>
      %dma_start3A_162 = arith.constant 0 : i32
      %dma_start3A_163 = arith.constant 0 : i32
      %dma_start3A_164 = tpu.memref_slice %arg14[%dma_start3A_162, %dma_start3A_163] : memref<64x257xf32, #tpu.memory_space<vmem>> -> memref<64x256xf32, #tpu.memory_space<vmem>>
      tpu.enqueue_dma source(%dma_start3A_164 : memref<64x256xf32, #tpu.memory_space<vmem>>) target(%dma_start3A_161 : memref<64x256xf32, #tpu.memory_space<hbm>>) target_semaphore(%arg25 : memref<!tpu.dma_semaphore, #tpu.memory_space<semaphore_mem>>)
      %mul3A_165 = arith.constant 4 : i32
      %mul3A_166 = arith.muli %mul3A_165, %scan3A_95 : i32
      %add3A_167 = arith.addi %mul3A_34, %mul3A_166 : i32
      %add3A_168 = arith.constant 1 : i32
      %add3A_169 = arith.addi %add3A_167, %add3A_168 : i32
      %dma_wait3A_170 = arith.constant 0 : i32
      %dma_wait3A_171 = arith.constant 0 : i32
      %dma_wait3A_172 = tpu.memref_slice %arg2[%dma_wait3A_170, %dma_wait3A_171] : memref<100000x64xf32, #tpu.memory_space<hbm>> -> memref<100000x64xf32, #tpu.memory_space<hbm>>
      tpu.wait_indirect_dma semaphore(%arg18 : memref<!tpu.dma_semaphore, #tpu.memory_space<semaphore_mem>>) src(%dma_wait3A_172 : memref<100000x64xf32, #tpu.memory_space<hbm>>) dst(%arg11 : memref<256x64xf32, #tpu.memory_space<vmem>>)
      %add3A_173 = arith.constant 4 : i32
      %add3A_174 = arith.addi %add3A_169, %add3A_173 : i32
      %add3A_175 = arith.constant 100 : i32
      %add3A_176 = arith.addi %mul3A_34, %add3A_175 : i32
      %sub3A_177 = arith.constant 1 : i32
      %sub3A_178 = arith.subi %add3A_176, %sub3A_177 : i32
      %min3A_179 = arith.minsi %add3A_174, %sub3A_178 : i32
      %dma_start3A_180 = tpu.memref_slice %arg3[%min3A_179, %mul3A_11] : memref<200x4096xi32, #tpu.memory_space<hbm>> -> memref<1x256xi32, #tpu.memory_space<hbm>>
      %dma_start3A_181 = tpu.memref_squeeze %dma_start3A_180 : memref<1x256xi32, #tpu.memory_space<hbm>> -> memref<256xi32, #tpu.memory_space<hbm>>
      %dma_start3A_182 = tpu.memref_slice %arg3[%min3A_179, %mul3A_11] : memref<200x4096xi32, #tpu.memory_space<hbm>> -> memref<1x256xi32, #tpu.memory_space<hbm>>
      %dma_start3A_183 = tpu.memref_squeeze %dma_start3A_182 : memref<1x256xi32, #tpu.memory_space<hbm>> -> memref<256xi32, #tpu.memory_space<hbm>>
      tpu.enqueue_dma source(%dma_start3A_183 : memref<256xi32, #tpu.memory_space<hbm>>) target(%arg7 : memref<256xi32, #tpu.memory_space<vmem>>) target_semaphore(%arg22 : memref<!tpu.dma_semaphore, #tpu.memory_space<semaphore_mem>>)
      %gt3A_184 = arith.constant 0 : i32
      %gt3A_185 = arith.cmpi sgt, %scan3A_95, %gt3A_184 : i32
      %convert_element_type3A_186 = arith.extui %gt3A_185 : i1 to i32
      %cond3A_187 = arith.constant 0 : i32
      %cond3A_188 = arith.cmpi ne, %convert_element_type3A_186, %cond3A_187 : i32
      scf.if %cond3A_188 {
        %dma_wait3A_406 = arith.constant 0 : i32
        %dma_wait3A_407 = arith.constant 0 : i32
        %dma_wait3A_408 = arith.constant 0 : i32
        %dma_wait3A_409 = tpu.memref_slice %arg15[%dma_wait3A_407, %dma_wait3A_408] : memref<64x257xf32, #tpu.memory_space<vmem>> -> memref<64x256xf32, #tpu.memory_space<vmem>>
        %dma_wait3A_410 = arith.constant 0 : i32
        %dma_wait3A_411 = tpu.memref_slice %arg5[%dma_wait3A_406, %dma_wait3A_410, %mul3A_11] : memref<200x64x4096xf32, #tpu.memory_space<hbm>> -> memref<1x64x256xf32, #tpu.memory_space<hbm>>
        %dma_wait3A_412 = tpu.memref_squeeze %dma_wait3A_411 : memref<1x64x256xf32, #tpu.memory_space<hbm>> -> memref<64x256xf32, #tpu.memory_space<hbm>>
        %dma_wait3A_413 = arith.constant 0 : i32
        %dma_wait3A_414 = tpu.memref_slice %arg5[%dma_wait3A_406, %dma_wait3A_413, %mul3A_11] : memref<200x64x4096xf32, #tpu.memory_space<hbm>> -> memref<1x64x256xf32, #tpu.memory_space<hbm>>
        %dma_wait3A_415 = tpu.memref_squeeze %dma_wait3A_414 : memref<1x64x256xf32, #tpu.memory_space<hbm>> -> memref<64x256xf32, #tpu.memory_space<hbm>>
        %dma_wait3A_416 = arith.constant 0 : i32
        %dma_wait3A_417 = arith.constant 0 : i32
        %dma_wait3A_418 = tpu.memref_slice %arg15[%dma_wait3A_416, %dma_wait3A_417] : memref<64x257xf32, #tpu.memory_space<vmem>> -> memref<64x256xf32, #tpu.memory_space<vmem>>
        tpu.wait_dma2 semaphore(%arg26 : memref<!tpu.dma_semaphore, #tpu.memory_space<semaphore_mem>>) src(%dma_wait3A_418 : memref<64x256xf32, #tpu.memory_space<vmem>>) dst(%dma_wait3A_415 : memref<64x256xf32, #tpu.memory_space<hbm>>)
      } else {
      }
      %get3A_189 = arith.index_cast %add3A_169 : i32 to index
      %get3A_190 = arith.constant 0 : index
      %get3A_191 = tpu.vector_load %arg16[%get3A_189, %get3A_190] {strides = array<i32>} : memref<200x64xf32, #tpu.memory_space<vmem>>, vector<16xf32>,
      %get3A_192 = arith.index_cast %add3A_169 : i32 to index
      %get3A_193 = arith.constant 16 : index
      %get3A_194 = tpu.vector_load %arg16[%get3A_192, %get3A_193] {strides = array<i32>} : memref<200x64xf32, #tpu.memory_space<vmem>>, vector<16xf32>,
      %get3A_195 = arith.index_cast %add3A_169 : i32 to index
      %get3A_196 = arith.constant 32 : index
      %get3A_197 = tpu.vector_load %arg16[%get3A_195, %get3A_196] {strides = array<i32>} : memref<200x64xf32, #tpu.memory_space<vmem>>, vector<16xf32>,
      %get3A_198 = arith.index_cast %add3A_169 : i32 to index
      %get3A_199 = arith.constant 48 : index
      %get3A_200 = tpu.vector_load %arg16[%get3A_198, %get3A_199] {strides = array<i32>} : memref<200x64xf32, #tpu.memory_space<vmem>>, vector<16xf32>,
      %add3A_201 = arith.constant 0 : i32
      %add3A_202 = vector.broadcast %add3A_201 : i32 to vector<16xi32>
      %add3A_203 = arith.addi %iota3A, %add3A_202 : vector<16xi32>
      %add3A_204 = arith.constant 16 : i32
      %add3A_205 = vector.broadcast %add3A_204 : i32 to vector<16xi32>
      %add3A_206 = arith.addi %iota3A, %add3A_205 : vector<16xi32>
      %add3A_207 = arith.constant 32 : i32
      %add3A_208 = vector.broadcast %add3A_207 : i32 to vector<16xi32>
      %add3A_209 = arith.addi %iota3A, %add3A_208 : vector<16xi32>
      %add3A_210 = arith.constant 48 : i32
      %add3A_211 = vector.broadcast %add3A_210 : i32 to vector<16xi32>
      %add3A_212 = arith.addi %iota3A, %add3A_211 : vector<16xi32>
      %mul3A_213 = arith.constant 0 : i32
      %mul3A_214 = vector.broadcast %mul3A_213 : i32 to vector<16xi32>
      %mul3A_215 = arith.muli %iota3A, %mul3A_214 : vector<16xi32>
      %parallel_loop3A_216 = arith.constant 0 : i32
      %parallel_loop3A_217 = arith.constant 256 : i32
      %parallel_loop3A_218 = arith.constant 1 : i32
      %parallel_loop3A_219 = scf.for %parallel_loop3A_406 = %parallel_loop3A_216 to %parallel_loop3A_217 step %parallel_loop3A_218 iter_args(%parallel_loop3A_407 = %mul3A_215) -> (vector<16xi32>)  : i32 {
        %parallel_loop3A_408 = arith.index_cast %parallel_loop3A_406 : i32 to index
        %parallel_loop3A_409 = arith.constant 0 : index
        %parallel_loop3A_410 = tpu.vector_load %arg11[%parallel_loop3A_408, %parallel_loop3A_409] {strides = array<i32>} : memref<256x64xf32, #tpu.memory_space<vmem>>, vector<16xf32>,
        %parallel_loop3A_411 = arith.addf %parallel_loop3A_410, %get3A_191 : vector<16xf32>
        tpu.vector_store_idx %arg15[%add3A_203, %parallel_loop3A_407], %parallel_loop3A_411 : memref<64x257xf32, #tpu.memory_space<vmem>>[vector<16xi32>, vector<16xi32>], vector<16xf32>,
        %parallel_loop3A_412 = arith.index_cast %parallel_loop3A_406 : i32 to index
        %parallel_loop3A_413 = arith.constant 16 : index
        %parallel_loop3A_414 = tpu.vector_load %arg11[%parallel_loop3A_412, %parallel_loop3A_413] {strides = array<i32>} : memref<256x64xf32, #tpu.memory_space<vmem>>, vector<16xf32>,
        %parallel_loop3A_415 = arith.addf %parallel_loop3A_414, %get3A_194 : vector<16xf32>
        tpu.vector_store_idx %arg15[%add3A_206, %parallel_loop3A_407], %parallel_loop3A_415 : memref<64x257xf32, #tpu.memory_space<vmem>>[vector<16xi32>, vector<16xi32>], vector<16xf32>,
        %parallel_loop3A_416 = arith.index_cast %parallel_loop3A_406 : i32 to index
        %parallel_loop3A_417 = arith.constant 32 : index
        %parallel_loop3A_418 = tpu.vector_load %arg11[%parallel_loop3A_416, %parallel_loop3A_417] {strides = array<i32>} : memref<256x64xf32, #tpu.memory_space<vmem>>, vector<16xf32>,
        %parallel_loop3A_419 = arith.addf %parallel_loop3A_418, %get3A_197 : vector<16xf32>
        tpu.vector_store_idx %arg15[%add3A_209, %parallel_loop3A_407], %parallel_loop3A_419 : memref<64x257xf32, #tpu.memory_space<vmem>>[vector<16xi32>, vector<16xi32>], vector<16xf32>,
        %parallel_loop3A_420 = arith.index_cast %parallel_loop3A_406 : i32 to index
        %parallel_loop3A_421 = arith.constant 48 : index
        %parallel_loop3A_422 = tpu.vector_load %arg11[%parallel_loop3A_420, %parallel_loop3A_421] {strides = array<i32>} : memref<256x64xf32, #tpu.memory_space<vmem>>, vector<16xf32>,
        %parallel_loop3A_423 = arith.addf %parallel_loop3A_422, %get3A_200 : vector<16xf32>
        tpu.vector_store_idx %arg15[%add3A_212, %parallel_loop3A_407], %parallel_loop3A_423 : memref<64x257xf32, #tpu.memory_space<vmem>>[vector<16xi32>, vector<16xi32>], vector<16xf32>,
        %parallel_loop3A_424 = arith.constant 1 : i32
        %parallel_loop3A_425 = vector.broadcast %parallel_loop3A_424 : i32 to vector<16xi32>
        %parallel_loop3A_426 = arith.addi %parallel_loop3A_407, %parallel_loop3A_425 : vector<16xi32>
        scf.yield %parallel_loop3A_426 : vector<16xi32>
      } {sc.loop_unroll_factor = 16 : i64, sc.parallel_access}
      %dma_wait3A_220 = arith.constant 0 : i32
      %dma_wait3A_221 = tpu.memref_slice %arg3[%dma_wait3A_220, %mul3A_11] : memref<200x4096xi32, #tpu.memory_space<hbm>> -> memref<1x256xi32, #tpu.memory_space<hbm>>
      %dma_wait3A_222 = tpu.memref_squeeze %dma_wait3A_221 : memref<1x256xi32, #tpu.memory_space<hbm>> -> memref<256xi32, #tpu.memory_space<hbm>>
      %dma_wait3A_223 = tpu.memref_slice %arg3[%dma_wait3A_220, %mul3A_11] : memref<200x4096xi32, #tpu.memory_space<hbm>> -> memref<1x256xi32, #tpu.memory_space<hbm>>
      %dma_wait3A_224 = tpu.memref_squeeze %dma_wait3A_223 : memref<1x256xi32, #tpu.memory_space<hbm>> -> memref<256xi32, #tpu.memory_space<hbm>>
      tpu.wait_dma2 semaphore(%arg22 : memref<!tpu.dma_semaphore, #tpu.memory_space<semaphore_mem>>) src(%dma_wait3A_224 : memref<256xi32, #tpu.memory_space<hbm>>) dst(%arg7 : memref<256xi32, #tpu.memory_space<vmem>>)
      %dma_start3A_225 = arith.constant 0 : i32
      %dma_start3A_226 = arith.constant 0 : i32
      %dma_start3A_227 = tpu.memref_slice %arg2[%dma_start3A_225, %dma_start3A_226] : memref<100000x64xf32, #tpu.memory_space<hbm>> -> memref<100000x64xf32, #tpu.memory_space<hbm>>
      tpu.enqueue_indirect_dma source(%dma_start3A_227 : memref<100000x64xf32, #tpu.memory_space<hbm>>) target(%arg11 : memref<256x64xf32, #tpu.memory_space<vmem>>) offsets(%arg7 : memref<256xi32, #tpu.memory_space<vmem>>) semaphore(%arg18 : memref<!tpu.dma_semaphore, #tpu.memory_space<semaphore_mem>>)
      %dma_start3A_228 = arith.constant 0 : i32
      %dma_start3A_229 = arith.constant 0 : i32
      %dma_start3A_230 = tpu.memref_slice %arg15[%dma_start3A_228, %dma_start3A_229] : memref<64x257xf32, #tpu.memory_space<vmem>> -> memref<64x256xf32, #tpu.memory_space<vmem>>
      %dma_start3A_231 = arith.constant 0 : i32
      %dma_start3A_232 = tpu.memref_slice %arg5[%add3A_169, %dma_start3A_231, %mul3A_11] : memref<200x64x4096xf32, #tpu.memory_space<hbm>> -> memref<1x64x256xf32, #tpu.memory_space<hbm>>
      %dma_start3A_233 = tpu.memref_squeeze %dma_start3A_232 : memref<1x64x256xf32, #tpu.memory_space<hbm>> -> memref<64x256xf32, #tpu.memory_space<hbm>>
      %dma_start3A_234 = arith.constant 0 : i32
      %dma_start3A_235 = tpu.memref_slice %arg5[%add3A_169, %dma_start3A_234, %mul3A_11] : memref<200x64x4096xf32, #tpu.memory_space<hbm>> -> memref<1x64x256xf32, #tpu.memory_space<hbm>>
      %dma_start3A_236 = tpu.memref_squeeze %dma_start3A_235 : memref<1x64x256xf32, #tpu.memory_space<hbm>> -> memref<64x256xf32, #tpu.memory_space<hbm>>
      %dma_start3A_237 = arith.constant 0 : i32
      %dma_start3A_238 = arith.constant 0 : i32
      %dma_start3A_239 = tpu.memref_slice %arg15[%dma_start3A_237, %dma_start3A_238] : memref<64x257xf32, #tpu.memory_space<vmem>> -> memref<64x256xf32, #tpu.memory_space<vmem>>
      tpu.enqueue_dma source(%dma_start3A_239 : memref<64x256xf32, #tpu.memory_space<vmem>>) target(%dma_start3A_236 : memref<64x256xf32, #tpu.memory_space<hbm>>) target_semaphore(%arg26 : memref<!tpu.dma_semaphore, #tpu.memory_space<semaphore_mem>>)
      %mul3A_240 = arith.constant 4 : i32
      %mul3A_241 = arith.muli %mul3A_240, %scan3A_95 : i32
      %add3A_242 = arith.addi %mul3A_34, %mul3A_241 : i32
      %add3A_243 = arith.constant 2 : i32
      %add3A_244 = arith.addi %add3A_242, %add3A_243 : i32
      %dma_wait3A_245 = arith.constant 0 : i32
      %dma_wait3A_246 = arith.constant 0 : i32
      %dma_wait3A_247 = tpu.memref_slice %arg2[%dma_wait3A_245, %dma_wait3A_246] : memref<100000x64xf32, #tpu.memory_space<hbm>> -> memref<100000x64xf32, #tpu.memory_space<hbm>>
      tpu.wait_indirect_dma semaphore(%arg19 : memref<!tpu.dma_semaphore, #tpu.memory_space<semaphore_mem>>) src(%dma_wait3A_247 : memref<100000x64xf32, #tpu.memory_space<hbm>>) dst(%arg12 : memref<256x64xf32, #tpu.memory_space<vmem>>)
      %add3A_248 = arith.constant 4 : i32
      %add3A_249 = arith.addi %add3A_244, %add3A_248 : i32
      %add3A_250 = arith.constant 100 : i32
      %add3A_251 = arith.addi %mul3A_34, %add3A_250 : i32
      %sub3A_252 = arith.constant 1 : i32
      %sub3A_253 = arith.subi %add3A_251, %sub3A_252 : i32
      %min3A_254 = arith.minsi %add3A_249, %sub3A_253 : i32
      %dma_start3A_255 = tpu.memref_slice %arg3[%min3A_254, %mul3A_11] : memref<200x4096xi32, #tpu.memory_space<hbm>> -> memref<1x256xi32, #tpu.memory_space<hbm>>
      %dma_start3A_256 = tpu.memref_squeeze %dma_start3A_255 : memref<1x256xi32, #tpu.memory_space<hbm>> -> memref<256xi32, #tpu.memory_space<hbm>>
      %dma_start3A_257 = tpu.memref_slice %arg3[%min3A_254, %mul3A_11] : memref<200x4096xi32, #tpu.memory_space<hbm>> -> memref<1x256xi32, #tpu.memory_space<hbm>>
      %dma_start3A_258 = tpu.memref_squeeze %dma_start3A_257 : memref<1x256xi32, #tpu.memory_space<hbm>> -> memref<256xi32, #tpu.memory_space<hbm>>
      tpu.enqueue_dma source(%dma_start3A_258 : memref<256xi32, #tpu.memory_space<hbm>>) target(%arg8 : memref<256xi32, #tpu.memory_space<vmem>>) target_semaphore(%arg23 : memref<!tpu.dma_semaphore, #tpu.memory_space<semaphore_mem>>)
      %dma_wait3A_259 = arith.constant 0 : i32
      %dma_wait3A_260 = arith.constant 0 : i32
      %dma_wait3A_261 = arith.constant 0 : i32
      %dma_wait3A_262 = tpu.memref_slice %arg14[%dma_wait3A_260, %dma_wait3A_261] : memref<64x257xf32, #tpu.memory_space<vmem>> -> memref<64x256xf32, #tpu.memory_space<vmem>>
      %dma_wait3A_263 = arith.constant 0 : i32
      %dma_wait3A_264 = tpu.memref_slice %arg5[%dma_wait3A_259, %dma_wait3A_263, %mul3A_11] : memref<200x64x4096xf32, #tpu.memory_space<hbm>> -> memref<1x64x256xf32, #tpu.memory_space<hbm>>
      %dma_wait3A_265 = tpu.memref_squeeze %dma_wait3A_264 : memref<1x64x256xf32, #tpu.memory_space<hbm>> -> memref<64x256xf32, #tpu.memory_space<hbm>>
      %dma_wait3A_266 = arith.constant 0 : i32
      %dma_wait3A_267 = tpu.memref_slice %arg5[%dma_wait3A_259, %dma_wait3A_266, %mul3A_11] : memref<200x64x4096xf32, #tpu.memory_space<hbm>> -> memref<1x64x256xf32, #tpu.memory_space<hbm>>
      %dma_wait3A_268 = tpu.memref_squeeze %dma_wait3A_267 : memref<1x64x256xf32, #tpu.memory_space<hbm>> -> memref<64x256xf32, #tpu.memory_space<hbm>>
      %dma_wait3A_269 = arith.constant 0 : i32
      %dma_wait3A_270 = arith.constant 0 : i32
      %dma_wait3A_271 = tpu.memref_slice %arg14[%dma_wait3A_269, %dma_wait3A_270] : memref<64x257xf32, #tpu.memory_space<vmem>> -> memref<64x256xf32, #tpu.memory_space<vmem>>
      tpu.wait_dma2 semaphore(%arg25 : memref<!tpu.dma_semaphore, #tpu.memory_space<semaphore_mem>>) src(%dma_wait3A_271 : memref<64x256xf32, #tpu.memory_space<vmem>>) dst(%dma_wait3A_268 : memref<64x256xf32, #tpu.memory_space<hbm>>)
      %get3A_272 = arith.index_cast %add3A_244 : i32 to index
      %get3A_273 = arith.constant 0 : index
      %get3A_274 = tpu.vector_load %arg16[%get3A_272, %get3A_273] {strides = array<i32>} : memref<200x64xf32, #tpu.memory_space<vmem>>, vector<16xf32>,
      %get3A_275 = arith.index_cast %add3A_244 : i32 to index
      %get3A_276 = arith.constant 16 : index
      %get3A_277 = tpu.vector_load %arg16[%get3A_275, %get3A_276] {strides = array<i32>} : memref<200x64xf32, #tpu.memory_space<vmem>>, vector<16xf32>,
      %get3A_278 = arith.index_cast %add3A_244 : i32 to index
      %get3A_279 = arith.constant 32 : index
      %get3A_280 = tpu.vector_load %arg16[%get3A_278, %get3A_279] {strides = array<i32>} : memref<200x64xf32, #tpu.memory_space<vmem>>, vector<16xf32>,
      %get3A_281 = arith.index_cast %add3A_244 : i32 to index
      %get3A_282 = arith.constant 48 : index
      %get3A_283 = tpu.vector_load %arg16[%get3A_281, %get3A_282] {strides = array<i32>} : memref<200x64xf32, #tpu.memory_space<vmem>>, vector<16xf32>,
      %add3A_284 = arith.constant 0 : i32
      %add3A_285 = vector.broadcast %add3A_284 : i32 to vector<16xi32>
      %add3A_286 = arith.addi %iota3A, %add3A_285 : vector<16xi32>
      %add3A_287 = arith.constant 16 : i32
      %add3A_288 = vector.broadcast %add3A_287 : i32 to vector<16xi32>
      %add3A_289 = arith.addi %iota3A, %add3A_288 : vector<16xi32>
      %add3A_290 = arith.constant 32 : i32
      %add3A_291 = vector.broadcast %add3A_290 : i32 to vector<16xi32>
      %add3A_292 = arith.addi %iota3A, %add3A_291 : vector<16xi32>
      %add3A_293 = arith.constant 48 : i32
      %add3A_294 = vector.broadcast %add3A_293 : i32 to vector<16xi32>
      %add3A_295 = arith.addi %iota3A, %add3A_294 : vector<16xi32>
      %mul3A_296 = arith.constant 0 : i32
      %mul3A_297 = vector.broadcast %mul3A_296 : i32 to vector<16xi32>
      %mul3A_298 = arith.muli %iota3A, %mul3A_297 : vector<16xi32>
      %parallel_loop3A_299 = arith.constant 0 : i32
      %parallel_loop3A_300 = arith.constant 256 : i32
      %parallel_loop3A_301 = arith.constant 1 : i32
      %parallel_loop3A_302 = scf.for %parallel_loop3A_406 = %parallel_loop3A_299 to %parallel_loop3A_300 step %parallel_loop3A_301 iter_args(%parallel_loop3A_407 = %mul3A_298) -> (vector<16xi32>)  : i32 {
        %parallel_loop3A_408 = arith.index_cast %parallel_loop3A_406 : i32 to index
        %parallel_loop3A_409 = arith.constant 0 : index
        %parallel_loop3A_410 = tpu.vector_load %arg12[%parallel_loop3A_408, %parallel_loop3A_409] {strides = array<i32>} : memref<256x64xf32, #tpu.memory_space<vmem>>, vector<16xf32>,
        %parallel_loop3A_411 = arith.addf %parallel_loop3A_410, %get3A_274 : vector<16xf32>
        tpu.vector_store_idx %arg14[%add3A_286, %parallel_loop3A_407], %parallel_loop3A_411 : memref<64x257xf32, #tpu.memory_space<vmem>>[vector<16xi32>, vector<16xi32>], vector<16xf32>,
        %parallel_loop3A_412 = arith.index_cast %parallel_loop3A_406 : i32 to index
        %parallel_loop3A_413 = arith.constant 16 : index
        %parallel_loop3A_414 = tpu.vector_load %arg12[%parallel_loop3A_412, %parallel_loop3A_413] {strides = array<i32>} : memref<256x64xf32, #tpu.memory_space<vmem>>, vector<16xf32>,
        %parallel_loop3A_415 = arith.addf %parallel_loop3A_414, %get3A_277 : vector<16xf32>
        tpu.vector_store_idx %arg14[%add3A_289, %parallel_loop3A_407], %parallel_loop3A_415 : memref<64x257xf32, #tpu.memory_space<vmem>>[vector<16xi32>, vector<16xi32>], vector<16xf32>,
        %parallel_loop3A_416 = arith.index_cast %parallel_loop3A_406 : i32 to index
        %parallel_loop3A_417 = arith.constant 32 : index
        %parallel_loop3A_418 = tpu.vector_load %arg12[%parallel_loop3A_416, %parallel_loop3A_417] {strides = array<i32>} : memref<256x64xf32, #tpu.memory_space<vmem>>, vector<16xf32>,
        %parallel_loop3A_419 = arith.addf %parallel_loop3A_418, %get3A_280 : vector<16xf32>
        tpu.vector_store_idx %arg14[%add3A_292, %parallel_loop3A_407], %parallel_loop3A_419 : memref<64x257xf32, #tpu.memory_space<vmem>>[vector<16xi32>, vector<16xi32>], vector<16xf32>,
        %parallel_loop3A_420 = arith.index_cast %parallel_loop3A_406 : i32 to index
        %parallel_loop3A_421 = arith.constant 48 : index
        %parallel_loop3A_422 = tpu.vector_load %arg12[%parallel_loop3A_420, %parallel_loop3A_421] {strides = array<i32>} : memref<256x64xf32, #tpu.memory_space<vmem>>, vector<16xf32>,
        %parallel_loop3A_423 = arith.addf %parallel_loop3A_422, %get3A_283 : vector<16xf32>
        tpu.vector_store_idx %arg14[%add3A_295, %parallel_loop3A_407], %parallel_loop3A_423 : memref<64x257xf32, #tpu.memory_space<vmem>>[vector<16xi32>, vector<16xi32>], vector<16xf32>,
        %parallel_loop3A_424 = arith.constant 1 : i32
        %parallel_loop3A_425 = vector.broadcast %parallel_loop3A_424 : i32 to vector<16xi32>
        %parallel_loop3A_426 = arith.addi %parallel_loop3A_407, %parallel_loop3A_425 : vector<16xi32>
        scf.yield %parallel_loop3A_426 : vector<16xi32>
      } {sc.loop_unroll_factor = 16 : i64, sc.parallel_access}
      %dma_wait3A_303 = arith.constant 0 : i32
      %dma_wait3A_304 = tpu.memref_slice %arg3[%dma_wait3A_303, %mul3A_11] : memref<200x4096xi32, #tpu.memory_space<hbm>> -> memref<1x256xi32, #tpu.memory_space<hbm>>
      %dma_wait3A_305 = tpu.memref_squeeze %dma_wait3A_304 : memref<1x256xi32, #tpu.memory_space<hbm>> -> memref<256xi32, #tpu.memory_space<hbm>>
      %dma_wait3A_306 = tpu.memref_slice %arg3[%dma_wait3A_303, %mul3A_11] : memref<200x4096xi32, #tpu.memory_space<hbm>> -> memref<1x256xi32, #tpu.memory_space<hbm>>
      %dma_wait3A_307 = tpu.memref_squeeze %dma_wait3A_306 : memref<1x256xi32, #tpu.memory_space<hbm>> -> memref<256xi32, #tpu.memory_space<hbm>>
      tpu.wait_dma2 semaphore(%arg23 : memref<!tpu.dma_semaphore, #tpu.memory_space<semaphore_mem>>) src(%dma_wait3A_307 : memref<256xi32, #tpu.memory_space<hbm>>) dst(%arg8 : memref<256xi32, #tpu.memory_space<vmem>>)
      %dma_start3A_308 = arith.constant 0 : i32
      %dma_start3A_309 = arith.constant 0 : i32
      %dma_start3A_310 = tpu.memref_slice %arg2[%dma_start3A_308, %dma_start3A_309] : memref<100000x64xf32, #tpu.memory_space<hbm>> -> memref<100000x64xf32, #tpu.memory_space<hbm>>
      tpu.enqueue_indirect_dma source(%dma_start3A_310 : memref<100000x64xf32, #tpu.memory_space<hbm>>) target(%arg12 : memref<256x64xf32, #tpu.memory_space<vmem>>) offsets(%arg8 : memref<256xi32, #tpu.memory_space<vmem>>) semaphore(%arg19 : memref<!tpu.dma_semaphore, #tpu.memory_space<semaphore_mem>>)
      %dma_start3A_311 = arith.constant 0 : i32
      %dma_start3A_312 = arith.constant 0 : i32
      %dma_start3A_313 = tpu.memref_slice %arg14[%dma_start3A_311, %dma_start3A_312] : memref<64x257xf32, #tpu.memory_space<vmem>> -> memref<64x256xf32, #tpu.memory_space<vmem>>
      %dma_start3A_314 = arith.constant 0 : i32
      %dma_start3A_315 = tpu.memref_slice %arg5[%add3A_244, %dma_start3A_314, %mul3A_11] : memref<200x64x4096xf32, #tpu.memory_space<hbm>> -> memref<1x64x256xf32, #tpu.memory_space<hbm>>
      %dma_start3A_316 = tpu.memref_squeeze %dma_start3A_315 : memref<1x64x256xf32, #tpu.memory_space<hbm>> -> memref<64x256xf32, #tpu.memory_space<hbm>>
      %dma_start3A_317 = arith.constant 0 : i32
      %dma_start3A_318 = tpu.memref_slice %arg5[%add3A_244, %dma_start3A_317, %mul3A_11] : memref<200x64x4096xf32, #tpu.memory_space<hbm>> -> memref<1x64x256xf32, #tpu.memory_space<hbm>>
      %dma_start3A_319 = tpu.memref_squeeze %dma_start3A_318 : memref<1x64x256xf32, #tpu.memory_space<hbm>> -> memref<64x256xf32, #tpu.memory_space<hbm>>
      %dma_start3A_320 = arith.constant 0 : i32
      %dma_start3A_321 = arith.constant 0 : i32
      %dma_start3A_322 = tpu.memref_slice %arg14[%dma_start3A_320, %dma_start3A_321] : memref<64x257xf32, #tpu.memory_space<vmem>> -> memref<64x256xf32, #tpu.memory_space<vmem>>
      tpu.enqueue_dma source(%dma_start3A_322 : memref<64x256xf32, #tpu.memory_space<vmem>>) target(%dma_start3A_319 : memref<64x256xf32, #tpu.memory_space<hbm>>) target_semaphore(%arg25 : memref<!tpu.dma_semaphore, #tpu.memory_space<semaphore_mem>>)
      %mul3A_323 = arith.constant 4 : i32
      %mul3A_324 = arith.muli %mul3A_323, %scan3A_95 : i32
      %add3A_325 = arith.addi %mul3A_34, %mul3A_324 : i32
      %add3A_326 = arith.constant 3 : i32
      %add3A_327 = arith.addi %add3A_325, %add3A_326 : i32
      %dma_wait3A_328 = arith.constant 0 : i32
      %dma_wait3A_329 = arith.constant 0 : i32
      %dma_wait3A_330 = tpu.memref_slice %arg2[%dma_wait3A_328, %dma_wait3A_329] : memref<100000x64xf32, #tpu.memory_space<hbm>> -> memref<100000x64xf32, #tpu.memory_space<hbm>>
      tpu.wait_indirect_dma semaphore(%arg20 : memref<!tpu.dma_semaphore, #tpu.memory_space<semaphore_mem>>) src(%dma_wait3A_330 : memref<100000x64xf32, #tpu.memory_space<hbm>>) dst(%arg13 : memref<256x64xf32, #tpu.memory_space<vmem>>)
      %add3A_331 = arith.constant 4 : i32
      %add3A_332 = arith.addi %add3A_327, %add3A_331 : i32
      %add3A_333 = arith.constant 100 : i32
      %add3A_334 = arith.addi %mul3A_34, %add3A_333 : i32
      %sub3A_335 = arith.constant 1 : i32
      %sub3A_336 = arith.subi %add3A_334, %sub3A_335 : i32
      %min3A_337 = arith.minsi %add3A_332, %sub3A_336 : i32
      %dma_start3A_338 = tpu.memref_slice %arg3[%min3A_337, %mul3A_11] : memref<200x4096xi32, #tpu.memory_space<hbm>> -> memref<1x256xi32, #tpu.memory_space<hbm>>
      %dma_start3A_339 = tpu.memref_squeeze %dma_start3A_338 : memref<1x256xi32, #tpu.memory_space<hbm>> -> memref<256xi32, #tpu.memory_space<hbm>>
      %dma_start3A_340 = tpu.memref_slice %arg3[%min3A_337, %mul3A_11] : memref<200x4096xi32, #tpu.memory_space<hbm>> -> memref<1x256xi32, #tpu.memory_space<hbm>>
      %dma_start3A_341 = tpu.memref_squeeze %dma_start3A_340 : memref<1x256xi32, #tpu.memory_space<hbm>> -> memref<256xi32, #tpu.memory_space<hbm>>
      tpu.enqueue_dma source(%dma_start3A_341 : memref<256xi32, #tpu.memory_space<hbm>>) target(%arg9 : memref<256xi32, #tpu.memory_space<vmem>>) target_semaphore(%arg24 : memref<!tpu.dma_semaphore, #tpu.memory_space<semaphore_mem>>)
      %dma_wait3A_342 = arith.constant 0 : i32
      %dma_wait3A_343 = arith.constant 0 : i32
      %dma_wait3A_344 = arith.constant 0 : i32
      %dma_wait3A_345 = tpu.memref_slice %arg15[%dma_wait3A_343, %dma_wait3A_344] : memref<64x257xf32, #tpu.memory_space<vmem>> -> memref<64x256xf32, #tpu.memory_space<vmem>>
      %dma_wait3A_346 = arith.constant 0 : i32
      %dma_wait3A_347 = tpu.memref_slice %arg5[%dma_wait3A_342, %dma_wait3A_346, %mul3A_11] : memref<200x64x4096xf32, #tpu.memory_space<hbm>> -> memref<1x64x256xf32, #tpu.memory_space<hbm>>
      %dma_wait3A_348 = tpu.memref_squeeze %dma_wait3A_347 : memref<1x64x256xf32, #tpu.memory_space<hbm>> -> memref<64x256xf32, #tpu.memory_space<hbm>>
      %dma_wait3A_349 = arith.constant 0 : i32
      %dma_wait3A_350 = tpu.memref_slice %arg5[%dma_wait3A_342, %dma_wait3A_349, %mul3A_11] : memref<200x64x4096xf32, #tpu.memory_space<hbm>> -> memref<1x64x256xf32, #tpu.memory_space<hbm>>
      %dma_wait3A_351 = tpu.memref_squeeze %dma_wait3A_350 : memref<1x64x256xf32, #tpu.memory_space<hbm>> -> memref<64x256xf32, #tpu.memory_space<hbm>>
      %dma_wait3A_352 = arith.constant 0 : i32
      %dma_wait3A_353 = arith.constant 0 : i32
      %dma_wait3A_354 = tpu.memref_slice %arg15[%dma_wait3A_352, %dma_wait3A_353] : memref<64x257xf32, #tpu.memory_space<vmem>> -> memref<64x256xf32, #tpu.memory_space<vmem>>
      tpu.wait_dma2 semaphore(%arg26 : memref<!tpu.dma_semaphore, #tpu.memory_space<semaphore_mem>>) src(%dma_wait3A_354 : memref<64x256xf32, #tpu.memory_space<vmem>>) dst(%dma_wait3A_351 : memref<64x256xf32, #tpu.memory_space<hbm>>)
      %get3A_355 = arith.index_cast %add3A_327 : i32 to index
      %get3A_356 = arith.constant 0 : index
      %get3A_357 = tpu.vector_load %arg16[%get3A_355, %get3A_356] {strides = array<i32>} : memref<200x64xf32, #tpu.memory_space<vmem>>, vector<16xf32>,
      %get3A_358 = arith.index_cast %add3A_327 : i32 to index
      %get3A_359 = arith.constant 16 : index
      %get3A_360 = tpu.vector_load %arg16[%get3A_358, %get3A_359] {strides = array<i32>} : memref<200x64xf32, #tpu.memory_space<vmem>>, vector<16xf32>,
      %get3A_361 = arith.index_cast %add3A_327 : i32 to index
      %get3A_362 = arith.constant 32 : index
      %get3A_363 = tpu.vector_load %arg16[%get3A_361, %get3A_362] {strides = array<i32>} : memref<200x64xf32, #tpu.memory_space<vmem>>, vector<16xf32>,
      %get3A_364 = arith.index_cast %add3A_327 : i32 to index
      %get3A_365 = arith.constant 48 : index
      %get3A_366 = tpu.vector_load %arg16[%get3A_364, %get3A_365] {strides = array<i32>} : memref<200x64xf32, #tpu.memory_space<vmem>>, vector<16xf32>,
      %add3A_367 = arith.constant 0 : i32
      %add3A_368 = vector.broadcast %add3A_367 : i32 to vector<16xi32>
      %add3A_369 = arith.addi %iota3A, %add3A_368 : vector<16xi32>
      %add3A_370 = arith.constant 16 : i32
      %add3A_371 = vector.broadcast %add3A_370 : i32 to vector<16xi32>
      %add3A_372 = arith.addi %iota3A, %add3A_371 : vector<16xi32>
      %add3A_373 = arith.constant 32 : i32
      %add3A_374 = vector.broadcast %add3A_373 : i32 to vector<16xi32>
      %add3A_375 = arith.addi %iota3A, %add3A_374 : vector<16xi32>
      %add3A_376 = arith.constant 48 : i32
      %add3A_377 = vector.broadcast %add3A_376 : i32 to vector<16xi32>
      %add3A_378 = arith.addi %iota3A, %add3A_377 : vector<16xi32>
      %mul3A_379 = arith.constant 0 : i32
      %mul3A_380 = vector.broadcast %mul3A_379 : i32 to vector<16xi32>
      %mul3A_381 = arith.muli %iota3A, %mul3A_380 : vector<16xi32>
      %parallel_loop3A_382 = arith.constant 0 : i32
      %parallel_loop3A_383 = arith.constant 256 : i32
      %parallel_loop3A_384 = arith.constant 1 : i32
      %parallel_loop3A_385 = scf.for %parallel_loop3A_406 = %parallel_loop3A_382 to %parallel_loop3A_383 step %parallel_loop3A_384 iter_args(%parallel_loop3A_407 = %mul3A_381) -> (vector<16xi32>)  : i32 {
        %parallel_loop3A_408 = arith.index_cast %parallel_loop3A_406 : i32 to index
        %parallel_loop3A_409 = arith.constant 0 : index
        %parallel_loop3A_410 = tpu.vector_load %arg13[%parallel_loop3A_408, %parallel_loop3A_409] {strides = array<i32>} : memref<256x64xf32, #tpu.memory_space<vmem>>, vector<16xf32>,
        %parallel_loop3A_411 = arith.addf %parallel_loop3A_410, %get3A_357 : vector<16xf32>
        tpu.vector_store_idx %arg15[%add3A_369, %parallel_loop3A_407], %parallel_loop3A_411 : memref<64x257xf32, #tpu.memory_space<vmem>>[vector<16xi32>, vector<16xi32>], vector<16xf32>,
        %parallel_loop3A_412 = arith.index_cast %parallel_loop3A_406 : i32 to index
        %parallel_loop3A_413 = arith.constant 16 : index
        %parallel_loop3A_414 = tpu.vector_load %arg13[%parallel_loop3A_412, %parallel_loop3A_413] {strides = array<i32>} : memref<256x64xf32, #tpu.memory_space<vmem>>, vector<16xf32>,
        %parallel_loop3A_415 = arith.addf %parallel_loop3A_414, %get3A_360 : vector<16xf32>
        tpu.vector_store_idx %arg15[%add3A_372, %parallel_loop3A_407], %parallel_loop3A_415 : memref<64x257xf32, #tpu.memory_space<vmem>>[vector<16xi32>, vector<16xi32>], vector<16xf32>,
        %parallel_loop3A_416 = arith.index_cast %parallel_loop3A_406 : i32 to index
        %parallel_loop3A_417 = arith.constant 32 : index
        %parallel_loop3A_418 = tpu.vector_load %arg13[%parallel_loop3A_416, %parallel_loop3A_417] {strides = array<i32>} : memref<256x64xf32, #tpu.memory_space<vmem>>, vector<16xf32>,
        %parallel_loop3A_419 = arith.addf %parallel_loop3A_418, %get3A_363 : vector<16xf32>
        tpu.vector_store_idx %arg15[%add3A_375, %parallel_loop3A_407], %parallel_loop3A_419 : memref<64x257xf32, #tpu.memory_space<vmem>>[vector<16xi32>, vector<16xi32>], vector<16xf32>,
        %parallel_loop3A_420 = arith.index_cast %parallel_loop3A_406 : i32 to index
        %parallel_loop3A_421 = arith.constant 48 : index
        %parallel_loop3A_422 = tpu.vector_load %arg13[%parallel_loop3A_420, %parallel_loop3A_421] {strides = array<i32>} : memref<256x64xf32, #tpu.memory_space<vmem>>, vector<16xf32>,
        %parallel_loop3A_423 = arith.addf %parallel_loop3A_422, %get3A_366 : vector<16xf32>
        tpu.vector_store_idx %arg15[%add3A_378, %parallel_loop3A_407], %parallel_loop3A_423 : memref<64x257xf32, #tpu.memory_space<vmem>>[vector<16xi32>, vector<16xi32>], vector<16xf32>,
        %parallel_loop3A_424 = arith.constant 1 : i32
        %parallel_loop3A_425 = vector.broadcast %parallel_loop3A_424 : i32 to vector<16xi32>
        %parallel_loop3A_426 = arith.addi %parallel_loop3A_407, %parallel_loop3A_425 : vector<16xi32>
        scf.yield %parallel_loop3A_426 : vector<16xi32>
      } {sc.loop_unroll_factor = 16 : i64, sc.parallel_access}
      %dma_wait3A_386 = arith.constant 0 : i32
      %dma_wait3A_387 = tpu.memref_slice %arg3[%dma_wait3A_386, %mul3A_11] : memref<200x4096xi32, #tpu.memory_space<hbm>> -> memref<1x256xi32, #tpu.memory_space<hbm>>
      %dma_wait3A_388 = tpu.memref_squeeze %dma_wait3A_387 : memref<1x256xi32, #tpu.memory_space<hbm>> -> memref<256xi32, #tpu.memory_space<hbm>>
      %dma_wait3A_389 = tpu.memref_slice %arg3[%dma_wait3A_386, %mul3A_11] : memref<200x4096xi32, #tpu.memory_space<hbm>> -> memref<1x256xi32, #tpu.memory_space<hbm>>
      %dma_wait3A_390 = tpu.memref_squeeze %dma_wait3A_389 : memref<1x256xi32, #tpu.memory_space<hbm>> -> memref<256xi32, #tpu.memory_space<hbm>>
      tpu.wait_dma2 semaphore(%arg24 : memref<!tpu.dma_semaphore, #tpu.memory_space<semaphore_mem>>) src(%dma_wait3A_390 : memref<256xi32, #tpu.memory_space<hbm>>) dst(%arg9 : memref<256xi32, #tpu.memory_space<vmem>>)
      %dma_start3A_391 = arith.constant 0 : i32
      %dma_start3A_392 = arith.constant 0 : i32
      %dma_start3A_393 = tpu.memref_slice %arg2[%dma_start3A_391, %dma_start3A_392] : memref<100000x64xf32, #tpu.memory_space<hbm>> -> memref<100000x64xf32, #tpu.memory_space<hbm>>
      tpu.enqueue_indirect_dma source(%dma_start3A_393 : memref<100000x64xf32, #tpu.memory_space<hbm>>) target(%arg13 : memref<256x64xf32, #tpu.memory_space<vmem>>) offsets(%arg9 : memref<256xi32, #tpu.memory_space<vmem>>) semaphore(%arg20 : memref<!tpu.dma_semaphore, #tpu.memory_space<semaphore_mem>>)
      %dma_start3A_394 = arith.constant 0 : i32
      %dma_start3A_395 = arith.constant 0 : i32
      %dma_start3A_396 = tpu.memref_slice %arg15[%dma_start3A_394, %dma_start3A_395] : memref<64x257xf32, #tpu.memory_space<vmem>> -> memref<64x256xf32, #tpu.memory_space<vmem>>
      %dma_start3A_397 = arith.constant 0 : i32
      %dma_start3A_398 = tpu.memref_slice %arg5[%add3A_327, %dma_start3A_397, %mul3A_11] : memref<200x64x4096xf32, #tpu.memory_space<hbm>> -> memref<1x64x256xf32, #tpu.memory_space<hbm>>
      %dma_start3A_399 = tpu.memref_squeeze %dma_start3A_398 : memref<1x64x256xf32, #tpu.memory_space<hbm>> -> memref<64x256xf32, #tpu.memory_space<hbm>>
      %dma_start3A_400 = arith.constant 0 : i32
      %dma_start3A_401 = tpu.memref_slice %arg5[%add3A_327, %dma_start3A_400, %mul3A_11] : memref<200x64x4096xf32, #tpu.memory_space<hbm>> -> memref<1x64x256xf32, #tpu.memory_space<hbm>>
      %dma_start3A_402 = tpu.memref_squeeze %dma_start3A_401 : memref<1x64x256xf32, #tpu.memory_space<hbm>> -> memref<64x256xf32, #tpu.memory_space<hbm>>
      %dma_start3A_403 = arith.constant 0 : i32
      %dma_start3A_404 = arith.constant 0 : i32
      %dma_start3A_405 = tpu.memref_slice %arg15[%dma_start3A_403, %dma_start3A_404] : memref<64x257xf32, #tpu.memory_space<vmem>> -> memref<64x256xf32, #tpu.memory_space<vmem>>
      tpu.enqueue_dma source(%dma_start3A_405 : memref<64x256xf32, #tpu.memory_space<vmem>>) target(%dma_start3A_402 : memref<64x256xf32, #tpu.memory_space<hbm>>) target_semaphore(%arg26 : memref<!tpu.dma_semaphore, #tpu.memory_space<semaphore_mem>>)
    }
    %scan3A_57 = arith.constant 25 : i32
    %dma_wait3A = arith.constant 0 : i32
    %dma_wait3A_58 = arith.constant 0 : i32
    %dma_wait3A_59 = tpu.memref_slice %arg2[%dma_wait3A, %dma_wait3A_58] : memref<100000x64xf32, #tpu.memory_space<hbm>> -> memref<100000x64xf32, #tpu.memory_space<hbm>>
    tpu.wait_indirect_dma semaphore(%arg17 : memref<!tpu.dma_semaphore, #tpu.memory_space<semaphore_mem>>) src(%dma_wait3A_59 : memref<100000x64xf32, #tpu.memory_space<hbm>>) dst(%arg10 : memref<256x64xf32, #tpu.memory_space<vmem>>)
    %dma_wait3A_60 = arith.constant 0 : i32
    %dma_wait3A_61 = arith.constant 0 : i32
    %dma_wait3A_62 = tpu.memref_slice %arg2[%dma_wait3A_60, %dma_wait3A_61] : memref<100000x64xf32, #tpu.memory_space<hbm>> -> memref<100000x64xf32, #tpu.memory_space<hbm>>
    tpu.wait_indirect_dma semaphore(%arg18 : memref<!tpu.dma_semaphore, #tpu.memory_space<semaphore_mem>>) src(%dma_wait3A_62 : memref<100000x64xf32, #tpu.memory_space<hbm>>) dst(%arg11 : memref<256x64xf32, #tpu.memory_space<vmem>>)
    %dma_wait3A_63 = arith.constant 0 : i32
    %dma_wait3A_64 = arith.constant 0 : i32
    %dma_wait3A_65 = tpu.memref_slice %arg2[%dma_wait3A_63, %dma_wait3A_64] : memref<100000x64xf32, #tpu.memory_space<hbm>> -> memref<100000x64xf32, #tpu.memory_space<hbm>>
    tpu.wait_indirect_dma semaphore(%arg19 : memref<!tpu.dma_semaphore, #tpu.memory_space<semaphore_mem>>) src(%dma_wait3A_65 : memref<100000x64xf32, #tpu.memory_space<hbm>>) dst(%arg12 : memref<256x64xf32, #tpu.memory_space<vmem>>)
    %dma_wait3A_66 = arith.constant 0 : i32
    %dma_wait3A_67 = arith.constant 0 : i32
    %dma_wait3A_68 = tpu.memref_slice %arg2[%dma_wait3A_66, %dma_wait3A_67] : memref<100000x64xf32, #tpu.memory_space<hbm>> -> memref<100000x64xf32, #tpu.memory_space<hbm>>
    tpu.wait_indirect_dma semaphore(%arg20 : memref<!tpu.dma_semaphore, #tpu.memory_space<semaphore_mem>>) src(%dma_wait3A_68 : memref<100000x64xf32, #tpu.memory_space<hbm>>) dst(%arg13 : memref<256x64xf32, #tpu.memory_space<vmem>>)
    %dma_wait3A_69 = arith.constant 0 : i32
    %dma_wait3A_70 = arith.constant 0 : i32
    %dma_wait3A_71 = arith.constant 0 : i32
    %dma_wait3A_72 = tpu.memref_slice %arg14[%dma_wait3A_70, %dma_wait3A_71] : memref<64x257xf32, #tpu.memory_space<vmem>> -> memref<64x256xf32, #tpu.memory_space<vmem>>
    %dma_wait3A_73 = arith.constant 0 : i32
    %dma_wait3A_74 = tpu.memref_slice %arg5[%dma_wait3A_69, %dma_wait3A_73, %mul3A_11] : memref<200x64x4096xf32, #tpu.memory_space<hbm>> -> memref<1x64x256xf32, #tpu.memory_space<hbm>>
    %dma_wait3A_75 = tpu.memref_squeeze %dma_wait3A_74 : memref<1x64x256xf32, #tpu.memory_space<hbm>> -> memref<64x256xf32, #tpu.memory_space<hbm>>
    %dma_wait3A_76 = arith.constant 0 : i32
    %dma_wait3A_77 = tpu.memref_slice %arg5[%dma_wait3A_69, %dma_wait3A_76, %mul3A_11] : memref<200x64x4096xf32, #tpu.memory_space<hbm>> -> memref<1x64x256xf32, #tpu.memory_space<hbm>>
    %dma_wait3A_78 = tpu.memref_squeeze %dma_wait3A_77 : memref<1x64x256xf32, #tpu.memory_space<hbm>> -> memref<64x256xf32, #tpu.memory_space<hbm>>
    %dma_wait3A_79 = arith.constant 0 : i32
    %dma_wait3A_80 = arith.constant 0 : i32
    %dma_wait3A_81 = tpu.memref_slice %arg14[%dma_wait3A_79, %dma_wait3A_80] : memref<64x257xf32, #tpu.memory_space<vmem>> -> memref<64x256xf32, #tpu.memory_space<vmem>>
    tpu.wait_dma2 semaphore(%arg25 : memref<!tpu.dma_semaphore, #tpu.memory_space<semaphore_mem>>) src(%dma_wait3A_81 : memref<64x256xf32, #tpu.memory_space<vmem>>) dst(%dma_wait3A_78 : memref<64x256xf32, #tpu.memory_space<hbm>>)
    %dma_wait3A_82 = arith.constant 0 : i32
    %dma_wait3A_83 = arith.constant 0 : i32
    %dma_wait3A_84 = arith.constant 0 : i32
    %dma_wait3A_85 = tpu.memref_slice %arg15[%dma_wait3A_83, %dma_wait3A_84] : memref<64x257xf32, #tpu.memory_space<vmem>> -> memref<64x256xf32, #tpu.memory_space<vmem>>
    %dma_wait3A_86 = arith.constant 0 : i32
    %dma_wait3A_87 = tpu.memref_slice %arg5[%dma_wait3A_82, %dma_wait3A_86, %mul3A_11] : memref<200x64x4096xf32, #tpu.memory_space<hbm>> -> memref<1x64x256xf32, #tpu.memory_space<hbm>>
    %dma_wait3A_88 = tpu.memref_squeeze %dma_wait3A_87 : memref<1x64x256xf32, #tpu.memory_space<hbm>> -> memref<64x256xf32, #tpu.memory_space<hbm>>
    %dma_wait3A_89 = arith.constant 0 : i32
    %dma_wait3A_90 = tpu.memref_slice %arg5[%dma_wait3A_82, %dma_wait3A_89, %mul3A_11] : memref<200x64x4096xf32, #tpu.memory_space<hbm>> -> memref<1x64x256xf32, #tpu.memory_space<hbm>>
    %dma_wait3A_91 = tpu.memref_squeeze %dma_wait3A_90 : memref<1x64x256xf32, #tpu.memory_space<hbm>> -> memref<64x256xf32, #tpu.memory_space<hbm>>
    %dma_wait3A_92 = arith.constant 0 : i32
    %dma_wait3A_93 = arith.constant 0 : i32
    %dma_wait3A_94 = tpu.memref_slice %arg15[%dma_wait3A_92, %dma_wait3A_93] : memref<64x257xf32, #tpu.memory_space<vmem>> -> memref<64x256xf32, #tpu.memory_space<vmem>>
    tpu.wait_dma2 semaphore(%arg26 : memref<!tpu.dma_semaphore, #tpu.memory_space<semaphore_mem>>) src(%dma_wait3A_94 : memref<64x256xf32, #tpu.memory_space<vmem>>) dst(%dma_wait3A_91 : memref<64x256xf32, #tpu.memory_space<hbm>>)
    return
  }
}

</mosaic_0001>

<sc_bundles>
// kernel: kernel.3.cloned.1.call-start
scs
__scs_entry_jumppad:
0x0: {  	(pc) =	sbr.rel $0x88, $3  }
0x1: {  	(tag) =	ssettag $0x0;
	lr =	simm.s32 $0x1  }
0x2: {  	[smem:$0x3F9E] =	sst lr;
	_ =	strace $0xD0000000  }
0x3: {  	_ = 	snop  }
0x4: {  	_ = 	snop  }
0x5: {  	_ = 	snop  }
0x6: {  	_ = 	snop  }
0x7: {  	_ = 	snop  }
__scs_overlays_trampoline_lowered:
0x8: {  	[smem:$0x3FAD] =	sst s0  }
0x9: {  	[smem:$0x3FAE] =	sst s1  }
0xa: {  	[smem:$0x3FAF] =	sst s2  }
0xb: {  	[smem:$0x3FB0] =	sst s3  }
0xc: {  	[smem:$0x3FB1] =	sst s4  }
0xd: {  	[smem:$0x3FB2] =	sst s5  }
0xe: {  	[smem:$0x3FB3] =	sst s6  }
0xf: {  	[smem:$0x3FB4] =	sst s7  }
0x10: {  	[smem:$0x3FB5] =	sst s8  }
0x11: {  	[smem:$0x3FB6] =	sst s9;
	s0 =	simm.s32 @!p0 $0x0  }
0x12: {  	s1 =	sld [smem:$0x3F9C];
	s0 =	simm.s32 @p0 $0x1  }
0x13: {  	[smem:$0x3FB7] =	sst s0;
	s0 =	simm.s32 @!p1 $0x0  }
0x14: {  	s2 =	sld [smem:$0x3F9B];
	s0 =	simm.s32 @p1 $0x1  }
0x15: {  	[smem:$0x3FB8] =	sst s0;
	s0 =	simm.s32 @!p2 $0x0  }
0x16: {  	s3 =	sld [smem:$0x3FDB];
	s0 =	simm.s32 @p2 $0x1  }
0x17: {  	s4 =	simm.s32 $0x1BF5;
	[smem:$0x3FBA] =	sst s0  }
0x18: {  	s0 =	sld [smem:$0x3F9D];
	_ =	swait.ge [sflag:s4], $0x0  }
0x19: {  	s7 =	sld [smem:$0x3F9E]  }
0x1a: {  	s8 =	sadd.s32 $0xFFFFE003, lr  }
0x1b: {  	s9 =	sadd.s32 $0xFFFFFEF7, lr;
	s5 =	simm.s32 $0xFFFFFFFF;
	p2 =	slt.u32 s8, $0xFFFFF086  }
0x1c: {  	p1 =	slt.u32 s9, $0xF7A;
	s5 =	simm.s32 @!p2 $0x0  }
0x1d: {  	s5 =	simm.s32 @p1 $0x1;
	p0 =	seq.s32 s7, s2  }
0x1e: {  	s7 =	smul.u32 @!p0 $0xF7A, s2;
	p2 =	seq.s32 @!p0 s5, $0x0  }
0x1f: {  	s9 =	smul.u32 $0xF7A, s1;
	s8 =	simm.s32 @!p0 $0x1BF5;
	p2 =	por !p2, p0  }
0x20: {  	[sflag:s8] =	ssyncset.s32 @!p0 $0xFFFFF086;
	s6 =	sadd.s32 @!p0 s3, s7;
	s7 =	simm.s32 @!p0 $0x108  }
0x21: {  	s3 =	sadd.s32 s3, s9;
	s6 =	sadd.s32 @!p0 $0x88, s6;
	s7 =	simm.s32 @p2 $0x1082  }
0x22: {  	[simem:s7], [sflag:s8] =	dma.local @!p0 [hbm:s6], $0xF7A  }
0x23: {  	s9 =	sor.u32 $0xD0000000, s2;
	s6 =	simm.s32 $0x108;
	_ =	swait.ge @!p0 [sflag:s8], $0x0  }
0x24: {  	s3 =	sadd.s32 $0x88, s3;
	s6 =	simm.s32 @!p1 $0x1082;
	[sflag:s4] =	ssyncset.s32 $0xFFFFF086  }
0x25: {  	[simem:s6], [sflag:s4] =	dma.local [hbm:s3], $0xF7A  }
0x26: {  	[smem:$0x3F9E] =	sst s1;
	(tag) =	ssettag s2;
	_ =	strace s9  }
0x27: {  	s1 =	sld [smem:$0x3FAE]  }
0x28: {  	s2 =	sld [smem:$0x3FAF]  }
0x29: {  	s4 =	sld [smem:$0x3FB1]  }
0x2a: {  	p0 =	seq.s32 s5, $0x0;
	s5 =	sld [smem:$0x3FB2]  }
0x2b: {  	s6 =	sld [smem:$0x3FB3]  }
0x2c: {  	s7 =	sld [smem:$0x3FB4]  }
0x2d: {  	s3 =	simm.s32 $0x108;
	s8 =	sld [smem:$0x3FB5]  }
0x2e: {  	s3 =	simm.s32 @!p0 $0x1082;
	s9 =	sld [smem:$0x3FB6]  }
0x2f: {  	lr =	sadd.s32 s0, s3;
	s0 =	sld [smem:$0x3FAD]  }
0x30: {  	s3 =	sld [smem:$0x3FB0]  }
0x31: {  	[smem:$0x3FB9] =	sst s10  }
0x32: {  	s10 =	sld [smem:$0x3FB7];
	_ =	sdelay $0x3  }
0x33: {  	p0 =	seq.s32 s10, $0x1;
	s10 =	sld [smem:$0x3FB9];
	_ =	sdelay $0x3  }
0x34: {  	[smem:$0x3FB9] =	sst s10  }
0x35: {  	s10 =	sld [smem:$0x3FB8];
	_ =	sdelay $0x3  }
0x36: {  	p1 =	seq.s32 s10, $0x1;
	s10 =	sld [smem:$0x3FB9];
	_ =	sdelay $0x3  }
0x37: {  	[smem:$0x3FB9] =	sst s10  }
0x38: {  	s10 =	sld [smem:$0x3FBA]  }
0x39: {  	_ = 	snop;
	(pc) =	sbr.ind lr, $3  }
0x3a: {  	_ = 	snop  }
0x3b: {  	_ = 	snop  }
0x3c: {  	p2 =	seq.s32 s10, $0x1;
	s10 =	sld [smem:$0x3FB9]  }
0x3d: {  	_ =	shalt  }
0x3e: {  	_ =	shalt  }
0x3f: {  	_ =	shalt  }
0x40: {  	_ =	shalt  }
0x41: {  	_ =	shalt  }
0x42: {  	_ =	shalt  }
0x43: {  	_ =	shalt  }
0x44: {  	_ =	shalt  }
0x45: {  	_ =	shalt  }
0x46: {  	_ =	shalt  }
0x47: {  	_ =	shalt  }
0x48: {  	_ =	shalt  }
0x49: {  	_ =	shalt  }
0x4a: {  	_ =	shalt  }
0x4b: {  	_ =	shalt  }
0x4c: {  	_ =	shalt  }
0x4d: {  	_ =	shalt  }
0x4e: {  	_ =	shalt  }
0x4f: {  	_ =	shalt  }
0x50: {  	_ =	shalt  }
0x51: {  	_ =	shalt  }
0x52: {  	_ =	shalt  }
0x53: {  	_ =	shalt  }
0x54: {  	_ =	shalt  }
0x55: {  	_ =	shalt  }
0x56: {  	_ =	shalt  }
0x57: {  	_ =	shalt  }
0x58: {  	_ =	shalt  }
0x59: {  	_ =	shalt  }
0x5a: {  	_ =	shalt  }
0x5b: {  	_ =	shalt  }
0x5c: {  	_ =	shalt  }
0x5d: {  	_ =	shalt  }
0x5e: {  	_ =	shalt  }
0x5f: {  	_ =	shalt  }
0x60: {  	_ =	shalt  }
0x61: {  	_ =	shalt  }
0x62: {  	_ =	shalt  }
0x63: {  	_ =	shalt  }
0x64: {  	_ =	shalt  }
0x65: {  	_ =	shalt  }
0x66: {  	_ =	shalt  }
0x67: {  	_ =	shalt  }
0x68: {  	_ =	shalt  }
0x69: {  	_ =	shalt  }
0x6a: {  	_ =	shalt  }
0x6b: {  	_ =	shalt  }
0x6c: {  	_ =	shalt  }
0x6d: {  	_ =	shalt  }
0x6e: {  	_ =	shalt  }
0x6f: {  	_ =	shalt  }
0x70: {  	_ =	shalt  }
0x71: {  	_ =	shalt  }
0x72: {  	_ =	shalt  }
0x73: {  	_ =	shalt  }
0x74: {  	_ =	shalt  }
0x75: {  	_ =	shalt  }
0x76: {  	_ =	shalt  }
0x77: {  	_ =	shalt  }
0x78: {  	_ =	shalt  }
0x79: {  	_ =	shalt  }
0x7a: {  	_ =	shalt  }
0x7b: {  	_ =	shalt  }
0x7c: {  	_ =	shalt  }
0x7d: {  	_ =	shalt  }
0x7e: {  	_ =	shalt  }
0x7f: {  	_ =	shalt  }
0x80: {  	_ =	shalt  }
0x81: {  	_ =	shalt  }
0x82: {  	_ =	shalt  }
0x83: {  	_ =	shalt  }
0x84: {  	_ =	shalt  }
0x85: {  	_ =	shalt  }
0x86: {  	_ =	shalt  }
0x87: {  	_ =	shalt  }
.Lfunc_end0:
.L_simem_size_0:
called_computation_lowered:
.L_overlay_start_0:
0x88: {  	s2 =	sld [smem:$0x3FD9]  }
0x89: {  	s3 =	sld [smem:$0x3FFE];
	_ =	sdelay $0x1  }
0x8a: {  	s1 =	srdreg.scid  }
0x8b: {  	s0 =	sand.u32 $0x1, s1  }
0x8c: {  	s16 =	sshll.u32 s0, $0xA;
	s2 =	sadd.s32 s3, s2  }
0x8d: {  	s2 =	sadd.s32 s2, s16  }
0x8e: {  	[smem:$0x3FC5] =	sst s2  }
0x8f: {  	_ = 	snop  }
0x90: {  	(tm) =	ssettm $0x1  }
0x91: {  	s17 =	sld [smem:$0x3FFB];
	_ =	sdelay $0x3  }
0x92: {  	_ =	strace s17  }
0x93: {  	s2 =	sld [smem:$0x3FFC];
	_ =	sdelay $0x3  }
0x94: {  	_ =	strace s2  }
0x95: {  	s2 =	sld [smem:$0x3FFD];
	_ =	sdelay $0x3  }
0x96: {  	_ =	strace s2  }
0x97: {  	_ =	strace $0x8FFFFFFF  }
0x98: {  	s18 =	sld [smem:$0x3FDB];
	_ =	sdelay $0x1  }
0x99: {  	s19 =	simm.s32 $_scs_section_size  }
0x9a: {  	s4 =	simm.s32 $_size__tile_overlayer_lowered;
	s5 =	simm.s32 $_tile_overlayer_lowered  }
0x9b: {  	s22 =	simm.s32 $0x1BFF;
	s21 =	sshll.u32 s5, $0x1;
	s2 =	sadd.s32 s19, s18  }
0x9c: {  	s6 =	simm.s32 $0x0;
	s20 =	sshll.u32 s4, $0x1;
	s4 =	sadd.s32 s21, s2  }
0x9d: {  	[timem:s6], [sflag:s22] =	dma.local [hbm:s4], s20  }
0x9e: {  	_ =	swait.ge [sflag:s22], s20  }
0x9f: {  	s3 =	ssub.s32 $0x0, s20;
	[sflag:s22] =	ssyncset.done $0x0  }
0xa0: {  	[sflag:s22] =	ssyncadd.s32 s3;
	_ =	sdelay $0x1  }
0xa1: {  	s23 =	simm.s32 $0x1B8B  }
0xa2: {  	_ =	swait.ge [sflag:s23], $0x1  }
0xa3: {  	[sflag:s23] =	ssyncset.done $0x0  }
0xa4: {  	s25 =	simm.s32 $0x1B8E;
	s24 =	sld [smem:$0x3FFE];
	[sflag:s23] =	ssyncadd.s32 $0xFFFFFFFF  }
0xa5: {  	s26 =	simm.s32 $execute0_lowered;
	[smem:$0x3FD2] =	sst s25  }
0xa6: {  	s4 =	sshll.u32 s26, $0x1;
	_ =	strace $0x80000046;
	[dreg:$0x1] =	wrdreg $0xFFFFFFFF  }
0xa7: {  	s28 =	simm.s32 $_size_execute0_lowered;
	s2 =	sadd.s32 s2, s4;
	[dreg:$0x0] =	wrdreg $0x0  }
0xa8: {  	s4 =	sshll.u32 s28, $0x1;
	[dreg:$0x2] =	wrdreg s2  }
0xa9: {  	[dreg:$0x3] =	wrdreg s4  }
0xaa: {  	[dreg:$0x4] =	wrdreg $0xC0  }
0xab: {  	_ =	task [dreg:s6], $0x5FFFF  }
0xac: {  	[dreg:$0x1] =	wrdreg $0xFFFFFFFF  }
0xad: {  	[dreg:$0x0] =	wrdreg $0x60  }
0xae: {  	[dreg:$0x2] =	wrdreg s24  }
0xaf: {  	[dreg:$0x3] =	wrdreg $0x9  }
0xb0: {  	_ =	task.clear_ibuf [dreg:s6], $0x4FFFF;
	_ =	strace $0x90000046  }
0xb1: {  	s29 =	simm.s32 $0x9;
	_ =	strace $0x80000048  }
0xb2: {  	_ =	swait.ge [sflag:s29], $0x1  }
0xb3: {  	[sflag:s29] =	ssyncadd.s32 $0xFFFFFFFF  }
0xb4: {  	_ =	strace $0x90000048  }
0xb5: {  	_ =	sfence  }
0xb6: {  	s30 =	sld [smem:$0x0];
	_ =	sdelay $0x2  }
0xb7: {  	s31 =	sshll.u32 s1, $0xD;
	s1 =	sshrl.u32 s1, $0x2  }
0xb8: {  	s3 =	sand.u32 $0x4000, s31;
	s1 =	sadd.s32 s1, s30  }
0xb9: {  	s0 =	sor.u32 s3, s0;
	s1 =	sshll.u32 s1, $0x11  }
0xba: {  	s0 =	sor.u32 s1, s0  }
0xbb: {  	s0 =	sadd.s32 $0x8F2B, s0  }
0xbc: {  	[sflag:s0] =	ssyncadd.remote.s32 $0x1  }
0xbd: {  	_ =	sfence.sel $0xFFFF  }
0xbe: {  	[dreg:$0x0] =	wrdreg $0xFFFFFFFF;
	(pc) =	sbr.abs _section_cstart, $3  }
0xbf: {  	[dreg:$0x1] =	wrdreg $0xFFFFFFFF  }
0xc0: {  	_ =	task.clear_ibuf [dreg:s6], $0x2FFFF;
	_ =	strace $0x9FFFFFFF  }
0xc1: {  	(tm) =	ssettm $0x7FFFFFFF  }
tec
execute0_lowered:
.L_overlay_start_1:
0x0: {  	(tag) =	ssettag $0x1  }
0x1: {  	v0 =	vlaneseq.u32  }
0x2: {  	v62 =	vmul.u32 $0x108, v0;
	_ =	sdelay $0x1  }
0x3: {  	v0 =	vadd.s32 $0x3181, v62  }
0x4: {  	s2 =	simm.s32 $0x0;
	[tilespmem:$0x1FC60] =	vst v0;
	v0 =	vadd.s32 $0x2103, v62  }
0x5: {  	[smem:$0x7FF] =	sst s2;
	v1 =	vadd.s32 $0x1086, v62;
	[tilespmem:$0x1FC70] =	vst v0  }
0x6: {  	s0 =	rddreg [dreg:$0x0];
	v0 =	vadd.s32 $0x3186, v62;
	_ =	strace $0x80000047;
	[tilespmem:$0x1FC80] =	vst v1  }
0x7: {  	v37 =	vadd.s32 $0x3180, v62;
	[tilespmem:$0x1FC90] =	vst v0  }
0x8: {  	v22 =	vor.u32 $0x1, v62;
	[tilespmem:$0x1FCE0] =	vst v37  }
0x9: {  	v52 =	vadd.s32 $0x1081, v62;
	[tilespmem:$0x1FCF0] =	vst v22  }
0xa: {  	v13 =	vadd.s32 $0x2101, v62;
	[tilespmem:$0x1FD00] =	vst v52  }
0xb: {  	v45 =	vor.u32 $0x2, v62;
	[tilespmem:$0x1FD10] =	vst v13  }
0xc: {  	v51 =	vadd.s32 $0x1082, v62;
	[tilespmem:$0x1FD20] =	vst v45  }
0xd: {  	v12 =	vadd.s32 $0x2102, v62;
	[tilespmem:$0x1FD30] =	vst v51  }
0xe: {  	v15 =	vadd.s32 $0x3182, v62;
	[tilespmem:$0x1FD40] =	vst v12  }
0xf: {  	v25 =	vor.u32 $0x3, v62;
	[tilespmem:$0x1FD50] =	vst v15  }
0x10: {  	v55 =	vadd.s32 $0x1083, v62;
	[tilespmem:$0x1FD60] =	vst v25  }
0x11: {  	v11 =	vadd.s32 $0x3183, v62;
	[tilespmem:$0x1FD70] =	vst v55  }
0x12: {  	v42 =	vor.u32 $0x4, v62;
	[tilespmem:$0x1FD80] =	vst v11  }
0x13: {  	v54 =	vadd.s32 $0x1084, v62;
	[tilespmem:$0x1FD90] =	vst v42  }
0x14: {  	v16 =	vadd.s32 $0x2104, v62;
	[tilespmem:$0x1FDA0] =	vst v54  }
0x15: {  	v10 =	vadd.s32 $0x3184, v62;
	[tilespmem:$0x1FDB0] =	vst v16  }
0x16: {  	v29 =	vor.u32 $0x5, v62;
	[tilespmem:$0x1FDC0] =	vst v10  }
0x17: {  	v40 =	vadd.s32 $0x1085, v62;
	[tilespmem:$0x1FDD0] =	vst v29  }
0x18: {  	v14 =	vadd.s32 $0x2105, v62;
	[tilespmem:$0x1FDE0] =	vst v40  }
0x19: {  	v19 =	vadd.s32 $0x3185, v62;
	[tilespmem:$0x1FDF0] =	vst v14  }
0x1a: {  	v9 =	vor.u32 $0x6, v62;
	[tilespmem:$0x1FE00] =	vst v19  }
0x1b: {  	v33 =	vadd.s32 $0x2100, v62;
	[tilespmem:$0x1FE10] =	vst v9  }
0x1c: {  	v61 =	vadd.s32 $0x2106, v62;
	[tilespmem:$0x1FE20] =	vst v33  }
0x1d: {  	[tilespmem:$0x1FE30] =	vst v61  }
0x1e: {  	v43 =	vor.u32 $0x7, v62;
	[tilespmem:$0x1FE40] =	vst v62  }
0x1f: {  	v44 =	vadd.s32 $0x1087, v62;
	[tilespmem:$0x1FE50] =	vst v43  }
0x20: {  	v17 =	vadd.s32 $0x2107, v62;
	[tilespmem:$0x1FE60] =	vst v44  }
0x21: {  	v34 =	vadd.s32 $0x3187, v62;
	[tilespmem:$0x1FE70] =	vst v17  }
0x22: {  	v47 =	vadd.s32 $0x8, v62;
	[tilespmem:$0x1FE80] =	vst v34  }
0x23: {  	v48 =	vadd.s32 $0x1088, v62;
	[tilespmem:$0x1FE90] =	vst v47  }
0x24: {  	v21 =	vadd.s32 $0x2108, v62;
	[tilespmem:$0x1FEA0] =	vst v48  }
0x25: {  	v23 =	vadd.s32 $0x3188, v62;
	[tilespmem:$0x1FEB0] =	vst v21  }
0x26: {  	v53 =	vadd.s32 $0x9, v62;
	[tilespmem:$0x1FEC0] =	vst v23  }
0x27: {  	v39 =	vadd.s32 $0x1089, v62;
	[tilespmem:$0x1FED0] =	vst v53  }
0x28: {  	v24 =	vadd.s32 $0x3189, v62;
	[tilespmem:$0x1FEE0] =	vst v39  }
0x29: {  	v56 =	vadd.s32 $0xA, v62;
	[tilespmem:$0x1FEF0] =	vst v24  }
0x2a: {  	v59 =	vadd.s32 $0x108A, v62;
	[tilespmem:$0x1FF00] =	vst v56  }
0x2b: {  	v38 =	vadd.s32 $0x210A, v62;
	[tilespmem:$0x1FF10] =	vst v59  }
0x2c: {  	v27 =	vadd.s32 $0x318A, v62;
	[tilespmem:$0x1FF20] =	vst v38  }
0x2d: {  	s4 =	stileid.u32;
	v50 =	vadd.s32 $0xB, v62;
	[tilespmem:$0x1FF30] =	vst v27  }
0x2e: {  	s1 =	srdreg.scid;
	s17 =	simm.s32 $0x100;
	s20 =	simm.s32 $0x200;
	v18 =	vadd.s32 $0x210B, v62;
	[tilespmem:$0x1FF40] =	vst v50  }
0x2f: {  	s21 =	simm.s32 $0x8400;
	s28 =	simm.s32 $0x2;
	s29 =	simm.s32 $0x14600;
	v41 =	vadd.s32 $0xC, v62;
	[tilespmem:$0x1FF60] =	vst v18  }
0x30: {  	s30 =	simm.s32 $0x6;
	s31 =	simm.s32 $0x3;
	s15 =	simm.s32 $0x4;
	v49 =	vadd.s32 $0x108C, v62;
	[tilespmem:$0x1FF70] =	vst v41  }
0x31: {  	s10 =	simm.s32 $0x8;
	s11 =	simm.s32 $0x0;
	s3 =	sshll.u32 s4, $0x1;
	v57 =	vadd.s32 $0x210C, v62;
	[tilespmem:$0x1FF80] =	vst v49  }
0x32: {  	s1 =	sand.u32 $0x1, s1;
	s6 =	sshrl.u32 s4, $0x3;
	s3 =	sand.u32 $0xE, s3;
	v2 =	vadd.s32 $0x318C, v62;
	[tilespmem:$0x1FF90] =	vst v57  }
0x33: {  	s4 =	sadd.s32 $0xC00, s0;
	s7 =	smul.u32 $0x64000, s6;
	s5 =	sor.u32 s1, s3;
	v58 =	vadd.s32 $0xD, v62;
	[tilespmem:$0x1FFA0] =	vst v2  }
0x34: {  	s8 =	sadd.s32 $0x400, s0;
	s1 =	ssub.s32 $0x2, s1;
	v26 =	vadd.s32 $0x108D, v62;
	s5 =	sshll.u32 s5, $0x8;
	[tilespmem:$0x1FFB0] =	vst v58  }
0x35: {  	s3 =	sadd.s32 $0x19C00, s0;
	v36 =	vadd.s32 $0x210D, v62;
	s23 =	sshrl.u32 s1, $0x1;
	s22 =	sor.u32 s7, s5;
	[tilespmem:$0x1FFC0] =	vst v26  }
0x36: {  	v20 =	vadd.s32 $0xE, v62;
	s7 =	sadd.s32 $0xDD200, s0;
	s0 =	ssub.s32 s1, s23;
	s23 =	simm.s32 $0xC400;
	[tilespmem:$0x1FFD0] =	vst v36  }
0x37: {  	v32 =	vadd.s32 $0x108E, v62;
	[dreg:$0x2] =	wrdreg s8;
	s9 =	sshrl.u32 s22, $0x3;
	s0 =	smax.u32 s0, $0x1;
	[tilespmem:$0x1FFE0] =	vst v20  }
0x38: {  	s8 =	smul.u32 $0x64, s6;
	v0 =	vadd.s32 $0x2109, v62;
	[tilespmem:$0x1FFF0] =	vst v32;
	s24 =	sadd.s32 s4, s9;
	[dreg:$0x7] =	wrdreg s0  }
0x39: {  	s22 =	simm.s32 $0x300;
	v1 =	vadd.s32 $0x318B, v62;
	[tilespmem:$0x1FCA0] =	vst v0;
	s25 =	sadd.s32 $0x200, s24;
	[dreg:$0x3] =	wrdreg s24  }
0x3a: {  	s6 =	simm.s32 $0xA;
	[tilespmem:$0x1FCB0] =	vst v1;
	v1 =	vadd.s32 $0x318D, v62;
	s26 =	sadd.s32 $0x400, s24;
	[dreg:$0x4] =	wrdreg s25  }
0x3b: {  	v0 =	vadd.s32 $0x108B, v62;
	s0 =	simm.s32 $0x9;
	s1 =	sadd.s32 $0x600, s24;
	[tilespmem:$0x1FCC0] =	vst v1;
	[dreg:$0x5] =	wrdreg s26  }
0x3c: {  	s13 =	sadd.s32 $0x63, s8;
	s24 =	simm.s32 $0x1;
	v1 =	vadd.s32 $0x210E, v62;
	[tilespmem:$0x1FF50] =	vst v0;
	[dreg:$0x6] =	wrdreg s1  }
0x3d: {  	v35 =	vadd.s32 $0x1080, v62;
	s25 =	simm.s32 $0x10400;
	s26 =	simm.s32 $0x5;
	s1 =	simm.s32 $0x7;
	[tilespmem:$0x1FCD0] =	vst v1  }
.LBB2_1:
0x3e: {  	[dreg:$0x8] =	wrdreg s11  }
0x3f: {  	s9 =	rddreg [dreg:$0x2];
	s18 =	simm.s32 $0x18800;
	s11 =	simm.s32 $0xB  }
0x40: {  	[tilespmem:s18], [sflag:$0xB] =	stream.linear.gather [hbm4b:s9+s2], $0x3200, $0x38;
	[tilespmem:$0x1BA00] =	vst v63  }
0x41: {  	_ =	swait.ge [sflag:s11], $0x3200  }
0x42: {  	[sflag:s11] =	ssyncset.done $0x0  }
0x43: {  	s19 =	rddreg [dreg:$0x3];
	[sflag:s11] =	ssyncadd.s32 $0xFFFFCE00  }
0x44: {  	[tilespmem:s2], [sflag:$0xB] =	stream.linear.gather [hbm4b:s19+s2], $0x100, $0x38;
	[tilespmem:$0x1BA00] =	vst v63  }
0x45: {  	_ =	swait.ge [sflag:s11], $0x100  }
0x46: {  	[sflag:s11] =	ssyncset.done $0x0  }
0x47: {  	s12 =	simm.s32 $0x400;
	[sflag:s11] =	ssyncadd.s32 $0xFFFFFF00  }
0x48: {  	[tilespmem:s12], [sflag:$0x1] =	stream.indirect.gather [hbm4b:s3+s17], $0x40, s2, s17, $0xb8;
	[tilespmem:$0x1BA00] =	vst v63  }
0x49: {  	s14 =	rddreg [dreg:$0x4]  }
0x4a: {  	[tilespmem:s17], [sflag:$0xB] =	stream.linear.gather [hbm4b:s14+s2], $0x100, $0x38;
	[tilespmem:$0x1BA00] =	vst v63  }
0x4b: {  	_ =	swait.ge [sflag:s11], $0x100  }
0x4c: {  	[sflag:s11] =	ssyncset.done $0x0  }
0x4d: {  	s16 =	simm.s32 $0x4400;
	[sflag:s11] =	ssyncadd.s32 $0xFFFFFF00  }
0x4e: {  	[tilespmem:s16], [sflag:$0x2] =	stream.indirect.gather [hbm4b:s3+s17], $0x40, s17, s17, $0xb8;
	[tilespmem:$0x1BA00] =	vst v63  }
0x4f: {  	s18 =	rddreg [dreg:$0x5]  }
0x50: {  	[tilespmem:s20], [sflag:$0xB] =	stream.linear.gather [hbm4b:s18+s2], $0x100, $0x38;
	[tilespmem:$0x1BA00] =	vst v63  }
0x51: {  	_ =	swait.ge [sflag:s11], $0x100  }
0x52: {  	[sflag:s11] =	ssyncset.done $0x0  }
0x53: {  	[sflag:s11] =	ssyncadd.s32 $0xFFFFFF00  }
0x54: {  	[tilespmem:s21], [sflag:$0x3] =	stream.indirect.gather [hbm4b:s3+s17], $0x40, s20, s17, $0xb8;
	[tilespmem:$0x1BA00] =	vst v63  }
0x55: {  	s19 =	rddreg [dreg:$0x6]  }
0x56: {  	[tilespmem:s22], [sflag:$0xB] =	stream.linear.gather [hbm4b:s19+s2], $0x100, $0x38;
	[tilespmem:$0x1BA00] =	vst v63  }
0x57: {  	_ =	swait.ge [sflag:s11], $0x100  }
0x58: {  	[sflag:s11] =	ssyncset.done $0x0  }
0x59: {  	s12 =	simm.s32 $0x0;
	[sflag:s11] =	ssyncadd.s32 $0xFFFFFF00  }
0x5a: {  	[tilespmem:s23], [sflag:$0x4] =	stream.indirect.gather [hbm4b:s3+s17], $0x40, s22, s17, $0xb8;
	[tilespmem:$0x1BA00] =	vst v63  }
.LBB2_2:
0x5b: {  	s9 =	sshll.u32 s12, $0x2  }
0x5c: {  	s14 =	sadd.s32 s8, s9  }
0x5d: {  	s9 =	sadd.s32 $0x4, s14  }
0x5e: {  	s9 =	smin.u32 s9, s13  }
0x5f: {  	s9 =	sshll.u32 s9, $0xC  }
0x60: {  	_ =	swait.ge [sflag:s24], $0x4000;
	s9 =	sor.u32 s5, s9  }
0x61: {  	[sflag:s24] =	ssyncset.done $0x0;
	s9 =	sshrl.u32 s9, $0x3  }
0x62: {  	p0 =	seq.s32 s12, $0x0;
	[sflag:s24] =	ssyncadd.s32 $0xFFFFC000;
	s9 =	sadd.s32 s4, s9  }
0x63: {  	[tilespmem:s2], [sflag:$0x5] =	stream.linear.gather [hbm4b:s9+s2], $0x100, $0x38;
	[tilespmem:$0x1BA00] =	vst v63  }
0x64: {  	s9 =	simm.s32 @!p0 $0x9  }
0x65: {  	_ =	swait.ge @!p0 [sflag:s9], $0x4000  }
0x66: {  	s11 =	sshll.u32 s14, $0x6;
	[sflag:s9] =	ssyncset.done @!p0 $0x0  }
0x67: {  	s19 =	sand.u32 $0x3FFFFFC0, s11;
	[sflag:s9] =	ssyncadd.s32 @!p0 $0xFFFFC000  }
0x68: {  	v5 =	vld [tilespmem:s19+$0x18800]  }
0x69: {  	s9 =	simm.s32 $0x600;
	v6 =	vld [tilespmem:s19+$0x18810]  }
0x6a: {  	v3 =	vld [tilespmem:s9+$0xFFFFFE00]  }
0x6b: {  	v8 =	vld [tilespmem:s9+$0x1C0]  }
0x6c: {  	v63 =	vld [tilespmem:s9+$0xFFFFFE40]  }
0x6d: {  	v10 =	vld [tilespmem:s9+$0xFFFFFE80]  }
0x6e: {  	v11 =	vld [tilespmem:s9+$0xFFFFFEC0]  }
0x6f: {  	v12 =	vld [tilespmem:s9+$0xFFFFFF00]  }
0x70: {  	v13 =	vld [tilespmem:s9+$0xFFFFFF40]  }
0x71: {  	v14 =	vld [tilespmem:s9+$0xFFFFFF80]  }
0x72: {  	v2 =	vimm.s32 $0x0;
	v46 =	vmov v15;
	v18 =	vadd.s32 $0xF, v62;
	v15 =	vld [tilespmem:s9+$0x180]  }
0x73: {  	v17 =	vld [tilespmem:s9+$0x140];
	[tilespmem:$0x1FC40] =	vst v18;
	v18 =	vadd.s32 v18, v2  }
0x74: {  	v20 =	vadd.s32 v20, v2;
	v23 =	vld [tilespmem:s9+$0xC0]  }
0x75: {  	v24 =	vadd.s32 v58, v2;
	v28 =	vadd.s32 v41, v2;
	v27 =	vld [tilespmem:s9+$0x80]  }
0x76: {  	v29 =	vadd.s32 v29, v2;
	v31 =	vadd.s32 v50, v2;
	v4 =	vld [tilespmem:s19+$0x18820];
	v8 =	vadd.f32 v8, v5  }
0x77: {  	v16 =	vadd.f32 v3, v5;
	v3 =	vadd.s32 v19, v2;
	v19 =	vld [tilespmem:s9+$0x100];
	v15 =	vadd.f32 v15, v5  }
0x78: {  	v41 =	vadd.s32 v56, v2;
	v1 =	vld [tilespmem:s19+$0x18830];
	v17 =	vadd.f32 v17, v5;
	[tilespmem:v18+s25+$0x0] =	vst.idx.msk $0xffff, v8  }
0x79: {  	v30 =	vld [tilespmem:s9+$0x40];
	v13 =	vadd.f32 v13, v5;
	[tilespmem:v20+s25+$0x0] =	vst.idx.msk $0xffff, v15;
	v20 =	vadd.f32 v23, v5  }
0x7a: {  	v60 =	vld [tilespmem:s9+$0x0];
	[tilespmem:v24+s25+$0x0] =	vst.idx.msk $0xffff, v17;
	v24 =	vadd.f32 v27, v5;
	v27 =	vadd.s32 v62, v2  }
0x7b: {  	v8 =	vld [tilespmem:s9+$0xFFFFFFC0];
	v18 =	vadd.s32 v53, v2;
	[tilespmem:v29+s25+$0x0] =	vst.idx.msk $0xffff, v13  }
0x7c: {  	v17 =	vld [tilespmem:s9+$0x190];
	[tilespmem:v31+s25+$0x0] =	vst.idx.msk $0xffff, v20;
	v19 =	vadd.f32 v19, v5  }
0x7d: {  	v15 =	vadd.s32 v47, v2;
	v29 =	vld [tilespmem:s9+$0xFFFFFF50];
	[tilespmem:v41+s25+$0x0] =	vst.idx.msk $0xffff, v24  }
0x7e: {  	v23 =	vadd.s32 v43, v2;
	v24 =	vld [tilespmem:s9+$0xD0];
	[tilespmem:v28+s25+$0x0] =	vst.idx.msk $0xffff, v19;
	v28 =	vadd.f32 v30, v5  }
0x7f: {  	v19 =	vld [tilespmem:s9+$0x150];
	v30 =	vadd.s32 v9, v2;
	[tilespmem:v27+s25+$0x0] =	vst.idx.msk $0xffff, v16  }
0x80: {  	v31 =	vadd.f32 v60, v5;
	v20 =	vld [tilespmem:s9+$0x110];
	[tilespmem:v18+s25+$0x0] =	vst.idx.msk $0xffff, v28;
	v28 =	vadd.s32 v32, v2  }
0x81: {  	v25 =	vadd.s32 v25, v2;
	v8 =	vadd.f32 v8, v5;
	v16 =	vadd.s32 v42, v2;
	v27 =	vld [tilespmem:s9+$0xFFFFFE10]  }
0x82: {  	v26 =	vadd.s32 v26, v2;
	v14 =	vadd.f32 v14, v5;
	[tilespmem:v15+s25+$0x0] =	vst.idx.msk $0xffff, v31;
	v18 =	vld [tilespmem:s9+$0x90]  }
0x83: {  	v12 =	vadd.f32 v12, v5;
	v17 =	vadd.f32 v17, v6;
	[tilespmem:v23+s25+$0x0] =	vst.idx.msk $0xffff, v8;
	v8 =	vld [tilespmem:s9+$0x10]  }
0x84: {  	v15 =	vld [tilespmem:s9+$0x50];
	[tilespmem:v30+s25+$0x0] =	vst.idx.msk $0xffff, v14;
	v14 =	vadd.f32 v24, v6;
	v24 =	vadd.s32 v45, v2  }
0x85: {  	v11 =	vadd.f32 v11, v5;
	v23 =	vld [tilespmem:s9+$0xFFFFFFD0];
	[tilespmem:v28+s25+$0x0] =	vst.idx.msk $0xffff, v17;
	v28 =	vadd.s32 v35, v2  }
0x86: {  	v22 =	vadd.s32 v22, v2;
	v19 =	vadd.f32 v19, v6;
	[tilespmem:v16+s25+$0x0] =	vst.idx.msk $0xffff, v12;
	v13 =	vld [tilespmem:s9+$0xFFFFFF90]  }
0x87: {  	v10 =	vadd.f32 v10, v5;
	[tilespmem:v25+s25+$0x0] =	vst.idx.msk $0xffff, v11;
	v11 =	vld [tilespmem:s9+$0xFFFFFF10]  }
0x88: {  	v17 =	vld [tilespmem:s9+$0x1D0];
	v30 =	vadd.f32 v8, v6;
	[tilespmem:v26+s25+$0x0] =	vst.idx.msk $0xffff, v19;
	v8 =	vadd.f32 v27, v6  }
0x89: {  	v9 =	vadd.f32 v63, v5;
	v19 =	vld [tilespmem:s9+$0x160];
	[tilespmem:v24+s25+$0x0] =	vst.idx.msk $0xffff, v10  }
0x8a: {  	v21 =	vadd.s32 v0, v2;
	v24 =	vld [tilespmem:s9+$0xFFFFFED0];
	[tilespmem:v28+s25+$0x0] =	vst.idx.msk $0xffff, v8  }
0x8b: {  	v16 =	vadd.f32 v23, v6;
	v23 =	vadd.s32 v59, v2;
	v8 =	vld [tilespmem:$0x1FC60];
	[tilespmem:v22+s25+$0x0] =	vst.idx.msk $0xffff, v9  }
0x8c: {  	v9 =	vld [tilespmem:$0x1FC80]  }
0x8d: {  	v25 =	vadd.s32 v48, v2;
	v26 =	vld [tilespmem:s9+$0xFFFFFE90]  }
0x8e: {  	v18 =	vadd.f32 v18, v6;
	v27 =	vadd.s32 v39, v2;
	v12 =	vld [tilespmem:s9+$0xFFFFFE20]  }
0x8f: {  	v31 =	vadd.s32 v44, v2;
	v28 =	vld [tilespmem:s9+$0xFFFFFE50];
	[tilespmem:v21+s25+$0x0] =	vst.idx.msk $0xffff, v14;
	v14 =	vadd.s32 $0x108F, v62  }
0x90: {  	v41 =	vmov v32;
	v32 =	vld [tilespmem:$0x1FC90];
	[tilespmem:v23+s25+$0x0] =	vst.idx.msk $0xffff, v18;
	v21 =	vadd.s32 v14, v2  }
0x91: {  	v15 =	vadd.f32 v15, v6;
	v18 =	vld [tilespmem:s9+$0x1A0];
	[tilespmem:$0x1FC50] =	vst v14;
	v22 =	vadd.s32 v9, v2  }
0x92: {  	[tilespmem:v25+s25+$0x0] =	vst.idx.msk $0xffff, v30;
	v25 =	vadd.s32 v49, v2  }
0x93: {  	v17 =	vadd.f32 v17, v6;
	v30 =	vadd.s32 v55, v2;
	[tilespmem:v27+s25+$0x0] =	vst.idx.msk $0xffff, v15  }
0x94: {  	v13 =	vadd.f32 v13, v6;
	v27 =	vadd.s32 v36, v2;
	[tilespmem:v31+s25+$0x0] =	vst.idx.msk $0xffff, v16  }
0x95: {  	v56 =	vadd.s32 v54, v2;
	v20 =	vadd.f32 v20, v6;
	[tilespmem:v21+s25+$0x0] =	vst.idx.msk $0xffff, v17  }
0x96: {  	v58 =	vmov v61;
	v61 =	vadd.s32 v52, v2;
	v23 =	vld [tilespmem:s9+$0xE0];
	[tilespmem:v22+s25+$0x0] =	vst.idx.msk $0xffff, v13;
	v22 =	vadd.f32 v24, v6  }
0x97: {  	v14 =	vld [tilespmem:s9+$0xA0];
	v17 =	vadd.f32 v19, v4;
	[tilespmem:v25+s25+$0x0] =	vst.idx.msk $0xffff, v20  }
0x98: {  	v11 =	vadd.f32 v11, v6;
	v59 =	vld [tilespmem:s9+$0x20];
	[tilespmem:v30+s25+$0x0] =	vst.idx.msk $0xffff, v22  }
0x99: {  	v47 =	vmov v55;
	v55 =	vmov v45;
	v20 =	vadd.f32 v28, v6;
	v45 =	vld [tilespmem:$0x1FF60];
	[tilespmem:v27+s25+$0x0] =	vst.idx.msk $0xffff, v17  }
0x9a: {  	v21 =	vld [tilespmem:s9+$0x1E0];
	[tilespmem:v56+s25+$0x0] =	vst.idx.msk $0xffff, v11  }
0x9b: {  	v25 =	vld [tilespmem:s9+$0xFFFFFFE0];
	[tilespmem:v61+s25+$0x0] =	vst.idx.msk $0xffff, v20  }
0x9c: {  	v53 =	vmov v40;
	v16 =	vadd.f32 v18, v4;
	v18 =	vadd.s32 v40, v2;
	v40 =	vld [tilespmem:$0x1FCA0]  }
0x9d: {  	v13 =	vld [tilespmem:s9+$0x60]  }
0x9e: {  	v15 =	vadd.s32 v51, v2;
	v24 =	vld [tilespmem:s9+$0xFFFFFFA0]  }
0x9f: {  	v22 =	vld [tilespmem:s9+$0x120];
	v11 =	vadd.f32 v29, v6;
	v19 =	vadd.s32 v45, v2  }
0xa0: {  	v60 =	vmov v0;
	v27 =	vadd.s32 v58, v2;
	v29 =	vld [tilespmem:s9+$0xFFFFFEE0]  }
0xa1: {  	v0 =	vmov v62;
	v26 =	vadd.f32 v26, v6;
	v62 =	vld [tilespmem:s9+$0x170];
	[tilespmem:v18+s25+$0x0] =	vst.idx.msk $0xffff, v11;
	v61 =	vadd.s32 v40, v2  }
0xa2: {  	v48 =	vmov v51;
	v20 =	vadd.f32 v23, v4;
	v51 =	vld [tilespmem:$0x1FE70]  }
0xa3: {  	v11 =	vadd.f32 v24, v4;
	v42 =	vld [tilespmem:$0x1FC70];
	[tilespmem:v15+s25+$0x0] =	vst.idx.msk $0xffff, v26  }
0xa4: {  	v17 =	vld [tilespmem:s9+$0xFFFFFF20];
	v30 =	vadd.f32 v13, v4;
	[tilespmem:v19+s25+$0x0] =	vst.idx.msk $0xffff, v20  }
0xa5: {  	v39 =	vmov v52;
	v52 =	vld [tilespmem:$0x1FEB0];
	[tilespmem:v27+s25+$0x0] =	vst.idx.msk $0xffff, v11  }
0xa6: {  	v9 =	vadd.s32 v46, v2;
	v46 =	vld [tilespmem:$0x1FCC0];
	[tilespmem:v61+s25+$0x0] =	vst.idx.msk $0xffff, v30  }
0xa7: {  	v43 =	vmov v37;
	v13 =	vadd.s32 v37, v2;
	v24 =	vadd.s32 v51, v2;
	v37 =	vld [tilespmem:$0x1FCD0]  }
0xa8: {  	v56 =	vmov v58;
	v31 =	vld [tilespmem:s9+$0xFFFFFF60];
	v58 =	vadd.s32 v42, v2  }
0xa9: {  	v7 =	vadd.s32 v38, v2;
	v44 =	vmov v54;
	v54 =	vadd.s32 $0x210F, v0;
	v20 =	vld [tilespmem:s9+$0xFFFFFEA0]  }
0xaa: {  	v8 =	vadd.s32 v8, v2;
	v10 =	vadd.s32 v32, v2;
	v19 =	vadd.f32 v25, v4;
	v18 =	vld [tilespmem:s9+$0xF0]  }
0xab: {  	v23 =	vadd.s32 v57, v2;
	v11 =	vadd.f32 v29, v4;
	v29 =	vadd.s32 v54, v2;
	v15 =	vld [tilespmem:s9+$0xFFFFFFB0]  }
0xac: {  	v30 =	vadd.f32 v59, v4;
	[tilespmem:v24+s25+$0x0] =	vst.idx.msk $0xffff, v19;
	v25 =	vld [tilespmem:s9+$0x70];
	v27 =	vadd.s32 v37, v2  }
0xad: {  	[tilespmem:v58+s25+$0x0] =	vst.idx.msk $0xffff, v11;
	v24 =	vadd.f32 v31, v4;
	v19 =	vld [tilespmem:s9+$0xFFFFFFF0];
	v26 =	vadd.s32 v52, v2  }
0xae: {  	s16 =	simm.s32 $0x600;
	s11 =	simm.s32 $0x0;
	v61 =	vmovc v32;
	v31 =	vadd.f32 v62, v1;
	v11 =	vadd.s32 $0x10, v2;
	v58 =	vmovc v36;
	v59 =	vld [tilespmem:$0x1FCB0];
	v28 =	vadd.s32 v46, v2  }
.LBB2_3:
0xaf: {  	_ = 	snop  }
0xb0: {  	v63 =	vld [tilespmem:s9+$0xFFFFFE60]  }
0xb1: {  	[tilespmem:v27+s25+$0x0] =	vst.idx.msk $0xffff, v16;
	v27 =	vld [tilespmem:$0x1FD10]  }
0xb2: {  	[tilespmem:v26+s25+$0x0] =	vst.idx.msk $0xffff, v30;
	v26 =	vld [tilespmem:$0x1FEF0]  }
0xb3: {  	[tilespmem:v28+s25+$0x0] =	vst.idx.msk $0xffff, v31;
	v28 =	vld [tilespmem:s9+$0xFFFFFEF0]  }
0xb4: {  	s16 =	sadd.s32 $0x400, s16;
	v31 =	vld [tilespmem:$0x1FDF0]  }
0xb5: {  	v16 =	vld [tilespmem:s16+$0xFFFFFE00]  }
0xb6: {  	v30 =	vld [tilespmem:s9+$0x30];
	v22 =	vadd.f32 v22, v4  }
0xb7: {  	v27 =	vadd.s32 v27, v2;
	v36 =	vadd.f32 v63, v4;
	v63 =	vld [tilespmem:$0x1FD40]  }
0xb8: {  	v21 =	vadd.f32 v21, v4;
	v26 =	vadd.s32 v26, v2;
	[tilespmem:v23+s25+$0x0] =	vst.idx.msk $0xffff, v22;
	v22 =	vld [tilespmem:s9+$0x1B0]  }
0xb9: {  	v14 =	vadd.f32 v14, v4;
	v23 =	vld [tilespmem:$0x1FDB0]  }
0xba: {  	v31 =	vadd.s32 v31, v2;
	[tilespmem:v29+s25+$0x0] =	vst.idx.msk $0xffff, v21;
	v29 =	vld [tilespmem:$0x1FEC0]  }
0xbb: {  	v25 =	vadd.f32 v25, v1;
	v21 =	vadd.s32 v33, v2;
	[tilespmem:v7+s25+$0x0] =	vst.idx.msk $0xffff, v14;
	v14 =	vld [tilespmem:s9+$0x130]  }
0xbc: {  	[tilespmem:v27+s25+$0x0] =	vst.idx.msk $0xffff, v36;
	v36 =	vld [tilespmem:$0x1FFE0]  }
0xbd: {  	[tilespmem:v26+s25+$0x0] =	vst.idx.msk $0xffff, v25;
	v25 =	vld [tilespmem:s9+$0xB0]  }
0xbe: {  	v32 =	vadd.s32 v34, v2;
	v12 =	vadd.f32 v12, v4;
	v26 =	vld [tilespmem:s9+$0x1F0]  }
0xbf: {  	v33 =	vadd.s32 v63, v2;
	[tilespmem:v31+s25+$0x0] =	vst.idx.msk $0xffff, v24;
	v31 =	vld [tilespmem:$0x1FF30]  }
0xc0: {  	v23 =	vadd.s32 v23, v2;
	[tilespmem:v21+s25+$0x0] =	vst.idx.msk $0xffff, v12;
	v12 =	vld [tilespmem:s9+$0xFFFFFE70]  }
0xc1: {  	v19 =	vadd.f32 v19, v1;
	v27 =	vld [tilespmem:s9+$0xFFFFFF70]  }
0xc2: {  	v20 =	vadd.f32 v20, v4;
	v24 =	vadd.s32 v59, v2;
	v21 =	vadd.f32 v22, v1;
	v22 =	vld [tilespmem:s9+$0xFFFFFE30]  }
0xc3: {  	v17 =	vadd.f32 v17, v4;
	[tilespmem:v32+s25+$0x0] =	vst.idx.msk $0xffff, v19;
	v19 =	vld [tilespmem:s16+$0xFFFFFF40]  }
0xc4: {  	[tilespmem:v33+s25+$0x0] =	vst.idx.msk $0xffff, v20;
	v32 =	vadd.s32 v36, v11;
	v36 =	vld [tilespmem:$0x1FFC0]  }
0xc5: {  	[tilespmem:v23+s25+$0x0] =	vst.idx.msk $0xffff, v17;
	v17 =	vadd.f32 v18, v1;
	v33 =	vld [tilespmem:s9+$0xFFFFFEB0]  }
0xc6: {  	v20 =	vld [tilespmem:s9+$0xFFFFFF30]  }
0xc7: {  	v12 =	vadd.f32 v12, v1;
	[tilespmem:v24+s25+$0x0] =	vst.idx.msk $0xffff, v17;
	v17 =	vld [tilespmem:s16+$0x1C0]  }
0xc8: {  	v24 =	vld [tilespmem:s16+$0xFFFFFE40]  }
0xc9: {  	v22 =	vadd.f32 v22, v1;
	[tilespmem:v8+s25+$0x0] =	vst.idx.msk $0xffff, v12;
	v8 =	vld [tilespmem:$0x1FD60]  }
0xca: {  	v15 =	vadd.f32 v15, v1;
	v63 =	vadd.s32 $0x318E, v0;
	v31 =	vadd.s32 v31, v2;
	v12 =	vld [tilespmem:s16+$0x100]  }
0xcb: {  	v23 =	vadd.f32 v25, v1;
	v25 =	vadd.s32 v63, v2;
	[tilespmem:v13+s25+$0x0] =	vst.idx.msk $0xffff, v22;
	v13 =	vld [tilespmem:$0x1FDC0]  }
0xcc: {  	v22 =	vld [tilespmem:s16+$0xFFFFFF80]  }
0xcd: {  	v62 =	vadd.s32 v38, v11;
	[tilespmem:v10+s25+$0x0] =	vst.idx.msk $0xffff, v15;
	v10 =	vld [tilespmem:$0x1FFA0]  }
0xce: {  	v7 =	vmov v62;
	v62 =	vadd.s32 $0x318F, v0;
	v29 =	vadd.s32 v29, v2;
	v15 =	vld [tilespmem:$0x1FE00]  }
0xcf: {  	v18 =	vadd.s32 v62, v2;
	[tilespmem:v31+s25+$0x0] =	vst.idx.msk $0xffff, v23;
	v23 =	vadd.f32 v26, v1;
	v26 =	vld [tilespmem:s16+$0xFFFFFE80]  }
0xd0: {  	[tilespmem:v25+s25+$0x0] =	vst.idx.msk $0xffff, v21;
	v21 =	vld [tilespmem:s16+$0xFFFFFF00]  }
0xd1: {  	v30 =	vadd.f32 v30, v1;
	v31 =	vld [tilespmem:$0x1FC40]  }
0xd2: {  	v25 =	vadd.f32 v33, v1;
	v33 =	vadd.s32 v36, v11;
	v36 =	vld [tilespmem:$0x1FF70]  }
0xd3: {  	[tilespmem:v29+s25+$0x0] =	vst.idx.msk $0xffff, v30;
	v30 =	vld [tilespmem:s16+$0x180]  }
0xd4: {  	[tilespmem:v18+s25+$0x0] =	vst.idx.msk $0xffff, v23;
	v18 =	vld [tilespmem:s16+$0xFFFFFEC0]  }
0xd5: {  	v23 =	vadd.f32 v27, v1;
	v27 =	vld [tilespmem:$0x1FD80];
	v13 =	vadd.s32 v13, v2  }
0xd6: {  	[tilespmem:v9+s25+$0x0] =	vst.idx.msk $0xffff, v25;
	v9 =	vld [tilespmem:$0x1FCF0]  }
0xd7: {  	v25 =	vld [tilespmem:s16+$0x140];
	v10 =	vadd.s32 v10, v2;
	v15 =	vadd.s32 v15, v11  }
0xd8: {  	v20 =	vadd.f32 v20, v1;
	[tilespmem:v3+s25+$0x0] =	vst.idx.msk $0xffff, v23;
	v3 =	vmov v15;
	v15 =	vld [tilespmem:s16+$0xC0]  }
0xd9: {  	v23 =	vld [tilespmem:$0x1FFB0];
	v31 =	vadd.s32 v31, v11  }
0xda: {  	v14 =	vadd.f32 v14, v1;
	[tilespmem:v13+s25+$0x0] =	vst.idx.msk $0xffff, v20;
	v13 =	vld [tilespmem:$0x1FDD0]  }
0xdb: {  	v34 =	vadd.s32 v36, v11;
	v36 =	vadd.s32 v0, v11;
	v30 =	vadd.f32 v30, v5;
	v20 =	vld [tilespmem:s16+$0x80]  }
0xdc: {  	v17 =	vadd.f32 v17, v5;
	v27 =	vadd.s32 v27, v2;
	[tilespmem:v10+s25+$0x0] =	vst.idx.msk $0xffff, v14;
	v10 =	vld [tilespmem:s16+$0x40]  }
0xdd: {  	[tilespmem:v32+s25+$0x0] =	vst.idx.msk $0xffff, v30;
	v30 =	vld [tilespmem:$0x1FE90]  }
0xde: {  	v16 =	vadd.f32 v16, v5;
	v9 =	vadd.s32 v9, v11;
	[tilespmem:v31+s25+$0x0] =	vst.idx.msk $0xffff, v17;
	v17 =	vld [tilespmem:s16+$0xFFFFFFC0]  }
0xdf: {  	v28 =	vadd.f32 v28, v1;
	v14 =	vadd.s32 v50, v11;
	v31 =	vld [tilespmem:$0x1FED0]  }
0xe0: {  	v12 =	vadd.f32 v12, v5;
	[tilespmem:v36+s25+$0x0] =	vst.idx.msk $0xffff, v16;
	v16 =	vadd.f32 v21, v5;
	v21 =	vld [tilespmem:$0x1FD90]  }
0xe1: {  	v8 =	vadd.s32 v8, v11;
	v24 =	vadd.f32 v24, v5;
	[tilespmem:v27+s25+$0x0] =	vst.idx.msk $0xffff, v28;
	v27 =	vld [tilespmem:s16+$0x0]  }
0xe2: {  	v15 =	vadd.f32 v15, v5;
	[tilespmem:v34+s25+$0x0] =	vst.idx.msk $0xffff, v12;
	v28 =	vld [tilespmem:$0x1FF00]  }
0xe3: {  	v23 =	vadd.s32 v23, v11;
	[tilespmem:v9+s25+$0x0] =	vst.idx.msk $0xffff, v24;
	v9 =	vld [tilespmem:$0x1FC80]  }
0xe4: {  	v18 =	vadd.f32 v18, v5;
	[tilespmem:v14+s25+$0x0] =	vst.idx.msk $0xffff, v15;
	v14 =	vld [tilespmem:s16+$0x110]  }
0xe5: {  	v15 =	vld [tilespmem:$0x1FE10]  }
0xe6: {  	v25 =	vadd.f32 v25, v5;
	v13 =	vadd.s32 v13, v11;
	[tilespmem:v8+s25+$0x0] =	vst.idx.msk $0xffff, v18;
	v8 =	vld [tilespmem:$0x1FF10]  }
0xe7: {  	v30 =	vadd.s32 v30, v11;
	v32 =	vld [tilespmem:s16+$0xFFFFFE50]  }
0xe8: {  	[tilespmem:v23+s25+$0x0] =	vst.idx.msk $0xffff, v25;
	v25 =	vld [tilespmem:$0x1FE50];
	v31 =	vadd.s32 v31, v11  }
0xe9: {  	v19 =	vadd.f32 v19, v5;
	v23 =	vld [tilespmem:s16+$0x190];
	v28 =	vadd.s32 v28, v11  }
0xea: {  	v12 =	vld [tilespmem:s16+$0x150];
	v21 =	vadd.s32 v21, v11;
	v27 =	vadd.f32 v27, v5  }
0xeb: {  	v10 =	vadd.f32 v10, v5;
	v24 =	vadd.s32 v9, v11;
	v9 =	vld [tilespmem:$0x1FD50];
	[tilespmem:v13+s25+$0x0] =	vst.idx.msk $0xffff, v19  }
0xec: {  	v20 =	vadd.f32 v20, v5;
	v15 =	vadd.s32 v15, v11;
	[tilespmem:v30+s25+$0x0] =	vst.idx.msk $0xffff, v27;
	v30 =	vld [tilespmem:s16+$0xFFFFFE10]  }
0xed: {  	v25 =	vadd.s32 v25, v11;
	v19 =	vld [tilespmem:s16+$0xFFFFFF50];
	[tilespmem:v31+s25+$0x0] =	vst.idx.msk $0xffff, v10  }
0xee: {  	[tilespmem:v28+s25+$0x0] =	vst.idx.msk $0xffff, v20;
	v20 =	vld [tilespmem:s16+$0xD0]  }
0xef: {  	v22 =	vadd.f32 v22, v5;
	[tilespmem:v21+s25+$0x0] =	vst.idx.msk $0xffff, v16;
	v27 =	vld [tilespmem:s16+$0x50];
	v28 =	vadd.s32 v41, v11  }
0xf0: {  	v17 =	vadd.f32 v17, v5;
	v18 =	vld [tilespmem:s16+$0xFFFFFF10]  }
0xf1: {  	v10 =	vld [tilespmem:s16+$0x90];
	[tilespmem:v15+s25+$0x0] =	vst.idx.msk $0xffff, v22  }
0xf2: {  	v23 =	vadd.f32 v23, v6;
	v22 =	vadd.s32 v55, v11;
	[tilespmem:v25+s25+$0x0] =	vst.idx.msk $0xffff, v17;
	v17 =	vld [tilespmem:s16+$0x10]  }
0xf3: {  	v13 =	vld [tilespmem:s16+$0xFFFFFF90];
	v15 =	vadd.f32 v20, v6;
	v20 =	vadd.f32 v26, v5;
	v26 =	vadd.s32 v35, v11  }
0xf4: {  	v12 =	vadd.f32 v12, v6;
	[tilespmem:v28+s25+$0x0] =	vst.idx.msk $0xffff, v23;
	v28 =	vadd.s32 v8, v11;
	v8 =	vld [tilespmem:$0x1FEA0]  }
0xf5: {  	v29 =	vadd.s32 v60, v11;
	v25 =	vld [tilespmem:s16+$0xFFFFFFD0]  }
0xf6: {  	[tilespmem:v33+s25+$0x0] =	vst.idx.msk $0xffff, v12;
	v23 =	vld [tilespmem:s16+$0x1D0];
	v21 =	vadd.f32 v10, v6;
	v10 =	vadd.f32 v30, v6  }
0xf7: {  	[tilespmem:v22+s25+$0x0] =	vst.idx.msk $0xffff, v20;
	v20 =	vld [tilespmem:s16+$0xFFFFFED0]  }
0xf8: {  	[tilespmem:v26+s25+$0x0] =	vst.idx.msk $0xffff, v10;
	v10 =	vld [tilespmem:$0x1FEE0]  }
0xf9: {  	v22 =	vadd.s32 v8, v11;
	[tilespmem:v28+s25+$0x0] =	vst.idx.msk $0xffff, v21;
	v21 =	vld [tilespmem:$0x1FC50]  }
0xfa: {  	[tilespmem:v29+s25+$0x0] =	vst.idx.msk $0xffff, v15;
	v15 =	vld [tilespmem:s16+$0x1A0]  }
0xfb: {  	v33 =	vadd.s32 v44, v11;
	v16 =	vadd.f32 v25, v6;
	v25 =	vld [tilespmem:s16+$0x160]  }
0xfc: {  	v17 =	vadd.f32 v17, v6;
	v8 =	vld [tilespmem:$0x1FC60];
	v28 =	vadd.s32 v47, v11  }
0xfd: {  	v31 =	vadd.f32 v14, v6;
	v13 =	vadd.f32 v13, v6;
	v30 =	vadd.s32 v10, v11;
	v10 =	vld [tilespmem:$0x1FE60]  }
0xfe: {  	v18 =	vadd.f32 v18, v6;
	v21 =	vadd.s32 v21, v11;
	[tilespmem:v22+s25+$0x0] =	vst.idx.msk $0xffff, v17;
	v17 =	vld [tilespmem:s16+$0xE0]  }
0xff: {  	[tilespmem:v24+s25+$0x0] =	vst.idx.msk $0xffff, v13;
	v26 =	vld [tilespmem:s16+$0xFFFFFE90];
	v20 =	vadd.f32 v20, v6;
	v22 =	vadd.s32 v49, v11  }
0x100: {  	v27 =	vadd.f32 v27, v6;
	[tilespmem:v33+s25+$0x0] =	vst.idx.msk $0xffff, v18;
	v24 =	vadd.s32 v58, v11;
	v36 =	vld [tilespmem:s16+$0xFFFFFFA0]  }
0x101: {  	v23 =	vadd.f32 v23, v6;
	v12 =	vld [tilespmem:s16+$0xFFFFFE20];
	[tilespmem:v28+s25+$0x0] =	vst.idx.msk $0xffff, v20;
	v20 =	vadd.s32 v45, v11  }
0x102: {  	v29 =	vld [tilespmem:s16+$0x20];
	v14 =	vadd.s32 v10, v11;
	[tilespmem:v30+s25+$0x0] =	vst.idx.msk $0xffff, v27;
	v30 =	vadd.s32 v39, v11  }
0x103: {  	[tilespmem:v21+s25+$0x0] =	vst.idx.msk $0xffff, v23;
	v23 =	vadd.f32 v25, v4;
	v18 =	vadd.f32 v17, v4;
	v17 =	vld [tilespmem:s16+$0xFFFFFF20]  }
0x104: {  	[tilespmem:v22+s25+$0x0] =	vst.idx.msk $0xffff, v31;
	v13 =	vld [tilespmem:s16+$0x60]  }
0x105: {  	v21 =	vld [tilespmem:s16+$0x1E0];
	[tilespmem:v24+s25+$0x0] =	vst.idx.msk $0xffff, v23  }
0x106: {  	v27 =	vadd.s32 v48, v11;
	v25 =	vadd.f32 v32, v6;
	v22 =	vld [tilespmem:s16+$0x120];
	[tilespmem:v20+s25+$0x0] =	vst.idx.msk $0xffff, v18  }
0x107: {  	v24 =	vld [tilespmem:s16+$0xFFFFFEE0];
	[tilespmem:v14+s25+$0x0] =	vst.idx.msk $0xffff, v16;
	v16 =	vadd.f32 v15, v4;
	v15 =	vadd.s32 v53, v11  }
0x108: {  	v26 =	vadd.f32 v26, v6;
	[tilespmem:v30+s25+$0x0] =	vst.idx.msk $0xffff, v25;
	v25 =	vadd.s32 v40, v11;
	v28 =	vld [tilespmem:s16+$0xFFFFFFE0]  }
0x109: {  	v32 =	vld [tilespmem:s16+$0x170];
	v31 =	vadd.f32 v13, v4;
	v13 =	vadd.f32 v19, v6;
	v19 =	vadd.s32 v56, v11  }
0x10a: {  	v18 =	vld [tilespmem:s16+$0xF0];
	v30 =	vadd.s32 v51, v11  }
0x10b: {  	v33 =	vadd.s32 v42, v11;
	v14 =	vld [tilespmem:s16+$0xA0];
	[tilespmem:v27+s25+$0x0] =	vst.idx.msk $0xffff, v26  }
0x10c: {  	s11 =	sadd.s32 $0x10, s11;
	v9 =	vadd.s32 v9, v11;
	v20 =	vld [tilespmem:s16+$0xFFFFFEA0];
	[tilespmem:v15+s25+$0x0] =	vst.idx.msk $0xffff, v13;
	v15 =	vadd.f32 v36, v4  }
0x10d: {  	p1 =	slt.u32 s11, $0xF0;
	v8 =	vadd.s32 v8, v11;
	v36 =	vmov v35;
	[tilespmem:v25+s25+$0x0] =	vst.idx.msk $0xffff, v31;
	v34 =	vld [tilespmem:s16+$0xFFFFFF60];
	v35 =	vadd.f32 v28, v4  }
.Ltmp0:
0x10e: {  	v10 =	vadd.s32 v61, v11;
	v25 =	vld [tilespmem:s16+$0x70];
	[tilespmem:v19+s25+$0x0] =	vst.idx.msk $0xffff, v15;
	v19 =	vadd.f32 v24, v4;
	(pc) =	sbr.rel @p1 .LBB2_3-.Ltmp0, $4  }
0x10f: {  	v23 =	vadd.s32 v57, v11;
	v26 =	vadd.s32 v52, v11;
	v15 =	vld [tilespmem:s16+$0xFFFFFFB0];
	[tilespmem:v30+s25+$0x0] =	vst.idx.msk $0xffff, v35  }
0x110: {  	v27 =	vadd.s32 v37, v11;
	v13 =	vadd.s32 v43, v11;
	[tilespmem:v33+s25+$0x0] =	vst.idx.msk $0xffff, v19;
	v33 =	vld [tilespmem:$0x1FE20]  }
0x111: {  	v31 =	vadd.f32 v32, v1;
	v28 =	vadd.s32 v46, v11;
	v30 =	vadd.f32 v29, v4;
	v19 =	vld [tilespmem:s16+$0xFFFFFFF0]  }
0x112: {  	s9 =	smov.u32 s16;
	v2 =	vmovc v11;
	v29 =	vadd.s32 v54, v11;
	v11 =	vadd.s32 $0x10, v11;
	v35 =	vmovc v36;
	v24 =	vadd.f32 v34, v4;
	v34 =	vld [tilespmem:$0x1FE80]  }
0x113: {  	_ =	sdelay $0x1  }
0x114: {  	v37 =	vld [tilespmem:$0x1FE10]  }
0x115: {  	v32 =	vld [tilespmem:$0x1FDD0];
	[tilespmem:$0x1FC30] =	vst v54  }
0x116: {  	v61 =	vld [tilespmem:$0x1FD90];
	[tilespmem:v26+s25+$0x0] =	vst.idx.msk $0xffff, v30  }
0x117: {  	v0 =	vld [tilespmem:$0x1FEF0];
	[tilespmem:v28+s25+$0x0] =	vst.idx.msk $0xffff, v31  }
0x118: {  	v41 =	vld [tilespmem:$0x1FDF0];
	[tilespmem:v27+s25+$0x0] =	vst.idx.msk $0xffff, v16  }
0x119: {  	v11 =	vadd.f32 v21, v4;
	v43 =	vld [tilespmem:$0x1FD10]  }
0x11a: {  	v40 =	vadd.f32 v22, v4  }
0x11b: {  	[tilespmem:v29+s25+$0x0] =	vst.idx.msk $0xffff, v11  }
0x11c: {  	v5 =	vld [tilespmem:s9+$0xFFFFFE60];
	[tilespmem:v23+s25+$0x0] =	vst.idx.msk $0xffff, v40;
	v6 =	vadd.s32 v0, v2  }
0x11d: {  	v54 =	vld [tilespmem:$0x1FDB0];
	v42 =	vadd.s32 v41, v2  }
0x11e: {  	v14 =	vadd.f32 v14, v4;
	v44 =	vadd.s32 v43, v2  }
0x11f: {  	v25 =	vadd.f32 v25, v1  }
0x120: {  	v45 =	vadd.s32 v33, v2;
	[tilespmem:v7+s25+$0x0] =	vst.idx.msk $0xffff, v14  }
0x121: {  	v5 =	vadd.f32 v5, v4;
	v47 =	vld [tilespmem:$0x1FD40];
	[tilespmem:v6+s25+$0x0] =	vst.idx.msk $0xffff, v25  }
0x122: {  	v52 =	vld [tilespmem:s9+$0x1F0];
	v46 =	vadd.s32 v54, v2;
	[tilespmem:v42+s25+$0x0] =	vst.idx.msk $0xffff, v24  }
0x123: {  	v12 =	vadd.f32 v12, v4;
	v51 =	vadd.s32 v59, v2;
	v58 =	vld [tilespmem:s9+$0x1B0];
	[tilespmem:v44+s25+$0x0] =	vst.idx.msk $0xffff, v5  }
0x124: {  	v29 =	vadd.s32 v62, v2;
	v56 =	vld [tilespmem:$0x1FF30]  }
0x125: {  	v53 =	vadd.f32 v17, v4;
	v31 =	vadd.s32 v63, v2;
	v60 =	vld [tilespmem:$0x1FEC0];
	[tilespmem:v45+s25+$0x0] =	vst.idx.msk $0xffff, v12  }
0x126: {  	v28 =	vadd.f32 v18, v1;
	v34 =	vadd.s32 v34, v2;
	v12 =	vld [tilespmem:s9+$0xFFFFFE30]  }
0x127: {  	v49 =	vld [tilespmem:s9+$0xB0];
	v39 =	vadd.f32 v52, v1;
	v48 =	vadd.s32 v47, v2;
	[tilespmem:v46+s25+$0x0] =	vst.idx.msk $0xffff, v53  }
0x128: {  	v50 =	vld [tilespmem:s9+$0x30];
	v17 =	vadd.f32 v58, v1;
	[tilespmem:v51+s25+$0x0] =	vst.idx.msk $0xffff, v28  }
0x129: {  	v42 =	vadd.f32 v19, v1;
	[tilespmem:v29+s25+$0x0] =	vst.idx.msk $0xffff, v39;
	v57 =	vadd.s32 v56, v2  }
0x12a: {  	v27 =	vadd.f32 v20, v4;
	[tilespmem:v31+s25+$0x0] =	vst.idx.msk $0xffff, v17;
	v0 =	vadd.s32 v60, v2  }
0x12b: {  	[tilespmem:v34+s25+$0x0] =	vst.idx.msk $0xffff, v42;
	v44 =	vadd.f32 v12, v1  }
0x12c: {  	v30 =	vadd.f32 v49, v1;
	[tilespmem:v48+s25+$0x0] =	vst.idx.msk $0xffff, v27  }
0x12d: {  	v14 =	vadd.f32 v50, v1;
	v41 =	vld [tilespmem:s9+$0xFFFFFF70];
	[tilespmem:v13+s25+$0x0] =	vst.idx.msk $0xffff, v44  }
0x12e: {  	v40 =	vld [tilespmem:s9+$0xFFFFFE70];
	v46 =	vadd.f32 v15, v1;
	[tilespmem:v57+s25+$0x0] =	vst.idx.msk $0xffff, v30  }
0x12f: {  	v38 =	vld [tilespmem:s9+$0xFFFFFEB0];
	[tilespmem:v0+s25+$0x0] =	vst.idx.msk $0xffff, v14  }
0x130: {  	v48 =	vld [tilespmem:$0x1FDC0];
	[tilespmem:v10+s25+$0x0] =	vst.idx.msk $0xffff, v46  }
0x131: {  	v51 =	vld [tilespmem:$0x1FFA0]  }
0x132: {  	v56 =	vld [tilespmem:$0x1FD80]  }
0x133: {  	v43 =	vld [tilespmem:s9+$0xFFFFFF30]  }
0x134: {  	v45 =	vld [tilespmem:s9+$0x130]  }
0x135: {  	v47 =	vld [tilespmem:s9+$0xFFFFFEF0];
	v5 =	vadd.f32 v38, v1;
	v49 =	vadd.s32 v48, v2  }
0x136: {  	v50 =	vadd.f32 v40, v1;
	v52 =	vadd.s32 v51, v2  }
0x137: {  	v53 =	vadd.f32 v41, v1;
	[tilespmem:v9+s25+$0x0] =	vst.idx.msk $0xffff, v5;
	v57 =	vadd.s32 v56, v2  }
0x138: {  	v4 =	vadd.f32 v43, v1;
	[tilespmem:v8+s25+$0x0] =	vst.idx.msk $0xffff, v50  }
0x139: {  	v58 =	vadd.f32 v45, v1;
	[tilespmem:v3+s25+$0x0] =	vst.idx.msk $0xffff, v53  }
0x13a: {  	v60 =	vadd.f32 v47, v1;
	[tilespmem:v49+s25+$0x0] =	vst.idx.msk $0xffff, v4  }
0x13b: {  	[tilespmem:v52+s25+$0x0] =	vst.idx.msk $0xffff, v58  }
0x13c: {  	s19 =	sshll.u32 s14, $0x12;
	[tilespmem:v57+s25+$0x0] =	vst.idx.msk $0xffff, v60  }
0x13d: {  	s18 =	simm.s32 $0x0;
	s9 =	sor.u32 s5, s19;
	_ =	swait.ge [sflag:s26], $0x100  }
0x13e: {  	s11 =	simm.s32 $0x400;
	s9 =	sshrl.u32 s9, $0x3;
	[sflag:s26] =	ssyncset.done $0x0  }
0x13f: {  	s16 =	simm.s32 $0x200;
	s9 =	sadd.s32 s7, s9;
	[sflag:s26] =	ssyncadd.s32 $0xFFFFFF00  }
0x140: {  	[tilespmem:s11], [sflag:$0x1] =	stream.indirect.gather [hbm4b:s3+s17], $0x40, s18, s17, $0xb8;
	[tilespmem:$0x1BA00] =	vst v63  }
0x141: {  	s19 =	sadd.s32 $0x0, s9;
	v51 =	vmov v59;
	s11 =	simm.s32 $0x10400;
	s18 =	simm.s32 $0x10508  }
.LBB2_5:
0x142: {  	[hbm4b:s19+s2] =	stream.linear.scatter [tilespmem:s11], [sflag:$0x9], $0x100, $0x38;
	[tilespmem:$0x1BA00] =	vst v63  }
0x143: {  	s19 =	smov.u32 s16;
	s11 =	smov.u32 s18;
	p1 =	sne.s32 s16, $0x7E00  }
.Ltmp1:
0x144: {  	s16 =	sadd.s32 $0x200, s16;
	(pc) =	sbr.rel @p1 .LBB2_5-.Ltmp1, $2  }
0x145: {  	_ =	sdelay $0x2  }
0x146: {  	s18 =	sadd.s32 $0x108, s18;
	s19 =	sadd.s32 s19, s9  }
0x147: {  	[hbm4b:s19+s2] =	stream.linear.scatter [tilespmem:s11], [sflag:$0x9], $0x100, $0x38;
	[tilespmem:$0x1BA00] =	vst v63  }
0x148: {  	s9 =	sadd.s32 $0x5, s14  }
0x149: {  	s9 =	smin.u32 s9, s13  }
0x14a: {  	s9 =	sshll.u32 s9, $0xC  }
0x14b: {  	_ =	swait.ge [sflag:s28], $0x4000;
	s9 =	sor.u32 s5, s9  }
0x14c: {  	[sflag:s28] =	ssyncset.done $0x0;
	s9 =	sshrl.u32 s9, $0x3  }
0x14d: {  	s11 =	simm.s32 @!p0 $0xA;
	[sflag:s28] =	ssyncadd.s32 $0xFFFFC000;
	s9 =	sadd.s32 s4, s9  }
0x14e: {  	[tilespmem:s17], [sflag:$0x6] =	stream.linear.gather [hbm4b:s9+s2], $0x100, $0x38;
	[tilespmem:$0x1BA00] =	vst v63  }
0x14f: {  	_ =	swait.ge @!p0 [sflag:s11], $0x4000  }
0x150: {  	v0 =	vld [tilespmem:$0x1FC40];
	_ =	sdelay $0x3  }
0x151: {  	v2 =	vimm.s32 $0x0  }
0x152: {  	v17 =	vadd.s32 v0, v2;
	v0 =	vld [tilespmem:$0x1FE40];
	_ =	sdelay $0x4  }
0x153: {  	v18 =	vadd.s32 v0, v2;
	v0 =	vld [tilespmem:$0x1FFE0];
	_ =	sdelay $0x4  }
0x154: {  	v21 =	vadd.s32 v0, v2;
	v0 =	vld [tilespmem:$0x1FC50];
	_ =	sdelay $0x4  }
0x155: {  	v22 =	vadd.s32 v0, v2;
	v0 =	vld [tilespmem:$0x1FFB0];
	_ =	sdelay $0x4  }
0x156: {  	v24 =	vadd.s32 v0, v2;
	v0 =	vld [tilespmem:$0x1FEE0]  }
0x157: {  	s9 =	sor.u32 $0x1, s14  }
0x158: {  	s16 =	sshll.u32 s9, $0x6;
	[sflag:s11] =	ssyncset.done @!p0 $0x0  }
0x159: {  	s19 =	sand.u32 $0x3FFFFFC0, s16;
	[sflag:s11] =	ssyncadd.s32 @!p0 $0xFFFFC000  }
0x15a: {  	v4 =	vld [tilespmem:s19+$0x18800]  }
0x15b: {  	s11 =	simm.s32 $0x4600;
	v25 =	vadd.s32 v0, v2;
	v0 =	vld [tilespmem:$0x1FF70]  }
0x15c: {  	v11 =	vld [tilespmem:s11+$0x1C0]  }
0x15d: {  	v12 =	vld [tilespmem:s11+$0xFFFFFE00];
	_ =	sdelay $0x2  }
0x15e: {  	v27 =	vadd.s32 v0, v2;
	v0 =	vld [tilespmem:$0x1FF40]  }
0x15f: {  	v5 =	vld [tilespmem:s19+$0x18810];
	v11 =	vadd.f32 v11, v4  }
0x160: {  	v3 =	vld [tilespmem:s19+$0x18820];
	v12 =	vadd.f32 v12, v4  }
0x161: {  	v1 =	vld [tilespmem:s19+$0x18830];
	[tilespmem:v17+s29+$0x0] =	vst.idx.msk $0xffff, v11  }
0x162: {  	[tilespmem:v18+s29+$0x0] =	vst.idx.msk $0xffff, v12  }
0x163: {  	v29 =	vadd.s32 v0, v2;
	v0 =	vld [tilespmem:$0x1FF00];
	_ =	sdelay $0x1  }
0x164: {  	v16 =	vld [tilespmem:s11+$0x180];
	_ =	sdelay $0x1  }
0x165: {  	v19 =	vld [tilespmem:s11+$0x140]  }
0x166: {  	v12 =	vadd.s32 v0, v2;
	v0 =	vld [tilespmem:$0x1FED0];
	_ =	sdelay $0x1  }
0x167: {  	v20 =	vld [tilespmem:s11+$0x100];
	v16 =	vadd.f32 v16, v4;
	_ =	sdelay $0x1  }
0x168: {  	[tilespmem:v21+s29+$0x0] =	vst.idx.msk $0xffff, v16  }
0x169: {  	v17 =	vadd.f32 v19, v4;
	v19 =	vadd.s32 v0, v2;
	v0 =	vld [tilespmem:$0x1FE90]  }
0x16a: {  	v23 =	vld [tilespmem:s11+$0xC0]  }
0x16b: {  	v26 =	vld [tilespmem:s11+$0x80];
	v20 =	vadd.f32 v20, v4  }
0x16c: {  	[tilespmem:v24+s29+$0x0] =	vst.idx.msk $0xffff, v17  }
0x16d: {  	[tilespmem:v27+s29+$0x0] =	vst.idx.msk $0xffff, v20  }
0x16e: {  	v21 =	vadd.s32 v0, v2;
	v0 =	vld [tilespmem:$0x1FE50]  }
0x16f: {  	v23 =	vadd.f32 v23, v4  }
0x170: {  	v26 =	vadd.f32 v26, v4  }
0x171: {  	[tilespmem:v29+s29+$0x0] =	vst.idx.msk $0xffff, v23  }
0x172: {  	[tilespmem:v12+s29+$0x0] =	vst.idx.msk $0xffff, v26  }
0x173: {  	v20 =	vadd.s32 v0, v2;
	v0 =	vld [tilespmem:$0x1FFC0];
	_ =	sdelay $0x2  }
0x174: {  	v9 =	vld [tilespmem:s11+$0x0]  }
0x175: {  	v28 =	vld [tilespmem:s11+$0x40]  }
0x176: {  	v12 =	vadd.s32 v0, v2;
	v0 =	vld [tilespmem:$0x1FFF0]  }
0x177: {  	v8 =	vld [tilespmem:s11+$0xFFFFFFC0]  }
0x178: {  	v11 =	vld [tilespmem:s11+$0xFFFFFF80]  }
0x179: {  	v24 =	vld [tilespmem:s11+$0x190]  }
0x17a: {  	v28 =	vadd.f32 v28, v4;
	v23 =	vadd.s32 v37, v2  }
0x17b: {  	v9 =	vadd.f32 v9, v4;
	v30 =	vadd.s32 v0, v2  }
0x17c: {  	v14 =	vld [tilespmem:s11+$0xFFFFFF00];
	v8 =	vadd.f32 v8, v4;
	[tilespmem:v19+s29+$0x0] =	vst.idx.msk $0xffff, v28  }
0x17d: {  	v15 =	vld [tilespmem:s11+$0xFFFFFF40];
	v11 =	vadd.f32 v11, v4;
	[tilespmem:v21+s29+$0x0] =	vst.idx.msk $0xffff, v9  }
0x17e: {  	v27 =	vld [tilespmem:s11+$0x150];
	v24 =	vadd.f32 v24, v5;
	[tilespmem:v20+s29+$0x0] =	vst.idx.msk $0xffff, v8  }
0x17f: {  	v19 =	vadd.s32 v32, v2;
	v48 =	vld [tilespmem:$0x1FD60];
	[tilespmem:v23+s29+$0x0] =	vst.idx.msk $0xffff, v11  }
0x180: {  	v9 =	vadd.s32 v61, v2;
	[tilespmem:v30+s29+$0x0] =	vst.idx.msk $0xffff, v24  }
0x181: {  	v0 =	vld [tilespmem:$0x1FCF0]  }
0x182: {  	v7 =	vld [tilespmem:s11+$0xFFFFFEC0];
	v15 =	vadd.f32 v15, v4  }
0x183: {  	v13 =	vld [tilespmem:s11+$0xFFFFFE80];
	v14 =	vadd.f32 v14, v4  }
0x184: {  	v20 =	vadd.f32 v27, v5;
	v27 =	vadd.s32 v48, v2;
	[tilespmem:v19+s29+$0x0] =	vst.idx.msk $0xffff, v15  }
0x185: {  	v17 =	vadd.s32 v55, v2;
	[tilespmem:v9+s29+$0x0] =	vst.idx.msk $0xffff, v14  }
0x186: {  	v24 =	vadd.s32 v0, v2;
	v0 =	vld [tilespmem:$0x1FF50]  }
0x187: {  	v7 =	vadd.f32 v7, v4  }
0x188: {  	v10 =	vld [tilespmem:s11+$0xFFFFFE40];
	v13 =	vadd.f32 v13, v4;
	[tilespmem:v12+s29+$0x0] =	vst.idx.msk $0xffff, v20  }
0x189: {  	[tilespmem:v27+s29+$0x0] =	vst.idx.msk $0xffff, v7  }
0x18a: {  	[tilespmem:v17+s29+$0x0] =	vst.idx.msk $0xffff, v13  }
0x18b: {  	v14 =	vadd.s32 v0, v2;
	v0 =	vld [tilespmem:$0x1FF10];
	_ =	sdelay $0x1  }
0x18c: {  	v10 =	vadd.f32 v10, v4  }
0x18d: {  	v21 =	vld [tilespmem:s11+$0x50]  }
0x18e: {  	v8 =	vld [tilespmem:s11+$0x10];
	[tilespmem:v24+s29+$0x0] =	vst.idx.msk $0xffff, v10  }
0x18f: {  	v12 =	vadd.s32 v0, v2;
	v0 =	vld [tilespmem:$0x1FEA0];
	_ =	sdelay $0x1  }
0x190: {  	v26 =	vld [tilespmem:s11+$0xD0];
	_ =	sdelay $0x1  }
0x191: {  	v23 =	vld [tilespmem:s11+$0xFFFFFF90]  }
0x192: {  	v30 =	vadd.f32 v8, v5;
	v8 =	vadd.f32 v21, v5;
	v21 =	vadd.s32 v0, v2;
	v0 =	vld [tilespmem:$0x1FF20]  }
0x193: {  	v18 =	vld [tilespmem:s11+$0x1D0]  }
0x194: {  	v26 =	vadd.f32 v26, v5;
	v28 =	vld [tilespmem:s11+$0x90]  }
0x195: {  	v11 =	vld [tilespmem:s11+$0xFFFFFFD0]  }
0x196: {  	v16 =	vld [tilespmem:s11+$0xFFFFFE10];
	[tilespmem:v14+s29+$0x0] =	vst.idx.msk $0xffff, v26  }
0x197: {  	v17 =	vadd.f32 v23, v5;
	v23 =	vadd.s32 v0, v2;
	v0 =	vld [tilespmem:$0x1FE60];
	[tilespmem:v25+s29+$0x0] =	vst.idx.msk $0xffff, v8  }
0x198: {  	v57 =	vld [tilespmem:$0x1FDE0]  }
0x199: {  	v14 =	vadd.f32 v18, v5  }
0x19a: {  	v7 =	vadd.f32 v11, v5;
	v11 =	vadd.f32 v28, v5;
	v24 =	vadd.s32 v35, v2  }
0x19b: {  	v9 =	vld [tilespmem:s11+$0xFFFFFF50];
	[tilespmem:v22+s29+$0x0] =	vst.idx.msk $0xffff, v14  }
0x19c: {  	v29 =	vld [tilespmem:s11+$0x110];
	[tilespmem:v12+s29+$0x0] =	vst.idx.msk $0xffff, v11;
	v18 =	vadd.s32 v0, v2  }
0x19d: {  	v16 =	vadd.f32 v16, v5;
	v45 =	vld [tilespmem:$0x1FD30];
	v28 =	vadd.s32 v57, v2  }
0x19e: {  	v0 =	vld [tilespmem:$0x1FF80];
	[tilespmem:v21+s29+$0x0] =	vst.idx.msk $0xffff, v30  }
0x19f: {  	v19 =	vld [tilespmem:s11+$0xFFFFFF10];
	[tilespmem:v24+s29+$0x0] =	vst.idx.msk $0xffff, v16  }
0x1a0: {  	v9 =	vadd.f32 v9, v5;
	v53 =	vld [tilespmem:$0x1FDA0]  }
0x1a1: {  	v41 =	vld [tilespmem:$0x1FD00];
	[tilespmem:v18+s29+$0x0] =	vst.idx.msk $0xffff, v7  }
0x1a2: {  	v10 =	vld [tilespmem:s11+$0xFFFFFE90];
	[tilespmem:v28+s29+$0x0] =	vst.idx.msk $0xffff, v9  }
0x1a3: {  	v11 =	vadd.s32 v0, v2;
	v0 =	vld [tilespmem:$0x1FF60]  }
0x1a4: {  	v27 =	vld [tilespmem:s11+$0xFFFFFE50];
	v14 =	vadd.s32 v45, v2  }
0x1a5: {  	v16 =	vadd.s32 v53, v2  }
0x1a6: {  	v26 =	vadd.f32 v29, v5;
	v25 =	vld [tilespmem:s11+$0xE0];
	v31 =	vadd.s32 v41, v2  }
0x1a7: {  	v10 =	vadd.f32 v10, v5  }
0x1a8: {  	v19 =	vadd.f32 v19, v5;
	[tilespmem:v11+s29+$0x0] =	vst.idx.msk $0xffff, v26;
	v28 =	vadd.s32 v0, v2  }
0x1a9: {  	v18 =	vadd.f32 v27, v5;
	v0 =	vld [tilespmem:$0x1FCD0];
	[tilespmem:v14+s29+$0x0] =	vst.idx.msk $0xffff, v10  }
0x1aa: {  	v13 =	vld [tilespmem:s11+$0xFFFFFED0];
	[tilespmem:v16+s29+$0x0] =	vst.idx.msk $0xffff, v19  }
0x1ab: {  	v24 =	vld [tilespmem:s11+$0xFFFFFE20];
	v10 =	vadd.f32 v25, v3;
	[tilespmem:v31+s29+$0x0] =	vst.idx.msk $0xffff, v18  }
0x1ac: {  	v38 =	vld [tilespmem:$0x1FC80]  }
0x1ad: {  	v52 =	vmov v61;
	v61 =	vld [tilespmem:$0x1FE30];
	[tilespmem:v28+s29+$0x0] =	vst.idx.msk $0xffff, v10  }
0x1ae: {  	v26 =	vadd.s32 v0, v2;
	v0 =	vld [tilespmem:$0x1FC30]  }
0x1af: {  	v15 =	vld [tilespmem:s11+$0x1A0]  }
0x1b0: {  	v20 =	vld [tilespmem:s11+$0x160]  }
0x1b1: {  	v8 =	vld [tilespmem:s11+$0x60]  }
0x1b2: {  	v29 =	vadd.s32 v33, v2;
	v21 =	vld [tilespmem:s11+$0xA0]  }
0x1b3: {  	v14 =	vadd.f32 v13, v5;
	v13 =	vadd.f32 v24, v3;
	v24 =	vadd.s32 v0, v2;
	v0 =	vld [tilespmem:$0x1FFD0]  }
0x1b4: {  	v15 =	vadd.f32 v15, v3;
	v22 =	vld [tilespmem:s11+$0x1E0]  }
0x1b5: {  	v30 =	vld [tilespmem:s11+$0x20]  }
0x1b6: {  	v7 =	vld [tilespmem:s11+$0xFFFFFFE0];
	[tilespmem:v26+s29+$0x0] =	vst.idx.msk $0xffff, v15  }
0x1b7: {  	v12 =	vld [tilespmem:s11+$0xFFFFFF60];
	[tilespmem:v29+s29+$0x0] =	vst.idx.msk $0xffff, v13  }
0x1b8: {  	v10 =	vadd.f32 v21, v3;
	v21 =	vadd.s32 v0, v2;
	v0 =	vld [tilespmem:$0x1FCE0]  }
0x1b9: {  	v27 =	vld [tilespmem:s11+$0x120]  }
0x1ba: {  	v9 =	vld [tilespmem:s11+$0xFFFFFEA0]  }
0x1bb: {  	v31 =	vld [tilespmem:s11+$0xFFFFFF20]  }
0x1bc: {  	v18 =	vld [tilespmem:s11+$0xFFFFFE60]  }
0x1bd: {  	v19 =	vadd.s32 v38, v2;
	v13 =	vadd.s32 v0, v2;
	v0 =	vld [tilespmem:$0x1FE70]  }
0x1be: {  	v16 =	vld [tilespmem:s11+$0xF0]  }
0x1bf: {  	v47 =	vld [tilespmem:$0x1FEB0]  }
0x1c0: {  	v59 =	vld [tilespmem:s11+$0x1B0]  }
0x1c1: {  	v58 =	vadd.f32 v22, v3;
	v25 =	vadd.f32 v20, v3;
	v20 =	vld [tilespmem:s11+$0xFFFFFE30];
	[tilespmem:v23+s29+$0x0] =	vst.idx.msk $0xffff, v10  }
0x1c2: {  	[tilespmem:v19+s29+$0x0] =	vst.idx.msk $0xffff, v17;
	v19 =	vld [tilespmem:s11+$0xB0];
	v28 =	vadd.s32 v0, v2  }
0x1c3: {  	v39 =	vld [tilespmem:$0x1FF90];
	[tilespmem:v24+s29+$0x0] =	vst.idx.msk $0xffff, v58  }
0x1c4: {  	v34 =	vadd.s32 v47, v2;
	v23 =	vld [tilespmem:s11+$0xFFFFFFA0];
	[tilespmem:v21+s29+$0x0] =	vst.idx.msk $0xffff, v25  }
0x1c5: {  	v7 =	vadd.f32 v7, v3;
	v49 =	vld [tilespmem:$0x1FD70]  }
0x1c6: {  	v26 =	vld [tilespmem:s11+$0x1F0]  }
0x1c7: {  	v17 =	vadd.f32 v30, v3;
	v21 =	vld [tilespmem:s11+$0x170];
	[tilespmem:v28+s29+$0x0] =	vst.idx.msk $0xffff, v7  }
0x1c8: {  	v42 =	vld [tilespmem:$0x1FD10]  }
0x1c9: {  	[tilespmem:v34+s29+$0x0] =	vst.idx.msk $0xffff, v17;
	v17 =	vld [tilespmem:s11+$0xFFFFFFF0]  }
0x1ca: {  	v46 =	vld [tilespmem:$0x1FD40]  }
0x1cb: {  	v50 =	vld [tilespmem:$0x1FC70]  }
0x1cc: {  	v58 =	vld [tilespmem:$0x1FDF0]  }
0x1cd: {  	v28 =	vadd.f32 v59, v1;
	v59 =	vld [tilespmem:$0x1FE80]  }
0x1ce: {  	v6 =	vadd.s32 v62, v2;
	v10 =	vadd.s32 v39, v2;
	v43 =	vld [tilespmem:$0x1FEC0]  }
0x1cf: {  	v44 =	vmovc v55;
	v22 =	vadd.s32 v63, v2;
	v11 =	vadd.s32 v61, v2;
	v24 =	vadd.s32 v54, v2;
	v55 =	vld [tilespmem:$0x1FCA0]  }
0x1d0: {  	v60 =	vmovc v37;
	v15 =	vadd.s32 v51, v2;
	v29 =	vadd.f32 v27, v3;
	v25 =	vadd.s32 v49, v2;
	v0 =	vld [tilespmem:$0x1FF30]  }
0x1d1: {  	v56 =	vmovc v32;
	s18 =	simm.s32 $0x4600;
	s16 =	simm.s32 $0x0;
	v37 =	vmovc v33;
	v30 =	vadd.f32 v31, v3;
	v7 =	vadd.s32 $0x10, v2;
	v40 =	vld [tilespmem:$0x1FCC0];
	v27 =	vadd.s32 v42, v2  }
.LBB2_7:
0x1d2: {  	_ = 	snop  }
0x1d3: {  	v33 =	vld [tilespmem:s11+$0x30];
	s18 =	sadd.s32 $0x400, s18;
	[tilespmem:v10+s29+$0x0] =	vst.idx.msk $0xffff, v29  }
0x1d4: {  	v10 =	vld [tilespmem:s18+$0xFFFFFEC0];
	[tilespmem:v24+s29+$0x0] =	vst.idx.msk $0xffff, v30  }
0x1d5: {  	[tilespmem:v25+s29+$0x0] =	vst.idx.msk $0xffff, v14;
	v14 =	vld [tilespmem:s11+$0xFFFFFF30]  }
0x1d6: {  	v29 =	vld [tilespmem:s11+$0x130];
	v18 =	vadd.f32 v18, v3  }
0x1d7: {  	[tilespmem:v22+s29+$0x0] =	vst.idx.msk $0xffff, v28;
	v24 =	vadd.f32 v12, v3;
	v25 =	vadd.f32 v26, v1;
	v12 =	vld [tilespmem:s18+$0xFFFFFFC0]  }
0x1d8: {  	v23 =	vadd.f32 v23, v3;
	[tilespmem:v27+s29+$0x0] =	vst.idx.msk $0xffff, v18;
	v18 =	vadd.f32 v19, v1;
	v19 =	vld [tilespmem:s11+$0xFFFFFEE0]  }
0x1d9: {  	v32 =	vadd.s32 v58, v2;
	v16 =	vadd.f32 v16, v1;
	[tilespmem:v6+s29+$0x0] =	vst.idx.msk $0xffff, v25;
	v25 =	vld [tilespmem:s18+$0x0]  }
0x1da: {  	v20 =	vadd.f32 v20, v1;
	[tilespmem:v11+s29+$0x0] =	vst.idx.msk $0xffff, v23;
	v11 =	vld [tilespmem:$0x1FE00]  }
0x1db: {  	v28 =	vadd.s32 v40, v2;
	v26 =	vadd.f32 v8, v3;
	[tilespmem:v15+s29+$0x0] =	vst.idx.msk $0xffff, v16;
	v8 =	vld [tilespmem:s18+$0xFFFFFE40]  }
0x1dc: {  	[tilespmem:v13+s29+$0x0] =	vst.idx.msk $0xffff, v20;
	v16 =	vld [tilespmem:s18+$0x1C0]  }
0x1dd: {  	v31 =	vadd.s32 v62, v7;
	v30 =	vadd.s32 v43, v2;
	v20 =	vld [tilespmem:s18+$0xFFFFFE00]  }
0x1de: {  	v6 =	vmov v31;
	[tilespmem:v32+s29+$0x0] =	vst.idx.msk $0xffff, v24;
	v15 =	vadd.f32 v21, v1;
	v31 =	vld [tilespmem:s11+$0xFFFFFFB0]  }
0x1df: {  	v21 =	vadd.s32 v46, v2;
	v32 =	vld [tilespmem:s11+$0xFFFFFF70]  }
0x1e0: {  	v24 =	vadd.f32 v33, v1;
	[tilespmem:v28+s29+$0x0] =	vst.idx.msk $0xffff, v15;
	v15 =	vld [tilespmem:s11+$0xFFFFFE70]  }
0x1e1: {  	v13 =	vadd.s32 v55, v2;
	v28 =	vld [tilespmem:$0x1FC90]  }
0x1e2: {  	v9 =	vadd.f32 v9, v3;
	v27 =	vadd.s32 v0, v2;
	[tilespmem:v30+s29+$0x0] =	vst.idx.msk $0xffff, v24;
	v24 =	vld [tilespmem:$0x1FD50]  }
0x1e3: {  	v23 =	vadd.s32 v11, v2;
	v11 =	vld [tilespmem:s18+$0xFFFFFE80]  }
0x1e4: {  	[tilespmem:v21+s29+$0x0] =	vst.idx.msk $0xffff, v9;
	v9 =	vld [tilespmem:$0x1FEF0]  }
0x1e5: {  	v22 =	vadd.s32 v50, v2;
	v30 =	vld [tilespmem:$0x1FDC0]  }
0x1e6: {  	[tilespmem:v13+s29+$0x0] =	vst.idx.msk $0xffff, v26;
	v13 =	vld [tilespmem:$0x1FC60]  }
0x1e7: {  	[tilespmem:v27+s29+$0x0] =	vst.idx.msk $0xffff, v18;
	v18 =	vadd.f32 v29, v1;
	v27 =	vld [tilespmem:$0x1FD80];
	v29 =	vadd.s32 v59, v2  }
0x1e8: {  	v19 =	vadd.f32 v19, v3;
	v21 =	vld [tilespmem:s11+$0x70]  }
0x1e9: {  	v28 =	vadd.s32 v28, v2;
	v33 =	vadd.s32 v9, v2;
	v9 =	vld [tilespmem:$0x1FFA0]  }
0x1ea: {  	v17 =	vadd.f32 v17, v1;
	v34 =	vld [tilespmem:s11+$0xFFFFFEB0];
	v30 =	vadd.s32 v30, v2;
	[tilespmem:v22+s29+$0x0] =	vst.idx.msk $0xffff, v19  }
0x1eb: {  	v24 =	vadd.s32 v24, v2;
	v22 =	vld [tilespmem:s11+$0xFFFFFEF0];
	v26 =	vadd.s32 v13, v2  }
0x1ec: {  	v13 =	vadd.f32 v31, v1;
	[tilespmem:v29+s29+$0x0] =	vst.idx.msk $0xffff, v17;
	v17 =	vadd.f32 v20, v4;
	v20 =	vld [tilespmem:s18+$0xFFFFFF00]  }
0x1ed: {  	v14 =	vadd.f32 v14, v1;
	v29 =	vld [tilespmem:$0x1FC40]  }
0x1ee: {  	v15 =	vadd.f32 v15, v1;
	[tilespmem:v28+s29+$0x0] =	vst.idx.msk $0xffff, v13;
	v28 =	vld [tilespmem:s18+$0xFFFFFF40];
	v19 =	vadd.s32 v9, v2  }
0x1ef: {  	v13 =	vld [tilespmem:$0x1FEE0];
	[tilespmem:v30+s29+$0x0] =	vst.idx.msk $0xffff, v14;
	v30 =	vadd.f32 v34, v1  }
0x1f0: {  	v34 =	vld [tilespmem:$0x1FF70];
	[tilespmem:v26+s29+$0x0] =	vst.idx.msk $0xffff, v15;
	v15 =	vadd.f32 v32, v1  }
0x1f1: {  	[tilespmem:v24+s29+$0x0] =	vst.idx.msk $0xffff, v30;
	v24 =	vld [tilespmem:s18+$0xC0]  }
0x1f2: {  	[tilespmem:v23+s29+$0x0] =	vst.idx.msk $0xffff, v15;
	v23 =	vld [tilespmem:$0x1FF40]  }
0x1f3: {  	[tilespmem:v19+s29+$0x0] =	vst.idx.msk $0xffff, v18;
	v18 =	vld [tilespmem:$0x1FE40]  }
0x1f4: {  	v32 =	vld [tilespmem:$0x1FFE0]  }
0x1f5: {  	v27 =	vadd.s32 v27, v2;
	v30 =	vld [tilespmem:$0x1FFB0]  }
0x1f6: {  	v14 =	vld [tilespmem:s18+$0xFFFFFF80];
	v29 =	vadd.s32 v29, v7  }
0x1f7: {  	v21 =	vadd.f32 v21, v1;
	v26 =	vld [tilespmem:s18+$0x180];
	v23 =	vadd.s32 v23, v7  }
0x1f8: {  	v22 =	vadd.f32 v22, v1;
	v19 =	vld [tilespmem:s18+$0x140];
	v18 =	vadd.s32 v18, v7  }
0x1f9: {  	v16 =	vadd.f32 v16, v4;
	v9 =	vld [tilespmem:$0x1FC50];
	[tilespmem:v33+s29+$0x0] =	vst.idx.msk $0xffff, v21;
	v32 =	vadd.s32 v32, v7  }
0x1fa: {  	[tilespmem:v27+s29+$0x0] =	vst.idx.msk $0xffff, v22;
	v27 =	vld [tilespmem:s18+$0x80];
	v30 =	vadd.s32 v30, v7;
	v24 =	vadd.f32 v24, v4  }
0x1fb: {  	[tilespmem:v29+s29+$0x0] =	vst.idx.msk $0xffff, v16;
	v31 =	vld [tilespmem:s18+$0x100]  }
0x1fc: {  	v26 =	vadd.f32 v26, v4;
	[tilespmem:v23+s29+$0x0] =	vst.idx.msk $0xffff, v24;
	v24 =	vadd.f32 v25, v4;
	v25 =	vld [tilespmem:$0x1FFF0]  }
0x1fd: {  	v22 =	vadd.s32 v52, v7;
	v29 =	vld [tilespmem:$0x1FED0];
	[tilespmem:v18+s29+$0x0] =	vst.idx.msk $0xffff, v17;
	v17 =	vadd.f32 v19, v4  }
0x1fe: {  	v34 =	vadd.s32 v34, v7;
	v16 =	vld [tilespmem:$0x1FF00];
	[tilespmem:v32+s29+$0x0] =	vst.idx.msk $0xffff, v26  }
0x1ff: {  	[tilespmem:v30+s29+$0x0] =	vst.idx.msk $0xffff, v17;
	v17 =	vld [tilespmem:s18+$0x190]  }
0x200: {  	v20 =	vadd.f32 v20, v4;
	v15 =	vld [tilespmem:s18+$0x40]  }
0x201: {  	v26 =	vld [tilespmem:$0x1FE90];
	v31 =	vadd.f32 v31, v4;
	v25 =	vadd.s32 v25, v7  }
0x202: {  	v33 =	vld [tilespmem:$0x1FFC0];
	[tilespmem:v22+s29+$0x0] =	vst.idx.msk $0xffff, v20;
	v29 =	vadd.s32 v29, v7  }
0x203: {  	v22 =	vld [tilespmem:$0x1FF50];
	v16 =	vadd.s32 v16, v7;
	[tilespmem:v34+s29+$0x0] =	vst.idx.msk $0xffff, v31  }
0x204: {  	v23 =	vld [tilespmem:s18+$0x110];
	v17 =	vadd.f32 v17, v5  }
0x205: {  	v15 =	vadd.f32 v15, v4;
	v30 =	vld [tilespmem:$0x1FE50]  }
0x206: {  	v27 =	vadd.f32 v27, v4;
	v26 =	vadd.s32 v26, v7;
	[tilespmem:v25+s29+$0x0] =	vst.idx.msk $0xffff, v17;
	v17 =	vld [tilespmem:$0x1FCF0]  }
0x207: {  	v18 =	vld [tilespmem:s18+$0x1D0];
	[tilespmem:v29+s29+$0x0] =	vst.idx.msk $0xffff, v15;
	v29 =	vadd.s32 v48, v7  }
0x208: {  	v21 =	vadd.s32 v44, v7;
	[tilespmem:v16+s29+$0x0] =	vst.idx.msk $0xffff, v27;
	v16 =	vld [tilespmem:s18+$0xD0]  }
0x209: {  	v27 =	vadd.s32 v56, v7;
	v19 =	vld [tilespmem:s18+$0xFFFFFE10]  }
0x20a: {  	v10 =	vadd.f32 v10, v4;
	v15 =	vld [tilespmem:s18+$0x90];
	v30 =	vadd.s32 v30, v7  }
0x20b: {  	v11 =	vadd.f32 v11, v4;
	v31 =	vld [tilespmem:s18+$0x150];
	[tilespmem:v26+s29+$0x0] =	vst.idx.msk $0xffff, v24;
	v17 =	vadd.s32 v17, v7  }
0x20c: {  	v32 =	vadd.s32 v60, v7;
	v24 =	vld [tilespmem:s18+$0x50];
	v26 =	vadd.f32 v28, v4;
	[tilespmem:v29+s29+$0x0] =	vst.idx.msk $0xffff, v10  }
0x20d: {  	v12 =	vadd.f32 v12, v4;
	[tilespmem:v21+s29+$0x0] =	vst.idx.msk $0xffff, v11;
	v22 =	vadd.s32 v22, v7;
	v11 =	vld [tilespmem:s18+$0xFFFFFED0]  }
0x20e: {  	v8 =	vadd.f32 v8, v4;
	[tilespmem:v27+s29+$0x0] =	vst.idx.msk $0xffff, v26;
	v27 =	vld [tilespmem:$0x1FF10]  }
0x20f: {  	v14 =	vadd.f32 v14, v4;
	v9 =	vadd.s32 v9, v7;
	v26 =	vld [tilespmem:s18+$0xFFFFFF10];
	[tilespmem:v30+s29+$0x0] =	vst.idx.msk $0xffff, v12  }
0x210: {  	v33 =	vadd.s32 v33, v7;
	v16 =	vadd.f32 v16, v5;
	[tilespmem:v17+s29+$0x0] =	vst.idx.msk $0xffff, v8;
	v8 =	vld [tilespmem:$0x1FEA0]  }
0x211: {  	[tilespmem:v32+s29+$0x0] =	vst.idx.msk $0xffff, v14;
	v14 =	vld [tilespmem:s18+$0xFFFFFFD0]  }
0x212: {  	[tilespmem:v22+s29+$0x0] =	vst.idx.msk $0xffff, v16;
	v16 =	vadd.f32 v18, v5;
	v20 =	vld [tilespmem:s18+$0xFFFFFF50]  }
0x213: {  	v28 =	vadd.f32 v31, v5;
	v25 =	vld [tilespmem:s18+$0x1A0];
	v27 =	vadd.s32 v27, v7  }
0x214: {  	v13 =	vadd.s32 v13, v7;
	[tilespmem:v9+s29+$0x0] =	vst.idx.msk $0xffff, v16;
	v30 =	vld [tilespmem:s18+$0xFFFFFF90]  }
0x215: {  	v22 =	vadd.f32 v23, v5;
	[tilespmem:v33+s29+$0x0] =	vst.idx.msk $0xffff, v28;
	v28 =	vadd.s32 v8, v7;
	v8 =	vld [tilespmem:$0x1FF20]  }
0x216: {  	v23 =	vadd.s32 v57, v7;
	v16 =	vld [tilespmem:s18+$0x1E0];
	v10 =	vadd.f32 v14, v5;
	v14 =	vadd.f32 v15, v5  }
0x217: {  	v24 =	vadd.f32 v24, v5;
	v12 =	vld [tilespmem:s18+$0x10]  }
0x218: {  	[tilespmem:v27+s29+$0x0] =	vst.idx.msk $0xffff, v14;
	v14 =	vld [tilespmem:$0x1FF80]  }
0x219: {  	[tilespmem:v13+s29+$0x0] =	vst.idx.msk $0xffff, v24;
	v13 =	vld [tilespmem:s18+$0xE0];
	v9 =	vadd.f32 v20, v5  }
0x21a: {  	v21 =	vadd.f32 v30, v5;
	v30 =	vadd.s32 v35, v7;
	v29 =	vadd.s32 v8, v7;
	v8 =	vld [tilespmem:$0x1FE60]  }
0x21b: {  	[tilespmem:v23+s29+$0x0] =	vst.idx.msk $0xffff, v9;
	v9 =	vld [tilespmem:$0x1FF60]  }
0x21c: {  	v17 =	vld [tilespmem:s18+$0xFFFFFE90]  }
0x21d: {  	v19 =	vadd.f32 v19, v5;
	v15 =	vld [tilespmem:s18+$0x160];
	v14 =	vadd.s32 v14, v7  }
0x21e: {  	v24 =	vadd.s32 v45, v7;
	v31 =	vld [tilespmem:s18+$0xFFFFFE50]  }
0x21f: {  	v12 =	vadd.f32 v12, v5;
	v27 =	vld [tilespmem:s18+$0xA0];
	[tilespmem:v30+s29+$0x0] =	vst.idx.msk $0xffff, v19;
	v18 =	vadd.s32 v8, v7  }
0x220: {  	v30 =	vld [tilespmem:s18+$0xFFFFFE20]  }
0x221: {  	v19 =	vadd.s32 v53, v7;
	v17 =	vadd.f32 v17, v5;
	[tilespmem:v28+s29+$0x0] =	vst.idx.msk $0xffff, v12;
	v12 =	vld [tilespmem:s18+$0xFFFFFF60]  }
0x222: {  	v32 =	vadd.s32 v41, v7;
	v28 =	vld [tilespmem:s18+$0x20];
	[tilespmem:v14+s29+$0x0] =	vst.idx.msk $0xffff, v22  }
0x223: {  	v20 =	vadd.s32 v37, v7;
	[tilespmem:v24+s29+$0x0] =	vst.idx.msk $0xffff, v17;
	v17 =	vld [tilespmem:s18+$0x120]  }
0x224: {  	v26 =	vadd.f32 v26, v5;
	v8 =	vld [tilespmem:s18+$0x60];
	[tilespmem:v18+s29+$0x0] =	vst.idx.msk $0xffff, v10;
	v10 =	vadd.s32 v9, v7  }
0x225: {  	v18 =	vadd.f32 v31, v5;
	v9 =	vld [tilespmem:$0x1FCD0]  }
0x226: {  	[tilespmem:v19+s29+$0x0] =	vst.idx.msk $0xffff, v26;
	v31 =	vadd.f32 v15, v3;
	v15 =	vadd.f32 v30, v3;
	v33 =	vld [tilespmem:s18+$0xFFFFFFE0]  }
0x227: {  	v13 =	vadd.f32 v13, v3;
	[tilespmem:v32+s29+$0x0] =	vst.idx.msk $0xffff, v18;
	v32 =	vld [tilespmem:s18+$0xFFFFFF20]  }
0x228: {  	v19 =	vadd.s32 v38, v7;
	[tilespmem:v20+s29+$0x0] =	vst.idx.msk $0xffff, v15;
	v15 =	vld [tilespmem:$0x1FE70]  }
0x229: {  	[tilespmem:v10+s29+$0x0] =	vst.idx.msk $0xffff, v13;
	v10 =	vld [tilespmem:$0x1FC30]  }
0x22a: {  	v22 =	vadd.s32 v9, v7;
	v13 =	vld [tilespmem:$0x1FFD0]  }
0x22b: {  	v35 =	vadd.s32 v47, v7;
	v18 =	vld [tilespmem:s18+$0xFFFFFE60]  }
0x22c: {  	v23 =	vadd.f32 v25, v3;
	v20 =	vld [tilespmem:s18+$0xFFFFFE30]  }
0x22d: {  	v25 =	vadd.f32 v16, v3;
	[tilespmem:v19+s29+$0x0] =	vst.idx.msk $0xffff, v21;
	v9 =	vld [tilespmem:s18+$0xFFFFFEA0];
	v30 =	vadd.s32 v15, v7  }
0x22e: {  	v16 =	vld [tilespmem:s18+$0xF0];
	v21 =	vadd.f32 v33, v3;
	v33 =	vadd.f32 v28, v3;
	v26 =	vadd.s32 v10, v7  }
0x22f: {  	s16 =	sadd.s32 $0x10, s16;
	v10 =	vadd.f32 v27, v3;
	v27 =	vadd.s32 v13, v7;
	[tilespmem:v22+s29+$0x0] =	vst.idx.msk $0xffff, v23;
	v13 =	vld [tilespmem:$0x1FCE0]  }
0x230: {  	p0 =	slt.u32 s16, $0xF0;
	v24 =	vadd.s32 v54, v7;
	v14 =	vadd.f32 v11, v5;
	[tilespmem:v35+s29+$0x0] =	vst.idx.msk $0xffff, v33;
	v34 =	vld [tilespmem:s18+$0x1B0]  }
.Ltmp2:
0x231: {  	v11 =	vadd.s32 v61, v7;
	v15 =	vadd.s32 v51, v7;
	v23 =	vld [tilespmem:s18+$0xFFFFFFA0];
	[tilespmem:v29+s29+$0x0] =	vst.idx.msk $0xffff, v10;
	(pc) =	sbr.rel @p0 .LBB2_7-.Ltmp2, $4  }
0x232: {  	v22 =	vadd.s32 v63, v7;
	v10 =	vadd.s32 v39, v7;
	[tilespmem:v30+s29+$0x0] =	vst.idx.msk $0xffff, v21;
	v19 =	vld [tilespmem:s18+$0xB0]  }
0x233: {  	v29 =	vadd.f32 v17, v3;
	v30 =	vadd.f32 v32, v3;
	v17 =	vld [tilespmem:s18+$0xFFFFFFF0];
	[tilespmem:v26+s29+$0x0] =	vst.idx.msk $0xffff, v25  }
0x234: {  	v2 =	vmov v7;
	v13 =	vadd.s32 v13, v7;
	v25 =	vadd.s32 v49, v7;
	[tilespmem:v27+s29+$0x0] =	vst.idx.msk $0xffff, v31;
	v26 =	vld [tilespmem:s18+$0x1F0]  }
0x235: {  	s11 =	smov.u32 s18;
	v35 =	vmovc v36;
	v27 =	vadd.s32 v42, v2;
	v7 =	vadd.s32 $0x10, v7;
	v21 =	vld [tilespmem:s18+$0x170];
	v28 =	vadd.f32 v34, v1  }
0x236: {  	_ =	sdelay $0x3  }
0x237: {  	[tilespmem:v10+s29+$0x0] =	vst.idx.msk $0xffff, v29  }
0x238: {  	[tilespmem:v24+s29+$0x0] =	vst.idx.msk $0xffff, v30  }
0x239: {  	v5 =	vadd.f32 v18, v3;
	[tilespmem:v25+s29+$0x0] =	vst.idx.msk $0xffff, v14  }
0x23a: {  	v57 =	vadd.f32 v16, v1;
	[tilespmem:v22+s29+$0x0] =	vst.idx.msk $0xffff, v28  }
0x23b: {  	v4 =	vadd.s32 v58, v2;
	v60 =	vadd.f32 v20, v1;
	[tilespmem:v27+s29+$0x0] =	vst.idx.msk $0xffff, v5  }
0x23c: {  	v56 =	vld [tilespmem:s11+$0x30];
	v58 =	vadd.s32 v0, v2;
	v0 =	vadd.f32 v23, v3;
	[tilespmem:v15+s29+$0x0] =	vst.idx.msk $0xffff, v57  }
0x23d: {  	v61 =	vadd.s32 v40, v2;
	[tilespmem:v13+s29+$0x0] =	vst.idx.msk $0xffff, v60;
	v7 =	vadd.f32 v26, v1  }
0x23e: {  	v54 =	vadd.f32 v12, v3;
	v20 =	vadd.s32 v43, v2;
	[tilespmem:v11+s29+$0x0] =	vst.idx.msk $0xffff, v0  }
0x23f: {  	v22 =	vadd.f32 v19, v1;
	[tilespmem:v6+s29+$0x0] =	vst.idx.msk $0xffff, v7  }
0x240: {  	v25 =	vadd.f32 v21, v1;
	[tilespmem:v4+s29+$0x0] =	vst.idx.msk $0xffff, v54  }
0x241: {  	v5 =	vadd.f32 v56, v1;
	[tilespmem:v58+s29+$0x0] =	vst.idx.msk $0xffff, v22  }
0x242: {  	v23 =	vld [tilespmem:s11+$0xFFFFFEE0];
	[tilespmem:v61+s29+$0x0] =	vst.idx.msk $0xffff, v25  }
0x243: {  	v24 =	vadd.s32 v55, v2;
	v32 =	vld [tilespmem:$0x1FC90];
	[tilespmem:v20+s29+$0x0] =	vst.idx.msk $0xffff, v5  }
0x244: {  	v26 =	vadd.s32 v46, v2;
	v38 =	vld [tilespmem:$0x1FDC0]  }
0x245: {  	v28 =	vld [tilespmem:s11+$0xFFFFFF30];
	v27 =	vadd.s32 v50, v2  }
0x246: {  	v8 =	vadd.f32 v8, v3;
	v11 =	vld [tilespmem:s11+$0xFFFFFFB0]  }
0x247: {  	v29 =	vadd.s32 v59, v2;
	v30 =	vadd.f32 v9, v3;
	v34 =	vld [tilespmem:s11+$0x130]  }
0x248: {  	v31 =	vld [tilespmem:s11+$0xFFFFFE70];
	v37 =	vadd.f32 v23, v3;
	[tilespmem:v24+s29+$0x0] =	vst.idx.msk $0xffff, v8;
	v33 =	vadd.s32 v32, v2  }
0x249: {  	v41 =	vld [tilespmem:$0x1FC60];
	[tilespmem:v26+s29+$0x0] =	vst.idx.msk $0xffff, v30;
	v39 =	vadd.s32 v38, v2  }
0x24a: {  	v40 =	vadd.f32 v17, v1;
	v43 =	vld [tilespmem:s11+$0x70];
	[tilespmem:v27+s29+$0x0] =	vst.idx.msk $0xffff, v37  }
0x24b: {  	v45 =	vadd.f32 v11, v1;
	v46 =	vld [tilespmem:$0x1FFA0]  }
0x24c: {  	v12 =	vadd.f32 v28, v1;
	v48 =	vld [tilespmem:$0x1FEF0];
	[tilespmem:v29+s29+$0x0] =	vst.idx.msk $0xffff, v40  }
0x24d: {  	v51 =	vld [tilespmem:$0x1FD50];
	[tilespmem:v33+s29+$0x0] =	vst.idx.msk $0xffff, v45  }
0x24e: {  	v55 =	vld [tilespmem:$0x1FD80];
	[tilespmem:v39+s29+$0x0] =	vst.idx.msk $0xffff, v12  }
0x24f: {  	v42 =	vadd.s32 v41, v2;
	v57 =	vld [tilespmem:$0x1FE00]  }
0x250: {  	v44 =	vld [tilespmem:s11+$0xFFFFFEB0];
	v47 =	vadd.s32 v46, v2  }
0x251: {  	v50 =	vld [tilespmem:s11+$0xFFFFFEF0];
	v49 =	vadd.s32 v48, v2  }
0x252: {  	v53 =	vld [tilespmem:s11+$0xFFFFFF70];
	v9 =	vadd.f32 v31, v1;
	v52 =	vadd.s32 v51, v2  }
0x253: {  	v54 =	vadd.f32 v34, v1;
	v56 =	vadd.s32 v55, v2  }
0x254: {  	v4 =	vadd.f32 v43, v1;
	[tilespmem:v42+s29+$0x0] =	vst.idx.msk $0xffff, v9;
	v58 =	vadd.s32 v57, v2  }
0x255: {  	v59 =	vadd.f32 v44, v1;
	[tilespmem:v47+s29+$0x0] =	vst.idx.msk $0xffff, v54  }
0x256: {  	v60 =	vadd.f32 v50, v1;
	[tilespmem:v49+s29+$0x0] =	vst.idx.msk $0xffff, v4  }
0x257: {  	v61 =	vadd.f32 v53, v1;
	[tilespmem:v52+s29+$0x0] =	vst.idx.msk $0xffff, v59  }
0x258: {  	[tilespmem:v56+s29+$0x0] =	vst.idx.msk $0xffff, v60  }
0x259: {  	s9 =	sshll.u32 s9, $0x12;
	[tilespmem:v58+s29+$0x0] =	vst.idx.msk $0xffff, v61  }
0x25a: {  	s9 =	sor.u32 s5, s9;
	_ =	swait.ge [sflag:s30], $0x100  }
0x25b: {  	s19 =	simm.s32 $0x4400;
	s9 =	sshrl.u32 s9, $0x3;
	[sflag:s30] =	ssyncset.done $0x0  }
0x25c: {  	s16 =	simm.s32 $0x200;
	s9 =	sadd.s32 s7, s9;
	[sflag:s30] =	ssyncadd.s32 $0xFFFFFF00  }
0x25d: {  	[tilespmem:s19], [sflag:$0x2] =	stream.indirect.gather [hbm4b:s3+s17], $0x40, s17, s17, $0xb8;
	[tilespmem:$0x1BA00] =	vst v63  }
0x25e: {  	s18 =	simm.s32 $0x14708;
	s11 =	simm.s32 $0x14600;
	s19 =	sadd.s32 $0x0, s9  }
.LBB2_9:
0x25f: {  	[hbm4b:s19+s2] =	stream.linear.scatter [tilespmem:s11], [sflag:$0xA], $0x100, $0x38;
	[tilespmem:$0x1BA00] =	vst v63  }
0x260: {  	s19 =	smov.u32 s16;
	s11 =	smov.u32 s18;
	p0 =	sne.s32 s16, $0x7E00  }
.Ltmp3:
0x261: {  	s16 =	sadd.s32 $0x200, s16;
	(pc) =	sbr.rel @p0 .LBB2_9-.Ltmp3, $2  }
0x262: {  	_ =	sdelay $0x2  }
0x263: {  	s18 =	sadd.s32 $0x108, s18;
	s19 =	sadd.s32 s19, s9  }
0x264: {  	[hbm4b:s19+s2] =	stream.linear.scatter [tilespmem:s11], [sflag:$0xA], $0x100, $0x38;
	[tilespmem:$0x1BA00] =	vst v63  }
0x265: {  	s9 =	sadd.s32 $0x6, s14  }
0x266: {  	s9 =	smin.u32 s9, s13  }
0x267: {  	s9 =	sshll.u32 s9, $0xC  }
0x268: {  	_ =	swait.ge [sflag:s31], $0x4000;
	s9 =	sor.u32 s5, s9  }
0x269: {  	[sflag:s31] =	ssyncset.done $0x0;
	s9 =	sshrl.u32 s9, $0x3  }
0x26a: {  	[sflag:s31] =	ssyncadd.s32 $0xFFFFC000;
	s9 =	sadd.s32 s4, s9  }
0x26b: {  	[tilespmem:s20], [sflag:$0x7] =	stream.linear.gather [hbm4b:s9+s2], $0x100, $0x38;
	[tilespmem:$0x1BA00] =	vst v63  }
0x26c: {  	_ =	swait.ge [sflag:s0], $0x4000  }
0x26d: {  	v0 =	vld [tilespmem:$0x1FC40];
	_ =	sdelay $0x3  }
0x26e: {  	v2 =	vimm.s32 $0x0  }
0x26f: {  	v17 =	vadd.s32 v0, v2;
	v0 =	vld [tilespmem:$0x1FE40];
	_ =	sdelay $0x4  }
0x270: {  	v18 =	vadd.s32 v0, v2;
	v0 =	vld [tilespmem:$0x1FFE0];
	_ =	sdelay $0x4  }
0x271: {  	v21 =	vadd.s32 v0, v2;
	v0 =	vld [tilespmem:$0x1FC50];
	_ =	sdelay $0x4  }
0x272: {  	v22 =	vadd.s32 v0, v2;
	v0 =	vld [tilespmem:$0x1FFB0];
	_ =	sdelay $0x2  }
0x273: {  	s9 =	sor.u32 $0x2, s14  }
0x274: {  	s19 =	sshll.u32 s9, $0x6;
	[sflag:s0] =	ssyncset.done $0x0  }
0x275: {  	s11 =	sand.u32 $0x3FFFFFC0, s19;
	[sflag:s0] =	ssyncadd.s32 $0xFFFFC000;
	v24 =	vadd.s32 v0, v2;
	v0 =	vld [tilespmem:$0x1FEE0]  }
0x276: {  	v4 =	vld [tilespmem:s11+$0x18800]  }
0x277: {  	v5 =	vld [tilespmem:s11+$0x18810]  }
0x278: {  	v3 =	vld [tilespmem:s11+$0x18820]  }
0x279: {  	v1 =	vld [tilespmem:s11+$0x18830]  }
0x27a: {  	s11 =	simm.s32 $0x8600;
	v25 =	vadd.s32 v0, v2;
	v0 =	vld [tilespmem:$0x1FF70]  }
0x27b: {  	v11 =	vld [tilespmem:s11+$0x1C0]  }
0x27c: {  	v12 =	vld [tilespmem:s11+$0xFFFFFE00];
	_ =	sdelay $0x2  }
0x27d: {  	v27 =	vadd.s32 v0, v2;
	v0 =	vld [tilespmem:$0x1FF40]  }
0x27e: {  	v11 =	vadd.f32 v11, v4  }
0x27f: {  	v12 =	vadd.f32 v12, v4  }
0x280: {  	[tilespmem:v17+s25+$0x0] =	vst.idx.msk $0xffff, v11  }
0x281: {  	[tilespmem:v18+s25+$0x0] =	vst.idx.msk $0xffff, v12  }
0x282: {  	v29 =	vadd.s32 v0, v2;
	v0 =	vld [tilespmem:$0x1FF00];
	_ =	sdelay $0x1  }
0x283: {  	v16 =	vld [tilespmem:s11+$0x180];
	_ =	sdelay $0x1  }
0x284: {  	v19 =	vld [tilespmem:s11+$0x140]  }
0x285: {  	v12 =	vadd.s32 v0, v2;
	v0 =	vld [tilespmem:$0x1FED0];
	_ =	sdelay $0x1  }
0x286: {  	v16 =	vadd.f32 v16, v4;
	_ =	sdelay $0x1  }
0x287: {  	[tilespmem:v21+s25+$0x0] =	vst.idx.msk $0xffff, v16  }
0x288: {  	v17 =	vadd.f32 v19, v4;
	v19 =	vadd.s32 v0, v2;
	v0 =	vld [tilespmem:$0x1FE90];
	_ =	sdelay $0x1  }
0x289: {  	v20 =	vld [tilespmem:s11+$0x100];
	_ =	sdelay $0x1  }
0x28a: {  	[tilespmem:v24+s25+$0x0] =	vst.idx.msk $0xffff, v17  }
0x28b: {  	v21 =	vadd.s32 v0, v2;
	v0 =	vld [tilespmem:$0x1FD20];
	_ =	sdelay $0x1  }
0x28c: {  	v23 =	vld [tilespmem:s11+$0xC0];
	v20 =	vadd.f32 v20, v4;
	_ =	sdelay $0x1  }
0x28d: {  	[tilespmem:v27+s25+$0x0] =	vst.idx.msk $0xffff, v20  }
0x28e: {  	v17 =	vadd.s32 v0, v2;
	v0 =	vld [tilespmem:$0x1FE50];
	_ =	sdelay $0x1  }
0x28f: {  	v26 =	vld [tilespmem:s11+$0x80];
	v23 =	vadd.f32 v23, v4;
	_ =	sdelay $0x1  }
0x290: {  	[tilespmem:v29+s25+$0x0] =	vst.idx.msk $0xffff, v23  }
0x291: {  	v20 =	vadd.s32 v0, v2;
	v0 =	vld [tilespmem:$0x1FE10];
	_ =	sdelay $0x1  }
0x292: {  	v26 =	vadd.f32 v26, v4;
	_ =	sdelay $0x1  }
0x293: {  	[tilespmem:v12+s25+$0x0] =	vst.idx.msk $0xffff, v26  }
0x294: {  	v23 =	vadd.s32 v0, v2;
	v0 =	vld [tilespmem:$0x1FFC0];
	_ =	sdelay $0x1  }
0x295: {  	v28 =	vld [tilespmem:s11+$0x40];
	_ =	sdelay $0x2  }
0x296: {  	v12 =	vadd.s32 v0, v2;
	v0 =	vld [tilespmem:$0x1FFF0];
	_ =	sdelay $0x1  }
0x297: {  	v9 =	vld [tilespmem:s11+$0x0];
	v28 =	vadd.f32 v28, v4;
	_ =	sdelay $0x1  }
0x298: {  	[tilespmem:v19+s25+$0x0] =	vst.idx.msk $0xffff, v28  }
0x299: {  	v30 =	vadd.s32 v0, v2;
	v0 =	vld [tilespmem:$0x1FDD0];
	_ =	sdelay $0x1  }
0x29a: {  	v8 =	vld [tilespmem:s11+$0xFFFFFFC0];
	v9 =	vadd.f32 v9, v4;
	_ =	sdelay $0x1  }
0x29b: {  	[tilespmem:v21+s25+$0x0] =	vst.idx.msk $0xffff, v9  }
0x29c: {  	v19 =	vadd.s32 v0, v2;
	v0 =	vld [tilespmem:$0x1FD90]  }
0x29d: {  	v11 =	vld [tilespmem:s11+$0xFFFFFF80]  }
0x29e: {  	v8 =	vadd.f32 v8, v4;
	v24 =	vld [tilespmem:s11+$0x190];
	_ =	sdelay $0x1  }
0x29f: {  	v27 =	vld [tilespmem:s11+$0x150];
	[tilespmem:v20+s25+$0x0] =	vst.idx.msk $0xffff, v8  }
0x2a0: {  	v9 =	vadd.s32 v0, v2;
	v0 =	vld [tilespmem:$0x1FD60]  }
0x2a1: {  	v15 =	vld [tilespmem:s11+$0xFFFFFF40];
	v11 =	vadd.f32 v11, v4  }
0x2a2: {  	v14 =	vld [tilespmem:s11+$0xFFFFFF00];
	v24 =	vadd.f32 v24, v5  }
0x2a3: {  	[tilespmem:v23+s25+$0x0] =	vst.idx.msk $0xffff, v11  }
0x2a4: {  	[tilespmem:v30+s25+$0x0] =	vst.idx.msk $0xffff, v24  }
0x2a5: {  	v20 =	vadd.f32 v27, v5;
	v27 =	vadd.s32 v0, v2;
	v0 =	vld [tilespmem:$0x1FCF0]  }
0x2a6: {  	v7 =	vld [tilespmem:s11+$0xFFFFFEC0];
	v15 =	vadd.f32 v15, v4  }
0x2a7: {  	v13 =	vld [tilespmem:s11+$0xFFFFFE80];
	v14 =	vadd.f32 v14, v4  }
0x2a8: {  	[tilespmem:v19+s25+$0x0] =	vst.idx.msk $0xffff, v15  }
0x2a9: {  	[tilespmem:v9+s25+$0x0] =	vst.idx.msk $0xffff, v14  }
0x2aa: {  	v24 =	vadd.s32 v0, v2;
	v0 =	vld [tilespmem:$0x1FF50]  }
0x2ab: {  	v7 =	vadd.f32 v7, v4  }
0x2ac: {  	v10 =	vld [tilespmem:s11+$0xFFFFFE40];
	v13 =	vadd.f32 v13, v4;
	[tilespmem:v12+s25+$0x0] =	vst.idx.msk $0xffff, v20  }
0x2ad: {  	[tilespmem:v27+s25+$0x0] =	vst.idx.msk $0xffff, v7  }
0x2ae: {  	[tilespmem:v17+s25+$0x0] =	vst.idx.msk $0xffff, v13  }
0x2af: {  	v14 =	vadd.s32 v0, v2;
	v0 =	vld [tilespmem:$0x1FF10];
	_ =	sdelay $0x1  }
0x2b0: {  	v10 =	vadd.f32 v10, v4  }
0x2b1: {  	v21 =	vld [tilespmem:s11+$0x50]  }
0x2b2: {  	v8 =	vld [tilespmem:s11+$0x10];
	[tilespmem:v24+s25+$0x0] =	vst.idx.msk $0xffff, v10  }
0x2b3: {  	v12 =	vadd.s32 v0, v2;
	v0 =	vld [tilespmem:$0x1FEA0];
	_ =	sdelay $0x1  }
0x2b4: {  	v26 =	vld [tilespmem:s11+$0xD0];
	_ =	sdelay $0x1  }
0x2b5: {  	v23 =	vld [tilespmem:s11+$0xFFFFFF90]  }
0x2b6: {  	v30 =	vadd.f32 v8, v5;
	v8 =	vadd.f32 v21, v5;
	v21 =	vadd.s32 v0, v2;
	v0 =	vld [tilespmem:$0x1FF20];
	_ =	sdelay $0x1  }
0x2b7: {  	v26 =	vadd.f32 v26, v5;
	_ =	sdelay $0x1  }
0x2b8: {  	v18 =	vld [tilespmem:s11+$0x1D0];
	[tilespmem:v14+s25+$0x0] =	vst.idx.msk $0xffff, v26  }
0x2b9: {  	v17 =	vadd.f32 v23, v5;
	v23 =	vadd.s32 v0, v2;
	v0 =	vld [tilespmem:$0x1FE60]  }
0x2ba: {  	v28 =	vld [tilespmem:s11+$0x90]  }
0x2bb: {  	v11 =	vld [tilespmem:s11+$0xFFFFFFD0];
	_ =	sdelay $0x1  }
0x2bc: {  	[tilespmem:v25+s25+$0x0] =	vst.idx.msk $0xffff, v8  }
0x2bd: {  	v14 =	vadd.f32 v18, v5;
	v18 =	vadd.s32 v0, v2;
	v0 =	vld [tilespmem:$0x1FDE0];
	_ =	sdelay $0x1  }
0x2be: {  	v7 =	vadd.f32 v11, v5;
	v11 =	vadd.f32 v28, v5  }
0x2bf: {  	[tilespmem:v22+s25+$0x0] =	vst.idx.msk $0xffff, v14  }
0x2c0: {  	[tilespmem:v12+s25+$0x0] =	vst.idx.msk $0xffff, v11  }
0x2c1: {  	v28 =	vadd.s32 v0, v2;
	v0 =	vld [tilespmem:$0x1FF80];
	_ =	sdelay $0x3  }
0x2c2: {  	v29 =	vld [tilespmem:s11+$0x110]  }
0x2c3: {  	v11 =	vadd.s32 v0, v2;
	v0 =	vld [tilespmem:$0x1FE20];
	_ =	sdelay $0x1  }
0x2c4: {  	v16 =	vld [tilespmem:s11+$0xFFFFFE10];
	_ =	sdelay $0x1  }
0x2c5: {  	v24 =	vadd.s32 v35, v2  }
0x2c6: {  	v26 =	vadd.f32 v29, v5;
	v29 =	vadd.s32 v0, v2;
	v0 =	vld [tilespmem:$0x1FD30]  }
0x2c7: {  	v15 =	vld [tilespmem:s11+$0x1A0]  }
0x2c8: {  	v16 =	vadd.f32 v16, v5;
	v9 =	vld [tilespmem:s11+$0xFFFFFF50]  }
0x2c9: {  	v19 =	vld [tilespmem:s11+$0xFFFFFF10];
	[tilespmem:v21+s25+$0x0] =	vst.idx.msk $0xffff, v30  }
0x2ca: {  	v20 =	vld [tilespmem:s11+$0x160];
	[tilespmem:v24+s25+$0x0] =	vst.idx.msk $0xffff, v16  }
0x2cb: {  	v14 =	vadd.s32 v0, v2;
	v0 =	vld [tilespmem:$0x1FDA0]  }
0x2cc: {  	v13 =	vld [tilespmem:s11+$0xFFFFFED0]  }
0x2cd: {  	v10 =	vld [tilespmem:s11+$0xFFFFFE90]  }
0x2ce: {  	v27 =	vld [tilespmem:s11+$0xFFFFFE50]  }
0x2cf: {  	v25 =	vld [tilespmem:s11+$0xE0]  }
0x2d0: {  	v16 =	vadd.s32 v0, v2;
	v0 =	vld [tilespmem:$0x1FD00]  }
0x2d1: {  	v8 =	vld [tilespmem:s11+$0x60]  }
0x2d2: {  	v9 =	vadd.f32 v9, v5;
	v22 =	vld [tilespmem:s11+$0x1E0]  }
0x2d3: {  	v21 =	vld [tilespmem:s11+$0xA0];
	[tilespmem:v18+s25+$0x0] =	vst.idx.msk $0xffff, v7  }
0x2d4: {  	v30 =	vld [tilespmem:s11+$0x20];
	[tilespmem:v28+s25+$0x0] =	vst.idx.msk $0xffff, v9  }
0x2d5: {  	v31 =	vadd.s32 v0, v2;
	v0 =	vld [tilespmem:$0x1FF60]  }
0x2d6: {  	v24 =	vld [tilespmem:s11+$0xFFFFFE20];
	[tilespmem:v11+s25+$0x0] =	vst.idx.msk $0xffff, v26  }
0x2d7: {  	v37 =	vld [tilespmem:$0x1FCD0]  }
0x2d8: {  	v10 =	vadd.f32 v10, v5;
	v7 =	vld [tilespmem:s11+$0xFFFFFFE0]  }
0x2d9: {  	v19 =	vadd.f32 v19, v5;
	v12 =	vld [tilespmem:s11+$0xFFFFFF60]  }
0x2da: {  	v18 =	vadd.f32 v27, v5;
	[tilespmem:v14+s25+$0x0] =	vst.idx.msk $0xffff, v10;
	v27 =	vld [tilespmem:s11+$0x120];
	v28 =	vadd.s32 v0, v2  }
0x2db: {  	[tilespmem:v16+s25+$0x0] =	vst.idx.msk $0xffff, v19;
	v9 =	vld [tilespmem:s11+$0xFFFFFEA0]  }
0x2dc: {  	[tilespmem:v31+s25+$0x0] =	vst.idx.msk $0xffff, v18;
	v31 =	vld [tilespmem:s11+$0xFFFFFF20];
	v26 =	vadd.s32 v37, v2  }
0x2dd: {  	v10 =	vadd.f32 v25, v3;
	v38 =	vld [tilespmem:$0x1FC80]  }
0x2de: {  	v61 =	vld [tilespmem:$0x1FE30]  }
0x2df: {  	v15 =	vadd.f32 v15, v3;
	v18 =	vld [tilespmem:s11+$0xFFFFFE60];
	[tilespmem:v28+s25+$0x0] =	vst.idx.msk $0xffff, v10  }
0x2e0: {  	v14 =	vadd.f32 v13, v5;
	v13 =	vadd.f32 v24, v3;
	v47 =	vld [tilespmem:$0x1FC30]  }
0x2e1: {  	v59 =	vld [tilespmem:$0x1FFD0];
	[tilespmem:v26+s25+$0x0] =	vst.idx.msk $0xffff, v15  }
0x2e2: {  	v16 =	vld [tilespmem:s11+$0xF0];
	[tilespmem:v29+s25+$0x0] =	vst.idx.msk $0xffff, v13  }
0x2e3: {  	v39 =	vld [tilespmem:$0x1FCE0]  }
0x2e4: {  	v19 =	vadd.s32 v38, v2;
	v60 =	vld [tilespmem:$0x1FE70]  }
0x2e5: {  	v10 =	vadd.f32 v21, v3;
	v33 =	vld [tilespmem:s11+$0x1B0]  }
0x2e6: {  	v25 =	vadd.f32 v20, v3;
	v20 =	vld [tilespmem:s11+$0xFFFFFE30];
	v24 =	vadd.s32 v47, v2  }
0x2e7: {  	v48 =	vld [tilespmem:$0x1FEB0];
	[tilespmem:v23+s25+$0x0] =	vst.idx.msk $0xffff, v10  }
0x2e8: {  	v45 =	vld [tilespmem:$0x1FCB0];
	v21 =	vadd.s32 v59, v2  }
0x2e9: {  	v32 =	vadd.f32 v22, v3;
	[tilespmem:v19+s25+$0x0] =	vst.idx.msk $0xffff, v17;
	v19 =	vld [tilespmem:s11+$0xB0]  }
0x2ea: {  	v28 =	vadd.s32 v60, v2;
	v53 =	vld [tilespmem:$0x1FF90]  }
0x2eb: {  	v23 =	vld [tilespmem:s11+$0xFFFFFFA0];
	[tilespmem:v24+s25+$0x0] =	vst.idx.msk $0xffff, v32  }
0x2ec: {  	v34 =	vadd.s32 v48, v2;
	v54 =	vld [tilespmem:$0x1FDB0]  }
0x2ed: {  	v7 =	vadd.f32 v7, v3;
	[tilespmem:v21+s25+$0x0] =	vst.idx.msk $0xffff, v25;
	v26 =	vld [tilespmem:s11+$0x1F0]  }
0x2ee: {  	v49 =	vld [tilespmem:$0x1FD70]  }
0x2ef: {  	v17 =	vadd.f32 v30, v3;
	[tilespmem:v28+s25+$0x0] =	vst.idx.msk $0xffff, v7;
	v21 =	vld [tilespmem:s11+$0x170]  }
0x2f0: {  	v42 =	vld [tilespmem:$0x1FD10]  }
0x2f1: {  	[tilespmem:v34+s25+$0x0] =	vst.idx.msk $0xffff, v17;
	v17 =	vld [tilespmem:s11+$0xFFFFFFF0]  }
0x2f2: {  	v43 =	vld [tilespmem:$0x1FC60]  }
0x2f3: {  	v46 =	vld [tilespmem:$0x1FD40]  }
0x2f4: {  	v50 =	vld [tilespmem:$0x1FC70]  }
0x2f5: {  	v55 =	vld [tilespmem:$0x1FDC0]  }
0x2f6: {  	v58 =	vld [tilespmem:$0x1FDF0]  }
0x2f7: {  	v44 =	vld [tilespmem:$0x1FC90]  }
0x2f8: {  	v56 =	vld [tilespmem:$0x1FE80]  }
0x2f9: {  	v40 =	vld [tilespmem:$0x1FEC0]  }
0x2fa: {  	v6 =	vadd.s32 v62, v2;
	v52 =	vld [tilespmem:$0x1FCA0]  }
0x2fb: {  	v22 =	vadd.s32 v63, v2;
	v11 =	vadd.s32 v61, v2;
	v29 =	vadd.f32 v27, v3;
	v0 =	vld [tilespmem:$0x1FEF0]  }
0x2fc: {  	v30 =	vadd.f32 v31, v3;
	v13 =	vadd.s32 v39, v2;
	v15 =	vadd.s32 v45, v2;
	v57 =	vld [tilespmem:$0x1FF30]  }
0x2fd: {  	v10 =	vadd.s32 v53, v2;
	v28 =	vadd.f32 v33, v1;
	v7 =	vadd.s32 $0x10, v2;
	v41 =	vld [tilespmem:$0x1FFA0]  }
0x2fe: {  	s16 =	simm.s32 $0x0;
	s18 =	simm.s32 $0x8600;
	v51 =	vld [tilespmem:$0x1FCC0];
	v24 =	vadd.s32 v54, v2;
	v25 =	vadd.s32 v49, v2;
	v27 =	vadd.s32 v42, v2  }
.LBB2_11:
0x2ff: {  	_ =	sdelay $0x3  }
0x300: {  	v33 =	vld [tilespmem:s11+$0x30];
	s18 =	sadd.s32 $0x400, s18;
	[tilespmem:v10+s25+$0x0] =	vst.idx.msk $0xffff, v29  }
0x301: {  	v10 =	vld [tilespmem:s18+$0xFFFFFEC0];
	[tilespmem:v24+s25+$0x0] =	vst.idx.msk $0xffff, v30  }
0x302: {  	[tilespmem:v25+s25+$0x0] =	vst.idx.msk $0xffff, v14;
	v14 =	vld [tilespmem:s11+$0xFFFFFF30]  }
0x303: {  	v29 =	vld [tilespmem:s11+$0x130];
	v18 =	vadd.f32 v18, v3  }
0x304: {  	[tilespmem:v22+s25+$0x0] =	vst.idx.msk $0xffff, v28;
	v24 =	vadd.f32 v12, v3;
	v25 =	vadd.f32 v26, v1;
	v12 =	vld [tilespmem:s18+$0xFFFFFFC0]  }
0x305: {  	v23 =	vadd.f32 v23, v3;
	[tilespmem:v27+s25+$0x0] =	vst.idx.msk $0xffff, v18;
	v18 =	vadd.f32 v19, v1;
	v19 =	vld [tilespmem:s11+$0xFFFFFEE0]  }
0x306: {  	v32 =	vadd.s32 v58, v2;
	v16 =	vadd.f32 v16, v1;
	[tilespmem:v6+s25+$0x0] =	vst.idx.msk $0xffff, v25;
	v25 =	vld [tilespmem:s18+$0x0]  }
0x307: {  	v20 =	vadd.f32 v20, v1;
	[tilespmem:v11+s25+$0x0] =	vst.idx.msk $0xffff, v23;
	v11 =	vld [tilespmem:$0x1FE00]  }
0x308: {  	v28 =	vadd.s32 v51, v2;
	v26 =	vadd.f32 v8, v3;
	[tilespmem:v15+s25+$0x0] =	vst.idx.msk $0xffff, v16;
	v8 =	vld [tilespmem:s18+$0xFFFFFE40]  }
0x309: {  	v30 =	vadd.s32 v40, v2;
	[tilespmem:v13+s25+$0x0] =	vst.idx.msk $0xffff, v20;
	v16 =	vld [tilespmem:s18+$0x1C0]  }
0x30a: {  	v31 =	vadd.s32 v62, v7;
	v27 =	vadd.s32 v57, v2;
	v20 =	vld [tilespmem:s18+$0xFFFFFE00]  }
0x30b: {  	v6 =	vmov v31;
	[tilespmem:v32+s25+$0x0] =	vst.idx.msk $0xffff, v24;
	v15 =	vadd.f32 v21, v1;
	v13 =	vadd.s32 v52, v2;
	v31 =	vld [tilespmem:s11+$0xFFFFFFB0]  }
0x30c: {  	v24 =	vadd.f32 v33, v1;
	v21 =	vadd.s32 v46, v2;
	v32 =	vld [tilespmem:s11+$0xFFFFFF70]  }
0x30d: {  	[tilespmem:v28+s25+$0x0] =	vst.idx.msk $0xffff, v15;
	v15 =	vld [tilespmem:s11+$0xFFFFFE70]  }
0x30e: {  	v22 =	vadd.s32 v50, v2;
	[tilespmem:v30+s25+$0x0] =	vst.idx.msk $0xffff, v24;
	v24 =	vld [tilespmem:$0x1FD50]  }
0x30f: {  	v9 =	vadd.f32 v9, v3;
	v23 =	vadd.s32 v11, v2;
	[tilespmem:v27+s25+$0x0] =	vst.idx.msk $0xffff, v18;
	v11 =	vld [tilespmem:s18+$0xFFFFFE80]  }
0x310: {  	v28 =	vadd.s32 v44, v2;
	v27 =	vld [tilespmem:$0x1FD80];
	[tilespmem:v13+s25+$0x0] =	vst.idx.msk $0xffff, v26  }
0x311: {  	v19 =	vadd.f32 v19, v3;
	[tilespmem:v21+s25+$0x0] =	vst.idx.msk $0xffff, v9;
	v9 =	vld [tilespmem:$0x1FC50]  }
0x312: {  	v18 =	vadd.f32 v29, v1;
	v29 =	vadd.s32 v56, v2;
	v21 =	vld [tilespmem:s11+$0x70]  }
0x313: {  	v30 =	vadd.s32 v55, v2;
	v34 =	vld [tilespmem:s11+$0xFFFFFEB0];
	v13 =	vadd.f32 v31, v1;
	[tilespmem:v22+s25+$0x0] =	vst.idx.msk $0xffff, v19  }
0x314: {  	v26 =	vadd.s32 v43, v2;
	v22 =	vld [tilespmem:s11+$0xFFFFFEF0]  }
0x315: {  	v17 =	vadd.f32 v17, v1;
	[tilespmem:v28+s25+$0x0] =	vst.idx.msk $0xffff, v13;
	v28 =	vld [tilespmem:s18+$0xFFFFFF40]  }
0x316: {  	v14 =	vadd.f32 v14, v1;
	v19 =	vadd.s32 v41, v2;
	v13 =	vld [tilespmem:$0x1FEE0]  }
0x317: {  	v15 =	vadd.f32 v15, v1;
	[tilespmem:v29+s25+$0x0] =	vst.idx.msk $0xffff, v17;
	v17 =	vadd.f32 v20, v4;
	v20 =	vld [tilespmem:s18+$0xFFFFFF00]  }
0x318: {  	v24 =	vadd.s32 v24, v2;
	[tilespmem:v30+s25+$0x0] =	vst.idx.msk $0xffff, v14;
	v14 =	vld [tilespmem:s18+$0xFFFFFF80]  }
0x319: {  	[tilespmem:v26+s25+$0x0] =	vst.idx.msk $0xffff, v15;
	v15 =	vadd.f32 v32, v1;
	v29 =	vld [tilespmem:$0x1FC40]  }
0x31a: {  	v32 =	vld [tilespmem:$0x1FFE0]  }
0x31b: {  	v30 =	vadd.f32 v34, v1;
	[tilespmem:v23+s25+$0x0] =	vst.idx.msk $0xffff, v15;
	v23 =	vld [tilespmem:$0x1FF40]  }
0x31c: {  	[tilespmem:v19+s25+$0x0] =	vst.idx.msk $0xffff, v18;
	v18 =	vld [tilespmem:$0x1FE40]  }
0x31d: {  	v33 =	vadd.s32 v0, v2;
	[tilespmem:v24+s25+$0x0] =	vst.idx.msk $0xffff, v30;
	v24 =	vld [tilespmem:s18+$0xC0]  }
0x31e: {  	v30 =	vld [tilespmem:$0x1FFB0]  }
0x31f: {  	v26 =	vld [tilespmem:s18+$0x180];
	v29 =	vadd.s32 v29, v7  }
0x320: {  	v21 =	vadd.f32 v21, v1;
	v34 =	vld [tilespmem:$0x1FF70];
	v23 =	vadd.s32 v23, v7  }
0x321: {  	v19 =	vld [tilespmem:s18+$0x140];
	v18 =	vadd.s32 v18, v7  }
0x322: {  	v16 =	vadd.f32 v16, v4;
	[tilespmem:v33+s25+$0x0] =	vst.idx.msk $0xffff, v21;
	v21 =	vld [tilespmem:$0x1FD20];
	v32 =	vadd.s32 v32, v7  }
0x323: {  	v31 =	vld [tilespmem:s18+$0x100];
	v30 =	vadd.s32 v30, v7;
	v24 =	vadd.f32 v24, v4  }
0x324: {  	v27 =	vadd.s32 v27, v2;
	v33 =	vld [tilespmem:$0x1FFC0];
	[tilespmem:v29+s25+$0x0] =	vst.idx.msk $0xffff, v16  }
0x325: {  	v26 =	vadd.f32 v26, v4;
	[tilespmem:v23+s25+$0x0] =	vst.idx.msk $0xffff, v24;
	v24 =	vadd.f32 v25, v4;
	v25 =	vld [tilespmem:$0x1FFF0]  }
0x326: {  	v15 =	vld [tilespmem:s18+$0x40];
	[tilespmem:v18+s25+$0x0] =	vst.idx.msk $0xffff, v17;
	v17 =	vadd.f32 v19, v4  }
0x327: {  	v22 =	vadd.f32 v22, v1;
	v16 =	vld [tilespmem:$0x1FF00];
	[tilespmem:v32+s25+$0x0] =	vst.idx.msk $0xffff, v26  }
0x328: {  	[tilespmem:v30+s25+$0x0] =	vst.idx.msk $0xffff, v17;
	v17 =	vld [tilespmem:s18+$0x190]  }
0x329: {  	[tilespmem:v27+s25+$0x0] =	vst.idx.msk $0xffff, v22;
	v22 =	vld [tilespmem:$0x1FD90];
	v34 =	vadd.s32 v34, v7  }
0x32a: {  	v27 =	vld [tilespmem:s18+$0x80];
	v25 =	vadd.s32 v25, v7  }
0x32b: {  	v29 =	vld [tilespmem:$0x1FED0]  }
0x32c: {  	v31 =	vadd.f32 v31, v4;
	v26 =	vld [tilespmem:$0x1FE90]  }
0x32d: {  	v32 =	vld [tilespmem:$0x1FE10];
	v16 =	vadd.s32 v16, v7;
	v17 =	vadd.f32 v17, v5  }
0x32e: {  	[tilespmem:v34+s25+$0x0] =	vst.idx.msk $0xffff, v31;
	v18 =	vld [tilespmem:s18+$0x1D0]  }
0x32f: {  	[tilespmem:v25+s25+$0x0] =	vst.idx.msk $0xffff, v17;
	v17 =	vld [tilespmem:$0x1FCF0]  }
0x330: {  	v22 =	vadd.s32 v22, v7;
	v27 =	vadd.f32 v27, v4;
	v23 =	vld [tilespmem:s18+$0x110]  }
0x331: {  	v19 =	vld [tilespmem:s18+$0xFFFFFE10]  }
0x332: {  	v29 =	vadd.s32 v29, v7;
	[tilespmem:v16+s25+$0x0] =	vst.idx.msk $0xffff, v27;
	v27 =	vld [tilespmem:$0x1FDD0]  }
0x333: {  	v20 =	vadd.f32 v20, v4;
	v30 =	vld [tilespmem:$0x1FE50];
	v26 =	vadd.s32 v26, v7  }
0x334: {  	v31 =	vld [tilespmem:s18+$0x150];
	v17 =	vadd.s32 v17, v7  }
0x335: {  	v15 =	vadd.f32 v15, v4;
	[tilespmem:v22+s25+$0x0] =	vst.idx.msk $0xffff, v20;
	v22 =	vld [tilespmem:$0x1FF50]  }
0x336: {  	v33 =	vadd.s32 v33, v7;
	v16 =	vld [tilespmem:s18+$0xD0]  }
0x337: {  	v8 =	vadd.f32 v8, v4;
	[tilespmem:v29+s25+$0x0] =	vst.idx.msk $0xffff, v15;
	v29 =	vld [tilespmem:$0x1FD60];
	v27 =	vadd.s32 v27, v7  }
0x338: {  	v30 =	vadd.s32 v30, v7;
	[tilespmem:v26+s25+$0x0] =	vst.idx.msk $0xffff, v24;
	v15 =	vld [tilespmem:s18+$0x90]  }
0x339: {  	v26 =	vadd.f32 v28, v4;
	v28 =	vadd.f32 v31, v5;
	[tilespmem:v17+s25+$0x0] =	vst.idx.msk $0xffff, v8;
	v8 =	vld [tilespmem:$0x1FEA0]  }
0x33a: {  	v32 =	vadd.s32 v32, v7;
	v24 =	vld [tilespmem:s18+$0x50]  }
0x33b: {  	v12 =	vadd.f32 v12, v4;
	v22 =	vadd.s32 v22, v7;
	[tilespmem:v33+s25+$0x0] =	vst.idx.msk $0xffff, v28;
	v25 =	vld [tilespmem:s18+$0x1A0]  }
0x33c: {  	v13 =	vadd.s32 v13, v7;
	[tilespmem:v27+s25+$0x0] =	vst.idx.msk $0xffff, v26;
	v27 =	vld [tilespmem:$0x1FF10]  }
0x33d: {  	v14 =	vadd.f32 v14, v4;
	[tilespmem:v30+s25+$0x0] =	vst.idx.msk $0xffff, v12;
	v12 =	vld [tilespmem:s18+$0x10]  }
0x33e: {  	v29 =	vadd.s32 v29, v7;
	v16 =	vadd.f32 v16, v5;
	v28 =	vadd.s32 v8, v7;
	v8 =	vld [tilespmem:$0x1FF20]  }
0x33f: {  	[tilespmem:v32+s25+$0x0] =	vst.idx.msk $0xffff, v14;
	v14 =	vld [tilespmem:s18+$0xFFFFFFD0];
	v24 =	vadd.f32 v24, v5  }
0x340: {  	v21 =	vadd.s32 v21, v7;
	v30 =	vld [tilespmem:s18+$0xFFFFFF90];
	[tilespmem:v22+s25+$0x0] =	vst.idx.msk $0xffff, v16  }
0x341: {  	v10 =	vadd.f32 v10, v4;
	[tilespmem:v13+s25+$0x0] =	vst.idx.msk $0xffff, v24;
	v13 =	vld [tilespmem:s18+$0xE0];
	v27 =	vadd.s32 v27, v7  }
0x342: {  	v24 =	vld [tilespmem:$0x1FD30]  }
0x343: {  	v11 =	vadd.f32 v11, v4;
	[tilespmem:v29+s25+$0x0] =	vst.idx.msk $0xffff, v10;
	v29 =	vadd.s32 v8, v7;
	v8 =	vld [tilespmem:$0x1FE60]  }
0x344: {  	v26 =	vld [tilespmem:s18+$0xFFFFFF10];
	v10 =	vadd.f32 v14, v5;
	v14 =	vadd.f32 v15, v5  }
0x345: {  	v9 =	vadd.s32 v9, v7;
	[tilespmem:v21+s25+$0x0] =	vst.idx.msk $0xffff, v11;
	v12 =	vadd.f32 v12, v5;
	v20 =	vld [tilespmem:s18+$0xFFFFFF50]  }
0x346: {  	[tilespmem:v27+s25+$0x0] =	vst.idx.msk $0xffff, v14;
	v14 =	vld [tilespmem:$0x1FF80]  }
0x347: {  	v16 =	vadd.f32 v18, v5;
	[tilespmem:v28+s25+$0x0] =	vst.idx.msk $0xffff, v12;
	v12 =	vld [tilespmem:$0x1FDA0]  }
0x348: {  	v21 =	vadd.f32 v30, v5;
	v30 =	vadd.s32 v35, v7;
	v18 =	vadd.s32 v8, v7;
	v8 =	vld [tilespmem:$0x1FDE0]  }
0x349: {  	v17 =	vld [tilespmem:s18+$0xFFFFFE90]  }
0x34a: {  	[tilespmem:v9+s25+$0x0] =	vst.idx.msk $0xffff, v16;
	v15 =	vld [tilespmem:s18+$0x160]  }
0x34b: {  	v19 =	vadd.f32 v19, v5;
	v16 =	vld [tilespmem:s18+$0x1E0];
	v24 =	vadd.s32 v24, v7  }
0x34c: {  	v22 =	vadd.f32 v23, v5;
	v9 =	vadd.f32 v20, v5;
	v20 =	vld [tilespmem:$0x1FE20];
	v14 =	vadd.s32 v14, v7  }
0x34d: {  	[tilespmem:v30+s25+$0x0] =	vst.idx.msk $0xffff, v19;
	v19 =	vadd.s32 v12, v7;
	v12 =	vld [tilespmem:$0x1FD00];
	v23 =	vadd.s32 v8, v7  }
0x34e: {  	v31 =	vld [tilespmem:s18+$0xFFFFFE50];
	v17 =	vadd.f32 v17, v5  }
0x34f: {  	v30 =	vld [tilespmem:s18+$0xFFFFFE20]  }
0x350: {  	v11 =	vld [tilespmem:s18+$0xFFFFFED0];
	[tilespmem:v24+s25+$0x0] =	vst.idx.msk $0xffff, v17  }
0x351: {  	v20 =	vadd.s32 v20, v7;
	v27 =	vld [tilespmem:s18+$0xA0];
	[tilespmem:v14+s25+$0x0] =	vst.idx.msk $0xffff, v22  }
0x352: {  	v26 =	vadd.f32 v26, v5;
	v32 =	vadd.s32 v12, v7;
	[tilespmem:v23+s25+$0x0] =	vst.idx.msk $0xffff, v9;
	v9 =	vld [tilespmem:$0x1FF60]  }
0x353: {  	v28 =	vld [tilespmem:s18+$0x20];
	[tilespmem:v18+s25+$0x0] =	vst.idx.msk $0xffff, v10;
	v18 =	vadd.f32 v31, v5;
	v31 =	vadd.f32 v15, v3  }
0x354: {  	v17 =	vld [tilespmem:s18+$0x120];
	[tilespmem:v19+s25+$0x0] =	vst.idx.msk $0xffff, v26;
	v19 =	vadd.s32 v38, v7;
	v15 =	vadd.f32 v30, v3  }
0x355: {  	v22 =	vadd.s32 v37, v7;
	v8 =	vld [tilespmem:s18+$0x60]  }
0x356: {  	v26 =	vadd.s32 v47, v7;
	v33 =	vld [tilespmem:s18+$0xFFFFFFE0];
	[tilespmem:v20+s25+$0x0] =	vst.idx.msk $0xffff, v15  }
0x357: {  	v20 =	vld [tilespmem:s18+$0xFFFFFE30];
	v10 =	vadd.s32 v9, v7  }
0x358: {  	v23 =	vadd.f32 v25, v3;
	[tilespmem:v32+s25+$0x0] =	vst.idx.msk $0xffff, v18;
	v32 =	vld [tilespmem:s18+$0xFFFFFF20]  }
0x359: {  	v30 =	vadd.s32 v60, v7;
	v25 =	vadd.f32 v16, v3;
	[tilespmem:v19+s25+$0x0] =	vst.idx.msk $0xffff, v21;
	v12 =	vld [tilespmem:s18+$0xFFFFFF60]  }
0x35a: {  	v35 =	vadd.s32 v48, v7;
	v13 =	vadd.f32 v13, v3;
	v18 =	vld [tilespmem:s18+$0xFFFFFE60];
	[tilespmem:v22+s25+$0x0] =	vst.idx.msk $0xffff, v23  }
0x35b: {  	v21 =	vadd.f32 v33, v3;
	v23 =	vld [tilespmem:s18+$0xFFFFFFA0];
	[tilespmem:v26+s25+$0x0] =	vst.idx.msk $0xffff, v25  }
0x35c: {  	s16 =	sadd.s32 $0x10, s16;
	v34 =	vld [tilespmem:s18+$0x1B0];
	[tilespmem:v10+s25+$0x0] =	vst.idx.msk $0xffff, v13;
	v10 =	vadd.f32 v27, v3;
	v27 =	vadd.s32 v59, v7  }
0x35d: {  	p0 =	slt.u32 s16, $0xF0;
	v24 =	vadd.s32 v54, v7;
	v14 =	vadd.f32 v11, v5;
	v33 =	vadd.f32 v28, v3;
	v26 =	vld [tilespmem:s18+$0x1F0]  }
.Ltmp4:
0x35e: {  	v11 =	vadd.s32 v61, v7;
	v15 =	vadd.s32 v45, v7;
	[tilespmem:v30+s25+$0x0] =	vst.idx.msk $0xffff, v21;
	v9 =	vld [tilespmem:s18+$0xFFFFFEA0];
	(pc) =	sbr.rel @p0 .LBB2_11-.Ltmp4, $4  }
0x35f: {  	v22 =	vadd.s32 v63, v7;
	v25 =	vadd.s32 v49, v7;
	[tilespmem:v35+s25+$0x0] =	vst.idx.msk $0xffff, v33;
	v16 =	vld [tilespmem:s18+$0xF0]  }
0x360: {  	v30 =	vadd.f32 v32, v3;
	[tilespmem:v29+s25+$0x0] =	vst.idx.msk $0xffff, v10;
	v29 =	vadd.f32 v17, v3;
	v17 =	vld [tilespmem:s18+$0xFFFFFFF0]  }
0x361: {  	v2 =	vmov v7;
	v28 =	vadd.f32 v34, v1;
	v13 =	vadd.s32 v39, v7;
	v19 =	vld [tilespmem:s18+$0xB0];
	[tilespmem:v27+s25+$0x0] =	vst.idx.msk $0xffff, v31  }
0x362: {  	s11 =	smov.u32 s18;
	v35 =	vmovc v36;
	v10 =	vadd.s32 v53, v7;
	v7 =	vadd.s32 $0x10, v7;
	v27 =	vadd.s32 v42, v2;
	v21 =	vld [tilespmem:s18+$0x170]  }
0x363: {  	_ =	sdelay $0x3  }
0x364: {  	[tilespmem:v10+s25+$0x0] =	vst.idx.msk $0xffff, v29  }
0x365: {  	[tilespmem:v24+s25+$0x0] =	vst.idx.msk $0xffff, v30  }
0x366: {  	v5 =	vadd.f32 v18, v3;
	[tilespmem:v25+s25+$0x0] =	vst.idx.msk $0xffff, v14  }
0x367: {  	v7 =	vadd.f32 v26, v1;
	[tilespmem:v22+s25+$0x0] =	vst.idx.msk $0xffff, v28  }
0x368: {  	v4 =	vadd.s32 v58, v2;
	v20 =	vadd.f32 v20, v1;
	[tilespmem:v27+s25+$0x0] =	vst.idx.msk $0xffff, v5  }
0x369: {  	v61 =	vadd.s32 v57, v2;
	v23 =	vadd.f32 v23, v3;
	[tilespmem:v6+s25+$0x0] =	vst.idx.msk $0xffff, v7  }
0x36a: {  	v29 =	vadd.s32 v46, v2;
	v60 =	vadd.f32 v16, v1;
	[tilespmem:v13+s25+$0x0] =	vst.idx.msk $0xffff, v20  }
0x36b: {  	v58 =	vadd.f32 v12, v3;
	v59 =	vld [tilespmem:s11+$0x30];
	v32 =	vadd.s32 v56, v2;
	[tilespmem:v11+s25+$0x0] =	vst.idx.msk $0xffff, v23  }
0x36c: {  	v22 =	vadd.s32 v51, v2;
	[tilespmem:v15+s25+$0x0] =	vst.idx.msk $0xffff, v60;
	v25 =	vadd.f32 v19, v1  }
0x36d: {  	v24 =	vadd.s32 v40, v2;
	v33 =	vadd.f32 v9, v3;
	v26 =	vld [tilespmem:s11+$0xFFFFFEE0];
	[tilespmem:v4+s25+$0x0] =	vst.idx.msk $0xffff, v58  }
0x36e: {  	v27 =	vadd.s32 v52, v2;
	v42 =	vadd.f32 v17, v1;
	v11 =	vld [tilespmem:s11+$0xFFFFFFB0];
	[tilespmem:v61+s25+$0x0] =	vst.idx.msk $0xffff, v25  }
0x36f: {  	v30 =	vadd.s32 v50, v2;
	v31 =	vld [tilespmem:s11+$0xFFFFFF30];
	v28 =	vadd.f32 v21, v1;
	[tilespmem:v29+s25+$0x0] =	vst.idx.msk $0xffff, v33  }
0x370: {  	v37 =	vadd.s32 v44, v2;
	v5 =	vadd.f32 v59, v1;
	[tilespmem:v32+s25+$0x0] =	vst.idx.msk $0xffff, v42  }
0x371: {  	v8 =	vadd.f32 v8, v3;
	v40 =	vadd.s32 v55, v2;
	[tilespmem:v22+s25+$0x0] =	vst.idx.msk $0xffff, v28  }
0x372: {  	v38 =	vld [tilespmem:s11+$0x130];
	v39 =	vadd.f32 v26, v3;
	[tilespmem:v24+s25+$0x0] =	vst.idx.msk $0xffff, v5  }
0x373: {  	v34 =	vld [tilespmem:s11+$0xFFFFFE70];
	[tilespmem:v27+s25+$0x0] =	vst.idx.msk $0xffff, v8;
	v47 =	vadd.f32 v11, v1  }
0x374: {  	v12 =	vadd.f32 v31, v1;
	v45 =	vld [tilespmem:s11+$0x70];
	[tilespmem:v30+s25+$0x0] =	vst.idx.msk $0xffff, v39  }
0x375: {  	v51 =	vld [tilespmem:$0x1FD50];
	[tilespmem:v37+s25+$0x0] =	vst.idx.msk $0xffff, v47  }
0x376: {  	v55 =	vld [tilespmem:$0x1FD80];
	[tilespmem:v40+s25+$0x0] =	vst.idx.msk $0xffff, v12  }
0x377: {  	v44 =	vadd.s32 v43, v2;
	v57 =	vld [tilespmem:$0x1FE00]  }
0x378: {  	v48 =	vadd.s32 v41, v2;
	v46 =	vld [tilespmem:s11+$0xFFFFFEB0]  }
0x379: {  	v49 =	vadd.s32 v0, v2;
	v50 =	vld [tilespmem:s11+$0xFFFFFEF0]  }
0x37a: {  	v53 =	vld [tilespmem:s11+$0xFFFFFF70];
	v9 =	vadd.f32 v34, v1;
	v52 =	vadd.s32 v51, v2  }
0x37b: {  	v54 =	vadd.f32 v38, v1;
	v56 =	vadd.s32 v55, v2  }
0x37c: {  	[tilespmem:v44+s25+$0x0] =	vst.idx.msk $0xffff, v9;
	v4 =	vadd.f32 v45, v1;
	v58 =	vadd.s32 v57, v2  }
0x37d: {  	v59 =	vadd.f32 v46, v1;
	[tilespmem:v48+s25+$0x0] =	vst.idx.msk $0xffff, v54  }
0x37e: {  	v60 =	vadd.f32 v50, v1;
	[tilespmem:v49+s25+$0x0] =	vst.idx.msk $0xffff, v4  }
0x37f: {  	v61 =	vadd.f32 v53, v1;
	[tilespmem:v52+s25+$0x0] =	vst.idx.msk $0xffff, v59  }
0x380: {  	s9 =	sshll.u32 s9, $0x12;
	[tilespmem:v56+s25+$0x0] =	vst.idx.msk $0xffff, v60  }
0x381: {  	s9 =	sor.u32 s5, s9;
	[tilespmem:v58+s25+$0x0] =	vst.idx.msk $0xffff, v61  }
0x382: {  	s16 =	simm.s32 $0x200;
	s9 =	sshrl.u32 s9, $0x3;
	_ =	swait.ge [sflag:s1], $0x100  }
0x383: {  	s18 =	simm.s32 $0x10508;
	s9 =	sadd.s32 s7, s9;
	[sflag:s1] =	ssyncset.done $0x0  }
0x384: {  	s19 =	sadd.s32 $0x0, s9;
	s11 =	simm.s32 $0x10400;
	[sflag:s1] =	ssyncadd.s32 $0xFFFFFF00  }
0x385: {  	[tilespmem:s21], [sflag:$0x3] =	stream.indirect.gather [hbm4b:s3+s17], $0x40, s20, s17, $0xb8;
	[tilespmem:$0x1BA00] =	vst v63  }
.LBB2_13:
0x386: {  	[hbm4b:s19+s2] =	stream.linear.scatter [tilespmem:s11], [sflag:$0x9], $0x100, $0x38;
	[tilespmem:$0x1BA00] =	vst v63  }
0x387: {  	s19 =	smov.u32 s16;
	s11 =	smov.u32 s18;
	p0 =	sne.s32 s16, $0x7E00  }
.Ltmp5:
0x388: {  	s16 =	sadd.s32 $0x200, s16;
	(pc) =	sbr.rel @p0 .LBB2_13-.Ltmp5, $2  }
0x389: {  	_ =	sdelay $0x2  }
0x38a: {  	s18 =	sadd.s32 $0x108, s18;
	s19 =	sadd.s32 s19, s9  }
0x38b: {  	[hbm4b:s19+s2] =	stream.linear.scatter [tilespmem:s11], [sflag:$0x9], $0x100, $0x38;
	[tilespmem:$0x1BA00] =	vst v63  }
0x38c: {  	s9 =	sadd.s32 $0x7, s14  }
0x38d: {  	s9 =	smin.u32 s9, s13  }
0x38e: {  	s9 =	sshll.u32 s9, $0xC  }
0x38f: {  	_ =	swait.ge [sflag:s15], $0x4000;
	s9 =	sor.u32 s5, s9  }
0x390: {  	[sflag:s15] =	ssyncset.done $0x0;
	s9 =	sshrl.u32 s9, $0x3  }
0x391: {  	[sflag:s15] =	ssyncadd.s32 $0xFFFFC000;
	s9 =	sadd.s32 s4, s9  }
0x392: {  	[tilespmem:s22], [sflag:$0x8] =	stream.linear.gather [hbm4b:s9+s2], $0x100, $0x38;
	[tilespmem:$0x1BA00] =	vst v63  }
0x393: {  	_ =	swait.ge [sflag:s6], $0x4000  }
0x394: {  	v0 =	vld [tilespmem:$0x1FC40];
	_ =	sdelay $0x3  }
0x395: {  	v2 =	vimm.s32 $0x0  }
0x396: {  	v17 =	vadd.s32 v0, v2;
	v0 =	vld [tilespmem:$0x1FE40];
	_ =	sdelay $0x4  }
0x397: {  	v18 =	vadd.s32 v0, v2;
	v0 =	vld [tilespmem:$0x1FFE0];
	_ =	sdelay $0x4  }
0x398: {  	v21 =	vadd.s32 v0, v2;
	v0 =	vld [tilespmem:$0x1FC50];
	_ =	sdelay $0x4  }
0x399: {  	v22 =	vadd.s32 v0, v2;
	v0 =	vld [tilespmem:$0x1FFB0];
	_ =	sdelay $0x2  }
0x39a: {  	s9 =	sor.u32 $0x3, s14  }
0x39b: {  	s19 =	sshll.u32 s9, $0x6;
	[sflag:s6] =	ssyncset.done $0x0  }
0x39c: {  	s11 =	sand.u32 $0x3FFFFFC0, s19;
	[sflag:s6] =	ssyncadd.s32 $0xFFFFC000;
	v24 =	vadd.s32 v0, v2;
	v0 =	vld [tilespmem:$0x1FEE0]  }
0x39d: {  	v4 =	vld [tilespmem:s11+$0x18800]  }
0x39e: {  	v5 =	vld [tilespmem:s11+$0x18810]  }
0x39f: {  	v3 =	vld [tilespmem:s11+$0x18820]  }
0x3a0: {  	v1 =	vld [tilespmem:s11+$0x18830]  }
0x3a1: {  	s11 =	simm.s32 $0xC600;
	v25 =	vadd.s32 v0, v2;
	v0 =	vld [tilespmem:$0x1FF70]  }
0x3a2: {  	v11 =	vld [tilespmem:s11+$0x1C0]  }
0x3a3: {  	v12 =	vld [tilespmem:s11+$0xFFFFFE00];
	_ =	sdelay $0x2  }
0x3a4: {  	v27 =	vadd.s32 v0, v2;
	v0 =	vld [tilespmem:$0x1FF40]  }
0x3a5: {  	v11 =	vadd.f32 v11, v4  }
0x3a6: {  	v12 =	vadd.f32 v12, v4  }
0x3a7: {  	[tilespmem:v17+s29+$0x0] =	vst.idx.msk $0xffff, v11  }
0x3a8: {  	[tilespmem:v18+s29+$0x0] =	vst.idx.msk $0xffff, v12  }
0x3a9: {  	v29 =	vadd.s32 v0, v2;
	v0 =	vld [tilespmem:$0x1FF00];
	_ =	sdelay $0x1  }
0x3aa: {  	v16 =	vld [tilespmem:s11+$0x180];
	_ =	sdelay $0x1  }
0x3ab: {  	v19 =	vld [tilespmem:s11+$0x140]  }
0x3ac: {  	v12 =	vadd.s32 v0, v2;
	v0 =	vld [tilespmem:$0x1FED0];
	_ =	sdelay $0x1  }
0x3ad: {  	v16 =	vadd.f32 v16, v4;
	_ =	sdelay $0x1  }
0x3ae: {  	[tilespmem:v21+s29+$0x0] =	vst.idx.msk $0xffff, v16  }
0x3af: {  	v17 =	vadd.f32 v19, v4;
	v19 =	vadd.s32 v0, v2;
	v0 =	vld [tilespmem:$0x1FE90];
	_ =	sdelay $0x1  }
0x3b0: {  	v20 =	vld [tilespmem:s11+$0x100];
	_ =	sdelay $0x1  }
0x3b1: {  	[tilespmem:v24+s29+$0x0] =	vst.idx.msk $0xffff, v17  }
0x3b2: {  	v21 =	vadd.s32 v0, v2;
	v0 =	vld [tilespmem:$0x1FD20];
	_ =	sdelay $0x1  }
0x3b3: {  	v23 =	vld [tilespmem:s11+$0xC0];
	v20 =	vadd.f32 v20, v4;
	_ =	sdelay $0x1  }
0x3b4: {  	[tilespmem:v27+s29+$0x0] =	vst.idx.msk $0xffff, v20  }
0x3b5: {  	v17 =	vadd.s32 v0, v2;
	v0 =	vld [tilespmem:$0x1FE50];
	_ =	sdelay $0x1  }
0x3b6: {  	v26 =	vld [tilespmem:s11+$0x80];
	v23 =	vadd.f32 v23, v4;
	_ =	sdelay $0x1  }
0x3b7: {  	[tilespmem:v29+s29+$0x0] =	vst.idx.msk $0xffff, v23  }
0x3b8: {  	v20 =	vadd.s32 v0, v2;
	v0 =	vld [tilespmem:$0x1FE10];
	_ =	sdelay $0x1  }
0x3b9: {  	v26 =	vadd.f32 v26, v4;
	_ =	sdelay $0x1  }
0x3ba: {  	[tilespmem:v12+s29+$0x0] =	vst.idx.msk $0xffff, v26  }
0x3bb: {  	v23 =	vadd.s32 v0, v2;
	v0 =	vld [tilespmem:$0x1FFC0];
	_ =	sdelay $0x1  }
0x3bc: {  	v28 =	vld [tilespmem:s11+$0x40];
	_ =	sdelay $0x2  }
0x3bd: {  	v12 =	vadd.s32 v0, v2;
	v0 =	vld [tilespmem:$0x1FFF0];
	_ =	sdelay $0x1  }
0x3be: {  	v9 =	vld [tilespmem:s11+$0x0];
	v28 =	vadd.f32 v28, v4;
	_ =	sdelay $0x1  }
0x3bf: {  	[tilespmem:v19+s29+$0x0] =	vst.idx.msk $0xffff, v28  }
0x3c0: {  	v30 =	vadd.s32 v0, v2;
	v0 =	vld [tilespmem:$0x1FDD0];
	_ =	sdelay $0x1  }
0x3c1: {  	v8 =	vld [tilespmem:s11+$0xFFFFFFC0];
	v9 =	vadd.f32 v9, v4;
	_ =	sdelay $0x1  }
0x3c2: {  	[tilespmem:v21+s29+$0x0] =	vst.idx.msk $0xffff, v9  }
0x3c3: {  	v19 =	vadd.s32 v0, v2;
	v0 =	vld [tilespmem:$0x1FD90]  }
0x3c4: {  	v11 =	vld [tilespmem:s11+$0xFFFFFF80]  }
0x3c5: {  	v8 =	vadd.f32 v8, v4;
	v24 =	vld [tilespmem:s11+$0x190];
	_ =	sdelay $0x1  }
0x3c6: {  	v27 =	vld [tilespmem:s11+$0x150];
	[tilespmem:v20+s29+$0x0] =	vst.idx.msk $0xffff, v8  }
0x3c7: {  	v9 =	vadd.s32 v0, v2;
	v0 =	vld [tilespmem:$0x1FD60]  }
0x3c8: {  	v15 =	vld [tilespmem:s11+$0xFFFFFF40];
	v11 =	vadd.f32 v11, v4  }
0x3c9: {  	v14 =	vld [tilespmem:s11+$0xFFFFFF00];
	v24 =	vadd.f32 v24, v5  }
0x3ca: {  	[tilespmem:v23+s29+$0x0] =	vst.idx.msk $0xffff, v11  }
0x3cb: {  	[tilespmem:v30+s29+$0x0] =	vst.idx.msk $0xffff, v24  }
0x3cc: {  	v20 =	vadd.f32 v27, v5;
	v27 =	vadd.s32 v0, v2;
	v0 =	vld [tilespmem:$0x1FCF0]  }
0x3cd: {  	v7 =	vld [tilespmem:s11+$0xFFFFFEC0];
	v15 =	vadd.f32 v15, v4  }
0x3ce: {  	v13 =	vld [tilespmem:s11+$0xFFFFFE80];
	v14 =	vadd.f32 v14, v4  }
0x3cf: {  	[tilespmem:v19+s29+$0x0] =	vst.idx.msk $0xffff, v15  }
0x3d0: {  	[tilespmem:v9+s29+$0x0] =	vst.idx.msk $0xffff, v14  }
0x3d1: {  	v24 =	vadd.s32 v0, v2;
	v0 =	vld [tilespmem:$0x1FF50]  }
0x3d2: {  	v7 =	vadd.f32 v7, v4  }
0x3d3: {  	v10 =	vld [tilespmem:s11+$0xFFFFFE40];
	v13 =	vadd.f32 v13, v4;
	[tilespmem:v12+s29+$0x0] =	vst.idx.msk $0xffff, v20  }
0x3d4: {  	[tilespmem:v27+s29+$0x0] =	vst.idx.msk $0xffff, v7  }
0x3d5: {  	[tilespmem:v17+s29+$0x0] =	vst.idx.msk $0xffff, v13  }
0x3d6: {  	v14 =	vadd.s32 v0, v2;
	v0 =	vld [tilespmem:$0x1FF10];
	_ =	sdelay $0x1  }
0x3d7: {  	v10 =	vadd.f32 v10, v4  }
0x3d8: {  	v21 =	vld [tilespmem:s11+$0x50]  }
0x3d9: {  	v8 =	vld [tilespmem:s11+$0x10];
	[tilespmem:v24+s29+$0x0] =	vst.idx.msk $0xffff, v10  }
0x3da: {  	v12 =	vadd.s32 v0, v2;
	v0 =	vld [tilespmem:$0x1FEA0];
	_ =	sdelay $0x1  }
0x3db: {  	v26 =	vld [tilespmem:s11+$0xD0];
	_ =	sdelay $0x1  }
0x3dc: {  	v23 =	vld [tilespmem:s11+$0xFFFFFF90]  }
0x3dd: {  	v30 =	vadd.f32 v8, v5;
	v8 =	vadd.f32 v21, v5;
	v21 =	vadd.s32 v0, v2;
	v0 =	vld [tilespmem:$0x1FF20];
	_ =	sdelay $0x1  }
0x3de: {  	v26 =	vadd.f32 v26, v5;
	_ =	sdelay $0x1  }
0x3df: {  	v18 =	vld [tilespmem:s11+$0x1D0];
	[tilespmem:v14+s29+$0x0] =	vst.idx.msk $0xffff, v26  }
0x3e0: {  	v17 =	vadd.f32 v23, v5;
	v23 =	vadd.s32 v0, v2;
	v0 =	vld [tilespmem:$0x1FE60]  }
0x3e1: {  	v28 =	vld [tilespmem:s11+$0x90]  }
0x3e2: {  	v11 =	vld [tilespmem:s11+$0xFFFFFFD0];
	_ =	sdelay $0x1  }
0x3e3: {  	[tilespmem:v25+s29+$0x0] =	vst.idx.msk $0xffff, v8  }
0x3e4: {  	v14 =	vadd.f32 v18, v5;
	v18 =	vadd.s32 v0, v2;
	v0 =	vld [tilespmem:$0x1FDE0];
	_ =	sdelay $0x1  }
0x3e5: {  	v7 =	vadd.f32 v11, v5;
	v11 =	vadd.f32 v28, v5  }
0x3e6: {  	[tilespmem:v22+s29+$0x0] =	vst.idx.msk $0xffff, v14  }
0x3e7: {  	[tilespmem:v12+s29+$0x0] =	vst.idx.msk $0xffff, v11  }
0x3e8: {  	v28 =	vadd.s32 v0, v2;
	v0 =	vld [tilespmem:$0x1FF80];
	_ =	sdelay $0x3  }
0x3e9: {  	v29 =	vld [tilespmem:s11+$0x110]  }
0x3ea: {  	v11 =	vadd.s32 v0, v2;
	v0 =	vld [tilespmem:$0x1FE20];
	_ =	sdelay $0x1  }
0x3eb: {  	v16 =	vld [tilespmem:s11+$0xFFFFFE10];
	_ =	sdelay $0x1  }
0x3ec: {  	v24 =	vadd.s32 v35, v2  }
0x3ed: {  	v26 =	vadd.f32 v29, v5;
	v29 =	vadd.s32 v0, v2;
	v0 =	vld [tilespmem:$0x1FD30]  }
0x3ee: {  	v15 =	vld [tilespmem:s11+$0x1A0]  }
0x3ef: {  	v16 =	vadd.f32 v16, v5;
	v9 =	vld [tilespmem:s11+$0xFFFFFF50]  }
0x3f0: {  	v19 =	vld [tilespmem:s11+$0xFFFFFF10];
	[tilespmem:v21+s29+$0x0] =	vst.idx.msk $0xffff, v30  }
0x3f1: {  	v20 =	vld [tilespmem:s11+$0x160];
	[tilespmem:v24+s29+$0x0] =	vst.idx.msk $0xffff, v16  }
0x3f2: {  	v14 =	vadd.s32 v0, v2;
	v0 =	vld [tilespmem:$0x1FDA0]  }
0x3f3: {  	v13 =	vld [tilespmem:s11+$0xFFFFFED0]  }
0x3f4: {  	v10 =	vld [tilespmem:s11+$0xFFFFFE90]  }
0x3f5: {  	v27 =	vld [tilespmem:s11+$0xFFFFFE50]  }
0x3f6: {  	v25 =	vld [tilespmem:s11+$0xE0]  }
0x3f7: {  	v16 =	vadd.s32 v0, v2;
	v0 =	vld [tilespmem:$0x1FD00]  }
0x3f8: {  	v8 =	vld [tilespmem:s11+$0x60]  }
0x3f9: {  	v9 =	vadd.f32 v9, v5;
	v22 =	vld [tilespmem:s11+$0x1E0]  }
0x3fa: {  	v21 =	vld [tilespmem:s11+$0xA0];
	[tilespmem:v18+s29+$0x0] =	vst.idx.msk $0xffff, v7  }
0x3fb: {  	v30 =	vld [tilespmem:s11+$0x20];
	[tilespmem:v28+s29+$0x0] =	vst.idx.msk $0xffff, v9  }
0x3fc: {  	v31 =	vadd.s32 v0, v2;
	v0 =	vld [tilespmem:$0x1FF60]  }
0x3fd: {  	v24 =	vld [tilespmem:s11+$0xFFFFFE20];
	[tilespmem:v11+s29+$0x0] =	vst.idx.msk $0xffff, v26  }
0x3fe: {  	v43 =	vld [tilespmem:$0x1FCD0]  }
0x3ff: {  	v10 =	vadd.f32 v10, v5;
	v7 =	vld [tilespmem:s11+$0xFFFFFFE0]  }
0x400: {  	v19 =	vadd.f32 v19, v5;
	v12 =	vld [tilespmem:s11+$0xFFFFFF60]  }
0x401: {  	v18 =	vadd.f32 v27, v5;
	[tilespmem:v14+s29+$0x0] =	vst.idx.msk $0xffff, v10;
	v27 =	vld [tilespmem:s11+$0x120];
	v28 =	vadd.s32 v0, v2  }
0x402: {  	[tilespmem:v16+s29+$0x0] =	vst.idx.msk $0xffff, v19;
	v9 =	vld [tilespmem:s11+$0xFFFFFEA0]  }
0x403: {  	[tilespmem:v31+s29+$0x0] =	vst.idx.msk $0xffff, v18;
	v31 =	vld [tilespmem:s11+$0xFFFFFF20];
	v26 =	vadd.s32 v43, v2  }
0x404: {  	v10 =	vadd.f32 v25, v3;
	v38 =	vld [tilespmem:$0x1FC80]  }
0x405: {  	v61 =	vld [tilespmem:$0x1FE30]  }
0x406: {  	v15 =	vadd.f32 v15, v3;
	v18 =	vld [tilespmem:s11+$0xFFFFFE60];
	[tilespmem:v28+s29+$0x0] =	vst.idx.msk $0xffff, v10  }
0x407: {  	v14 =	vadd.f32 v13, v5;
	v13 =	vadd.f32 v24, v3;
	v46 =	vld [tilespmem:$0x1FC30]  }
0x408: {  	v40 =	vld [tilespmem:$0x1FFD0];
	[tilespmem:v26+s29+$0x0] =	vst.idx.msk $0xffff, v15  }
0x409: {  	v16 =	vld [tilespmem:s11+$0xF0];
	[tilespmem:v29+s29+$0x0] =	vst.idx.msk $0xffff, v13  }
0x40a: {  	v39 =	vld [tilespmem:$0x1FCE0]  }
0x40b: {  	v19 =	vadd.s32 v38, v2;
	v60 =	vld [tilespmem:$0x1FE70]  }
0x40c: {  	v10 =	vadd.f32 v21, v3;
	v33 =	vld [tilespmem:s11+$0x1B0]  }
0x40d: {  	v25 =	vadd.f32 v20, v3;
	v20 =	vld [tilespmem:s11+$0xFFFFFE30];
	v24 =	vadd.s32 v46, v2  }
0x40e: {  	v48 =	vld [tilespmem:$0x1FEB0];
	[tilespmem:v23+s29+$0x0] =	vst.idx.msk $0xffff, v10  }
0x40f: {  	v55 =	vld [tilespmem:$0x1FCB0];
	v21 =	vadd.s32 v40, v2  }
0x410: {  	v32 =	vadd.f32 v22, v3;
	[tilespmem:v19+s29+$0x0] =	vst.idx.msk $0xffff, v17;
	v19 =	vld [tilespmem:s11+$0xB0]  }
0x411: {  	v28 =	vadd.s32 v60, v2;
	v0 =	vld [tilespmem:$0x1FF90]  }
0x412: {  	v23 =	vld [tilespmem:s11+$0xFFFFFFA0];
	[tilespmem:v24+s29+$0x0] =	vst.idx.msk $0xffff, v32  }
0x413: {  	v34 =	vadd.s32 v48, v2;
	v54 =	vld [tilespmem:$0x1FDB0]  }
0x414: {  	v7 =	vadd.f32 v7, v3;
	[tilespmem:v21+s29+$0x0] =	vst.idx.msk $0xffff, v25;
	v26 =	vld [tilespmem:s11+$0x1F0]  }
0x415: {  	v49 =	vld [tilespmem:$0x1FD70]  }
0x416: {  	v17 =	vadd.f32 v30, v3;
	[tilespmem:v28+s29+$0x0] =	vst.idx.msk $0xffff, v7;
	v21 =	vld [tilespmem:s11+$0x170]  }
0x417: {  	v42 =	vld [tilespmem:$0x1FD10]  }
0x418: {  	[tilespmem:v34+s29+$0x0] =	vst.idx.msk $0xffff, v17;
	v17 =	vld [tilespmem:s11+$0xFFFFFFF0]  }
0x419: {  	v52 =	vld [tilespmem:$0x1FC60]  }
0x41a: {  	v56 =	vld [tilespmem:$0x1FD40]  }
0x41b: {  	v57 =	vld [tilespmem:$0x1FC70]  }
0x41c: {  	v58 =	vld [tilespmem:$0x1FDC0]  }
0x41d: {  	v37 =	vld [tilespmem:$0x1FDF0]  }
0x41e: {  	v44 =	vld [tilespmem:$0x1FC90]  }
0x41f: {  	v45 =	vld [tilespmem:$0x1FE80]  }
0x420: {  	v53 =	vld [tilespmem:$0x1FEC0]  }
0x421: {  	v6 =	vadd.s32 v62, v2;
	v41 =	vld [tilespmem:$0x1FCA0]  }
0x422: {  	v22 =	vadd.s32 v63, v2;
	v11 =	vadd.s32 v61, v2;
	v29 =	vadd.f32 v27, v3;
	v59 =	vld [tilespmem:$0x1FEF0]  }
0x423: {  	v30 =	vadd.f32 v31, v3;
	v13 =	vadd.s32 v39, v2;
	v15 =	vadd.s32 v55, v2;
	v51 =	vld [tilespmem:$0x1FF30]  }
0x424: {  	v10 =	vadd.s32 v0, v2;
	v28 =	vadd.f32 v33, v1;
	v7 =	vadd.s32 $0x10, v2;
	v50 =	vld [tilespmem:$0x1FFA0]  }
0x425: {  	s16 =	simm.s32 $0xC600;
	s14 =	simm.s32 $0x0;
	v47 =	vld [tilespmem:$0x1FCC0];
	v24 =	vadd.s32 v54, v2;
	v25 =	vadd.s32 v49, v2;
	v27 =	vadd.s32 v42, v2  }
.LBB2_15:
0x426: {  	_ =	sdelay $0x3  }
0x427: {  	v33 =	vld [tilespmem:s11+$0x30];
	s16 =	sadd.s32 $0x400, s16;
	[tilespmem:v10+s29+$0x0] =	vst.idx.msk $0xffff, v29  }
0x428: {  	v10 =	vld [tilespmem:s16+$0xFFFFFEC0];
	[tilespmem:v24+s29+$0x0] =	vst.idx.msk $0xffff, v30  }
0x429: {  	[tilespmem:v25+s29+$0x0] =	vst.idx.msk $0xffff, v14;
	v14 =	vld [tilespmem:s11+$0xFFFFFF30]  }
0x42a: {  	v29 =	vld [tilespmem:s11+$0x130];
	v18 =	vadd.f32 v18, v3  }
0x42b: {  	[tilespmem:v22+s29+$0x0] =	vst.idx.msk $0xffff, v28;
	v24 =	vadd.f32 v12, v3;
	v25 =	vadd.f32 v26, v1;
	v12 =	vld [tilespmem:s16+$0xFFFFFFC0]  }
0x42c: {  	v23 =	vadd.f32 v23, v3;
	[tilespmem:v27+s29+$0x0] =	vst.idx.msk $0xffff, v18;
	v18 =	vadd.f32 v19, v1;
	v19 =	vld [tilespmem:s11+$0xFFFFFEE0]  }
0x42d: {  	v32 =	vadd.s32 v37, v2;
	v16 =	vadd.f32 v16, v1;
	[tilespmem:v6+s29+$0x0] =	vst.idx.msk $0xffff, v25;
	v25 =	vld [tilespmem:s16+$0x0]  }
0x42e: {  	v20 =	vadd.f32 v20, v1;
	[tilespmem:v11+s29+$0x0] =	vst.idx.msk $0xffff, v23;
	v11 =	vld [tilespmem:$0x1FE00]  }
0x42f: {  	v28 =	vadd.s32 v47, v2;
	v26 =	vadd.f32 v8, v3;
	[tilespmem:v15+s29+$0x0] =	vst.idx.msk $0xffff, v16;
	v8 =	vld [tilespmem:s16+$0xFFFFFE40]  }
0x430: {  	v30 =	vadd.s32 v53, v2;
	[tilespmem:v13+s29+$0x0] =	vst.idx.msk $0xffff, v20;
	v16 =	vld [tilespmem:s16+$0x1C0]  }
0x431: {  	v31 =	vadd.s32 v62, v7;
	v27 =	vadd.s32 v51, v2;
	v20 =	vld [tilespmem:s16+$0xFFFFFE00]  }
0x432: {  	v6 =	vmov v31;
	[tilespmem:v32+s29+$0x0] =	vst.idx.msk $0xffff, v24;
	v15 =	vadd.f32 v21, v1;
	v13 =	vadd.s32 v41, v2;
	v31 =	vld [tilespmem:s11+$0xFFFFFFB0]  }
0x433: {  	v24 =	vadd.f32 v33, v1;
	v21 =	vadd.s32 v56, v2;
	v32 =	vld [tilespmem:s11+$0xFFFFFF70]  }
0x434: {  	[tilespmem:v28+s29+$0x0] =	vst.idx.msk $0xffff, v15;
	v15 =	vld [tilespmem:s11+$0xFFFFFE70]  }
0x435: {  	v22 =	vadd.s32 v57, v2;
	[tilespmem:v30+s29+$0x0] =	vst.idx.msk $0xffff, v24;
	v24 =	vld [tilespmem:$0x1FD50]  }
0x436: {  	v9 =	vadd.f32 v9, v3;
	v23 =	vadd.s32 v11, v2;
	[tilespmem:v27+s29+$0x0] =	vst.idx.msk $0xffff, v18;
	v11 =	vld [tilespmem:s16+$0xFFFFFE80]  }
0x437: {  	v28 =	vadd.s32 v44, v2;
	v27 =	vld [tilespmem:$0x1FD80];
	[tilespmem:v13+s29+$0x0] =	vst.idx.msk $0xffff, v26  }
0x438: {  	v19 =	vadd.f32 v19, v3;
	[tilespmem:v21+s29+$0x0] =	vst.idx.msk $0xffff, v9;
	v9 =	vld [tilespmem:$0x1FC50]  }
0x439: {  	v18 =	vadd.f32 v29, v1;
	v29 =	vadd.s32 v45, v2;
	v21 =	vld [tilespmem:s11+$0x70]  }
0x43a: {  	v30 =	vadd.s32 v58, v2;
	v34 =	vld [tilespmem:s11+$0xFFFFFEB0];
	v13 =	vadd.f32 v31, v1;
	[tilespmem:v22+s29+$0x0] =	vst.idx.msk $0xffff, v19  }
0x43b: {  	v26 =	vadd.s32 v52, v2;
	v22 =	vld [tilespmem:s11+$0xFFFFFEF0]  }
0x43c: {  	v17 =	vadd.f32 v17, v1;
	[tilespmem:v28+s29+$0x0] =	vst.idx.msk $0xffff, v13;
	v28 =	vld [tilespmem:s16+$0xFFFFFF40]  }
0x43d: {  	v14 =	vadd.f32 v14, v1;
	v19 =	vadd.s32 v50, v2;
	v13 =	vld [tilespmem:$0x1FEE0]  }
0x43e: {  	v15 =	vadd.f32 v15, v1;
	[tilespmem:v29+s29+$0x0] =	vst.idx.msk $0xffff, v17;
	v17 =	vadd.f32 v20, v4;
	v20 =	vld [tilespmem:s16+$0xFFFFFF00]  }
0x43f: {  	v24 =	vadd.s32 v24, v2;
	[tilespmem:v30+s29+$0x0] =	vst.idx.msk $0xffff, v14;
	v14 =	vld [tilespmem:s16+$0xFFFFFF80]  }
0x440: {  	[tilespmem:v26+s29+$0x0] =	vst.idx.msk $0xffff, v15;
	v15 =	vadd.f32 v32, v1;
	v29 =	vld [tilespmem:$0x1FC40]  }
0x441: {  	v32 =	vld [tilespmem:$0x1FFE0]  }
0x442: {  	v30 =	vadd.f32 v34, v1;
	[tilespmem:v23+s29+$0x0] =	vst.idx.msk $0xffff, v15;
	v23 =	vld [tilespmem:$0x1FF40]  }
0x443: {  	[tilespmem:v19+s29+$0x0] =	vst.idx.msk $0xffff, v18;
	v18 =	vld [tilespmem:$0x1FE40]  }
0x444: {  	v33 =	vadd.s32 v59, v2;
	[tilespmem:v24+s29+$0x0] =	vst.idx.msk $0xffff, v30;
	v24 =	vld [tilespmem:s16+$0xC0]  }
0x445: {  	v30 =	vld [tilespmem:$0x1FFB0]  }
0x446: {  	v26 =	vld [tilespmem:s16+$0x180];
	v29 =	vadd.s32 v29, v7  }
0x447: {  	v21 =	vadd.f32 v21, v1;
	v34 =	vld [tilespmem:$0x1FF70];
	v23 =	vadd.s32 v23, v7  }
0x448: {  	v19 =	vld [tilespmem:s16+$0x140];
	v18 =	vadd.s32 v18, v7  }
0x449: {  	v16 =	vadd.f32 v16, v4;
	[tilespmem:v33+s29+$0x0] =	vst.idx.msk $0xffff, v21;
	v21 =	vld [tilespmem:$0x1FD20];
	v32 =	vadd.s32 v32, v7  }
0x44a: {  	v31 =	vld [tilespmem:s16+$0x100];
	v30 =	vadd.s32 v30, v7;
	v24 =	vadd.f32 v24, v4  }
0x44b: {  	v27 =	vadd.s32 v27, v2;
	v33 =	vld [tilespmem:$0x1FFC0];
	[tilespmem:v29+s29+$0x0] =	vst.idx.msk $0xffff, v16  }
0x44c: {  	v26 =	vadd.f32 v26, v4;
	[tilespmem:v23+s29+$0x0] =	vst.idx.msk $0xffff, v24;
	v24 =	vadd.f32 v25, v4;
	v25 =	vld [tilespmem:$0x1FFF0]  }
0x44d: {  	v15 =	vld [tilespmem:s16+$0x40];
	[tilespmem:v18+s29+$0x0] =	vst.idx.msk $0xffff, v17;
	v17 =	vadd.f32 v19, v4  }
0x44e: {  	v22 =	vadd.f32 v22, v1;
	v16 =	vld [tilespmem:$0x1FF00];
	[tilespmem:v32+s29+$0x0] =	vst.idx.msk $0xffff, v26  }
0x44f: {  	[tilespmem:v30+s29+$0x0] =	vst.idx.msk $0xffff, v17;
	v17 =	vld [tilespmem:s16+$0x190]  }
0x450: {  	[tilespmem:v27+s29+$0x0] =	vst.idx.msk $0xffff, v22;
	v22 =	vld [tilespmem:$0x1FD90];
	v34 =	vadd.s32 v34, v7  }
0x451: {  	v27 =	vld [tilespmem:s16+$0x80];
	v25 =	vadd.s32 v25, v7  }
0x452: {  	v29 =	vld [tilespmem:$0x1FED0]  }
0x453: {  	v31 =	vadd.f32 v31, v4;
	v26 =	vld [tilespmem:$0x1FE90]  }
0x454: {  	v32 =	vld [tilespmem:$0x1FE10];
	v16 =	vadd.s32 v16, v7;
	v17 =	vadd.f32 v17, v5  }
0x455: {  	[tilespmem:v34+s29+$0x0] =	vst.idx.msk $0xffff, v31;
	v18 =	vld [tilespmem:s16+$0x1D0]  }
0x456: {  	[tilespmem:v25+s29+$0x0] =	vst.idx.msk $0xffff, v17;
	v17 =	vld [tilespmem:$0x1FCF0]  }
0x457: {  	v22 =	vadd.s32 v22, v7;
	v27 =	vadd.f32 v27, v4;
	v23 =	vld [tilespmem:s16+$0x110]  }
0x458: {  	v19 =	vld [tilespmem:s16+$0xFFFFFE10]  }
0x459: {  	v29 =	vadd.s32 v29, v7;
	[tilespmem:v16+s29+$0x0] =	vst.idx.msk $0xffff, v27;
	v27 =	vld [tilespmem:$0x1FDD0]  }
0x45a: {  	v20 =	vadd.f32 v20, v4;
	v30 =	vld [tilespmem:$0x1FE50];
	v26 =	vadd.s32 v26, v7  }
0x45b: {  	v31 =	vld [tilespmem:s16+$0x150];
	v17 =	vadd.s32 v17, v7  }
0x45c: {  	v15 =	vadd.f32 v15, v4;
	[tilespmem:v22+s29+$0x0] =	vst.idx.msk $0xffff, v20;
	v22 =	vld [tilespmem:$0x1FF50]  }
0x45d: {  	v33 =	vadd.s32 v33, v7;
	v16 =	vld [tilespmem:s16+$0xD0]  }
0x45e: {  	v8 =	vadd.f32 v8, v4;
	[tilespmem:v29+s29+$0x0] =	vst.idx.msk $0xffff, v15;
	v29 =	vld [tilespmem:$0x1FD60];
	v27 =	vadd.s32 v27, v7  }
0x45f: {  	v30 =	vadd.s32 v30, v7;
	[tilespmem:v26+s29+$0x0] =	vst.idx.msk $0xffff, v24;
	v15 =	vld [tilespmem:s16+$0x90]  }
0x460: {  	v26 =	vadd.f32 v28, v4;
	v28 =	vadd.f32 v31, v5;
	[tilespmem:v17+s29+$0x0] =	vst.idx.msk $0xffff, v8;
	v8 =	vld [tilespmem:$0x1FEA0]  }
0x461: {  	v32 =	vadd.s32 v32, v7;
	v24 =	vld [tilespmem:s16+$0x50]  }
0x462: {  	v12 =	vadd.f32 v12, v4;
	v22 =	vadd.s32 v22, v7;
	[tilespmem:v33+s29+$0x0] =	vst.idx.msk $0xffff, v28;
	v25 =	vld [tilespmem:s16+$0x1A0]  }
0x463: {  	v13 =	vadd.s32 v13, v7;
	[tilespmem:v27+s29+$0x0] =	vst.idx.msk $0xffff, v26;
	v27 =	vld [tilespmem:$0x1FF10]  }
0x464: {  	v14 =	vadd.f32 v14, v4;
	[tilespmem:v30+s29+$0x0] =	vst.idx.msk $0xffff, v12;
	v12 =	vld [tilespmem:s16+$0x10]  }
0x465: {  	v29 =	vadd.s32 v29, v7;
	v16 =	vadd.f32 v16, v5;
	v28 =	vadd.s32 v8, v7;
	v8 =	vld [tilespmem:$0x1FF20]  }
0x466: {  	[tilespmem:v32+s29+$0x0] =	vst.idx.msk $0xffff, v14;
	v14 =	vld [tilespmem:s16+$0xFFFFFFD0];
	v24 =	vadd.f32 v24, v5  }
0x467: {  	v21 =	vadd.s32 v21, v7;
	v30 =	vld [tilespmem:s16+$0xFFFFFF90];
	[tilespmem:v22+s29+$0x0] =	vst.idx.msk $0xffff, v16  }
0x468: {  	v10 =	vadd.f32 v10, v4;
	[tilespmem:v13+s29+$0x0] =	vst.idx.msk $0xffff, v24;
	v13 =	vld [tilespmem:s16+$0xE0];
	v27 =	vadd.s32 v27, v7  }
0x469: {  	v24 =	vld [tilespmem:$0x1FD30]  }
0x46a: {  	v11 =	vadd.f32 v11, v4;
	[tilespmem:v29+s29+$0x0] =	vst.idx.msk $0xffff, v10;
	v29 =	vadd.s32 v8, v7;
	v8 =	vld [tilespmem:$0x1FE60]  }
0x46b: {  	v26 =	vld [tilespmem:s16+$0xFFFFFF10];
	v10 =	vadd.f32 v14, v5;
	v14 =	vadd.f32 v15, v5  }
0x46c: {  	v9 =	vadd.s32 v9, v7;
	[tilespmem:v21+s29+$0x0] =	vst.idx.msk $0xffff, v11;
	v12 =	vadd.f32 v12, v5;
	v20 =	vld [tilespmem:s16+$0xFFFFFF50]  }
0x46d: {  	[tilespmem:v27+s29+$0x0] =	vst.idx.msk $0xffff, v14;
	v14 =	vld [tilespmem:$0x1FF80]  }
0x46e: {  	v16 =	vadd.f32 v18, v5;
	[tilespmem:v28+s29+$0x0] =	vst.idx.msk $0xffff, v12;
	v12 =	vld [tilespmem:$0x1FDA0]  }
0x46f: {  	v21 =	vadd.f32 v30, v5;
	v30 =	vadd.s32 v35, v7;
	v18 =	vadd.s32 v8, v7;
	v8 =	vld [tilespmem:$0x1FDE0]  }
0x470: {  	v17 =	vld [tilespmem:s16+$0xFFFFFE90]  }
0x471: {  	[tilespmem:v9+s29+$0x0] =	vst.idx.msk $0xffff, v16;
	v15 =	vld [tilespmem:s16+$0x160]  }
0x472: {  	v19 =	vadd.f32 v19, v5;
	v16 =	vld [tilespmem:s16+$0x1E0];
	v24 =	vadd.s32 v24, v7  }
0x473: {  	v22 =	vadd.f32 v23, v5;
	v9 =	vadd.f32 v20, v5;
	v20 =	vld [tilespmem:$0x1FE20];
	v14 =	vadd.s32 v14, v7  }
0x474: {  	[tilespmem:v30+s29+$0x0] =	vst.idx.msk $0xffff, v19;
	v19 =	vadd.s32 v12, v7;
	v12 =	vld [tilespmem:$0x1FD00];
	v23 =	vadd.s32 v8, v7  }
0x475: {  	v31 =	vld [tilespmem:s16+$0xFFFFFE50];
	v17 =	vadd.f32 v17, v5  }
0x476: {  	v30 =	vld [tilespmem:s16+$0xFFFFFE20]  }
0x477: {  	v11 =	vld [tilespmem:s16+$0xFFFFFED0];
	[tilespmem:v24+s29+$0x0] =	vst.idx.msk $0xffff, v17  }
0x478: {  	v20 =	vadd.s32 v20, v7;
	v27 =	vld [tilespmem:s16+$0xA0];
	[tilespmem:v14+s29+$0x0] =	vst.idx.msk $0xffff, v22  }
0x479: {  	v26 =	vadd.f32 v26, v5;
	v32 =	vadd.s32 v12, v7;
	[tilespmem:v23+s29+$0x0] =	vst.idx.msk $0xffff, v9;
	v9 =	vld [tilespmem:$0x1FF60]  }
0x47a: {  	v28 =	vld [tilespmem:s16+$0x20];
	[tilespmem:v18+s29+$0x0] =	vst.idx.msk $0xffff, v10;
	v18 =	vadd.f32 v31, v5;
	v31 =	vadd.f32 v15, v3  }
0x47b: {  	v17 =	vld [tilespmem:s16+$0x120];
	[tilespmem:v19+s29+$0x0] =	vst.idx.msk $0xffff, v26;
	v19 =	vadd.s32 v38, v7;
	v15 =	vadd.f32 v30, v3  }
0x47c: {  	v22 =	vadd.s32 v43, v7;
	v8 =	vld [tilespmem:s16+$0x60]  }
0x47d: {  	v26 =	vadd.s32 v46, v7;
	v33 =	vld [tilespmem:s16+$0xFFFFFFE0];
	[tilespmem:v20+s29+$0x0] =	vst.idx.msk $0xffff, v15  }
0x47e: {  	v20 =	vld [tilespmem:s16+$0xFFFFFE30];
	v10 =	vadd.s32 v9, v7  }
0x47f: {  	v23 =	vadd.f32 v25, v3;
	[tilespmem:v32+s29+$0x0] =	vst.idx.msk $0xffff, v18;
	v32 =	vld [tilespmem:s16+$0xFFFFFF20]  }
0x480: {  	v30 =	vadd.s32 v60, v7;
	v25 =	vadd.f32 v16, v3;
	[tilespmem:v19+s29+$0x0] =	vst.idx.msk $0xffff, v21;
	v12 =	vld [tilespmem:s16+$0xFFFFFF60]  }
0x481: {  	v35 =	vadd.s32 v48, v7;
	v13 =	vadd.f32 v13, v3;
	v18 =	vld [tilespmem:s16+$0xFFFFFE60];
	[tilespmem:v22+s29+$0x0] =	vst.idx.msk $0xffff, v23  }
0x482: {  	v21 =	vadd.f32 v33, v3;
	v23 =	vld [tilespmem:s16+$0xFFFFFFA0];
	[tilespmem:v26+s29+$0x0] =	vst.idx.msk $0xffff, v25  }
0x483: {  	s14 =	sadd.s32 $0x10, s14;
	v34 =	vld [tilespmem:s16+$0x1B0];
	[tilespmem:v10+s29+$0x0] =	vst.idx.msk $0xffff, v13;
	v10 =	vadd.f32 v27, v3;
	v27 =	vadd.s32 v40, v7  }
0x484: {  	p0 =	slt.u32 s14, $0xF0;
	v24 =	vadd.s32 v54, v7;
	v14 =	vadd.f32 v11, v5;
	v33 =	vadd.f32 v28, v3;
	v26 =	vld [tilespmem:s16+$0x1F0]  }
.Ltmp6:
0x485: {  	v11 =	vadd.s32 v61, v7;
	v15 =	vadd.s32 v55, v7;
	[tilespmem:v30+s29+$0x0] =	vst.idx.msk $0xffff, v21;
	v9 =	vld [tilespmem:s16+$0xFFFFFEA0];
	(pc) =	sbr.rel @p0 .LBB2_15-.Ltmp6, $4  }
0x486: {  	v22 =	vadd.s32 v63, v7;
	v25 =	vadd.s32 v49, v7;
	[tilespmem:v35+s29+$0x0] =	vst.idx.msk $0xffff, v33;
	v16 =	vld [tilespmem:s16+$0xF0]  }
0x487: {  	v30 =	vadd.f32 v32, v3;
	[tilespmem:v29+s29+$0x0] =	vst.idx.msk $0xffff, v10;
	v29 =	vadd.f32 v17, v3;
	v17 =	vld [tilespmem:s16+$0xFFFFFFF0]  }
0x488: {  	v2 =	vmov v7;
	v28 =	vadd.f32 v34, v1;
	v13 =	vadd.s32 v39, v7;
	v19 =	vld [tilespmem:s16+$0xB0];
	[tilespmem:v27+s29+$0x0] =	vst.idx.msk $0xffff, v31  }
0x489: {  	s11 =	smov.u32 s16;
	v35 =	vmovc v36;
	v10 =	vadd.s32 v0, v7;
	v7 =	vadd.s32 $0x10, v7;
	v27 =	vadd.s32 v42, v2;
	v21 =	vld [tilespmem:s16+$0x170]  }
0x48a: {  	_ =	sdelay $0x3  }
0x48b: {  	[tilespmem:v10+s29+$0x0] =	vst.idx.msk $0xffff, v29  }
0x48c: {  	[tilespmem:v24+s29+$0x0] =	vst.idx.msk $0xffff, v30  }
0x48d: {  	v5 =	vadd.f32 v18, v3;
	[tilespmem:v25+s29+$0x0] =	vst.idx.msk $0xffff, v14  }
0x48e: {  	v7 =	vadd.f32 v26, v1;
	[tilespmem:v22+s29+$0x0] =	vst.idx.msk $0xffff, v28  }
0x48f: {  	v4 =	vadd.s32 v37, v2;
	v28 =	vadd.f32 v20, v1;
	[tilespmem:v27+s29+$0x0] =	vst.idx.msk $0xffff, v5  }
0x490: {  	v30 =	vadd.f32 v23, v3;
	v34 =	vadd.s32 v41, v2;
	[tilespmem:v6+s29+$0x0] =	vst.idx.msk $0xffff, v7  }
0x491: {  	v37 =	vadd.s32 v56, v2;
	v26 =	vadd.f32 v16, v1;
	[tilespmem:v13+s29+$0x0] =	vst.idx.msk $0xffff, v28  }
0x492: {  	v24 =	vadd.f32 v12, v3;
	v40 =	vadd.s32 v45, v2;
	[tilespmem:v11+s29+$0x0] =	vst.idx.msk $0xffff, v30  }
0x493: {  	v25 =	vld [tilespmem:s11+$0x30];
	v29 =	vadd.s32 v47, v2;
	v8 =	vadd.f32 v8, v3;
	[tilespmem:v15+s29+$0x0] =	vst.idx.msk $0xffff, v26  }
0x494: {  	v41 =	vadd.f32 v9, v3;
	v33 =	vld [tilespmem:s11+$0xFFFFFEE0];
	v27 =	vadd.s32 v51, v2;
	[tilespmem:v4+s29+$0x0] =	vst.idx.msk $0xffff, v24  }
0x495: {  	v31 =	vadd.s32 v53, v2;
	v48 =	vadd.f32 v17, v1;
	v11 =	vld [tilespmem:s11+$0xFFFFFFB0];
	[tilespmem:v34+s29+$0x0] =	vst.idx.msk $0xffff, v8  }
0x496: {  	v38 =	vadd.s32 v57, v2;
	v39 =	vld [tilespmem:s11+$0xFFFFFF30];
	v36 =	vadd.f32 v21, v1;
	[tilespmem:v37+s29+$0x0] =	vst.idx.msk $0xffff, v41  }
0x497: {  	v43 =	vadd.s32 v44, v2;
	v32 =	vadd.f32 v19, v1;
	[tilespmem:v40+s29+$0x0] =	vst.idx.msk $0xffff, v48  }
0x498: {  	v47 =	vadd.s32 v58, v2;
	v5 =	vadd.f32 v25, v1;
	[tilespmem:v29+s29+$0x0] =	vst.idx.msk $0xffff, v36  }
0x499: {  	v44 =	vld [tilespmem:s11+$0x130];
	v46 =	vadd.f32 v33, v3;
	[tilespmem:v27+s29+$0x0] =	vst.idx.msk $0xffff, v32  }
0x49a: {  	v42 =	vld [tilespmem:s11+$0xFFFFFE70];
	[tilespmem:v31+s29+$0x0] =	vst.idx.msk $0xffff, v5;
	v53 =	vadd.f32 v11, v1  }
0x49b: {  	v51 =	vld [tilespmem:s11+$0x70];
	v12 =	vadd.f32 v39, v1;
	[tilespmem:v38+s29+$0x0] =	vst.idx.msk $0xffff, v46  }
0x49c: {  	v6 =	vld [tilespmem:$0x1FD50];
	[tilespmem:v43+s29+$0x0] =	vst.idx.msk $0xffff, v53  }
0x49d: {  	v55 =	vadd.s32 v59, v2;
	v59 =	vld [tilespmem:$0x1FD80];
	[tilespmem:v47+s29+$0x0] =	vst.idx.msk $0xffff, v12  }
0x49e: {  	v49 =	vadd.s32 v52, v2;
	v10 =	vld [tilespmem:$0x1FE00]  }
0x49f: {  	v54 =	vadd.s32 v50, v2;
	v52 =	vld [tilespmem:s11+$0xFFFFFEB0]  }
0x4a0: {  	v56 =	vld [tilespmem:s11+$0xFFFFFEF0]  }
0x4a1: {  	v57 =	vld [tilespmem:s11+$0xFFFFFF70];
	v9 =	vadd.f32 v42, v1;
	v6 =	vadd.s32 v6, v2  }
0x4a2: {  	v58 =	vadd.f32 v44, v1;
	v5 =	vadd.s32 v59, v2  }
0x4a3: {  	v4 =	vadd.f32 v51, v1;
	[tilespmem:v49+s29+$0x0] =	vst.idx.msk $0xffff, v9;
	v60 =	vadd.s32 v10, v2  }
0x4a4: {  	v61 =	vadd.f32 v52, v1;
	[tilespmem:v54+s29+$0x0] =	vst.idx.msk $0xffff, v58  }
0x4a5: {  	[tilespmem:v55+s29+$0x0] =	vst.idx.msk $0xffff, v4;
	v62 =	vadd.f32 v56, v1  }
0x4a6: {  	v63 =	vadd.f32 v57, v1;
	[tilespmem:v6+s29+$0x0] =	vst.idx.msk $0xffff, v61  }
0x4a7: {  	s9 =	sshll.u32 s9, $0x12;
	[tilespmem:v5+s29+$0x0] =	vst.idx.msk $0xffff, v62  }
0x4a8: {  	s9 =	sor.u32 s5, s9;
	[tilespmem:v60+s29+$0x0] =	vst.idx.msk $0xffff, v63  }
0x4a9: {  	s14 =	simm.s32 $0x200;
	s9 =	sshrl.u32 s9, $0x3;
	_ =	swait.ge [sflag:s10], $0x100  }
0x4aa: {  	s16 =	simm.s32 $0x14708;
	s9 =	sadd.s32 s7, s9;
	[sflag:s10] =	ssyncset.done $0x0  }
0x4ab: {  	s18 =	sadd.s32 $0x0, s9;
	s11 =	simm.s32 $0x14600;
	[sflag:s10] =	ssyncadd.s32 $0xFFFFFF00  }
0x4ac: {  	v34 =	vmov v45;
	[tilespmem:s23], [sflag:$0x4] =	stream.indirect.gather [hbm4b:s3+s17], $0x40, s22, s17, $0xb8;
	[tilespmem:$0x1BA00] =	vst v63  }
.LBB2_17:
0x4ad: {  	[hbm4b:s18+s2] =	stream.linear.scatter [tilespmem:s11], [sflag:$0xA], $0x100, $0x38;
	[tilespmem:$0x1BA00] =	vst v63  }
0x4ae: {  	s18 =	smov.u32 s14;
	s11 =	smov.u32 s16;
	p0 =	sne.s32 s14, $0x7E00  }
.Ltmp7:
0x4af: {  	s14 =	sadd.s32 $0x200, s14;
	(pc) =	sbr.rel @p0 .LBB2_17-.Ltmp7, $2  }
0x4b0: {  	_ =	sdelay $0x2  }
0x4b1: {  	s16 =	sadd.s32 $0x108, s16;
	s18 =	sadd.s32 s18, s9  }
0x4b2: {  	v33 =	vld [tilespmem:$0x1FE20]  }
0x4b3: {  	v37 =	vld [tilespmem:$0x1FCE0]  }
0x4b4: {  	v22 =	vld [tilespmem:$0x1FCF0]  }
0x4b5: {  	v52 =	vld [tilespmem:$0x1FD00]  }
0x4b6: {  	v45 =	vld [tilespmem:$0x1FD20]  }
0x4b7: {  	v51 =	vld [tilespmem:$0x1FD30]  }
0x4b8: {  	v15 =	vld [tilespmem:$0x1FD50]  }
0x4b9: {  	v25 =	vld [tilespmem:$0x1FD60]  }
0x4ba: {  	v55 =	vld [tilespmem:$0x1FD70]  }
0x4bb: {  	v42 =	vld [tilespmem:$0x1FD90]  }
0x4bc: {  	v54 =	vld [tilespmem:$0x1FDA0]  }
0x4bd: {  	v29 =	vld [tilespmem:$0x1FDD0]  }
0x4be: {  	v40 =	vld [tilespmem:$0x1FDE0]  }
0x4bf: {  	v19 =	vld [tilespmem:$0x1FE00]  }
0x4c0: {  	v9 =	vld [tilespmem:$0x1FE10]  }
0x4c1: {  	v61 =	vld [tilespmem:$0x1FE30]  }
0x4c2: {  	v43 =	vld [tilespmem:$0x1FE50]  }
0x4c3: {  	v44 =	vld [tilespmem:$0x1FE60]  }
0x4c4: {  	v47 =	vld [tilespmem:$0x1FE90]  }
0x4c5: {  	v48 =	vld [tilespmem:$0x1FEA0]  }
0x4c6: {  	v53 =	vld [tilespmem:$0x1FED0]  }
0x4c7: {  	v39 =	vld [tilespmem:$0x1FEE0]  }
0x4c8: {  	v56 =	vld [tilespmem:$0x1FF00]  }
0x4c9: {  	v59 =	vld [tilespmem:$0x1FF10]  }
0x4ca: {  	v38 =	vld [tilespmem:$0x1FF20]  }
0x4cb: {  	v50 =	vld [tilespmem:$0x1FF40]  }
0x4cc: {  	v0 =	vld [tilespmem:$0x1FF50]  }
0x4cd: {  	v41 =	vld [tilespmem:$0x1FF70]  }
0x4ce: {  	v49 =	vld [tilespmem:$0x1FF80]  }
0x4cf: {  	s12 =	sadd.s32 $0x1, s12;
	v57 =	vld [tilespmem:$0x1FF90]  }
0x4d0: {  	v58 =	vld [tilespmem:$0x1FFB0];
	p0 =	sne.s32 s12, $0x19  }
.Ltmp8:
0x4d1: {  	v26 =	vld [tilespmem:$0x1FFC0];
	(pc) =	sbr.rel @p0 .LBB2_2-.Ltmp8, $4  }
0x4d2: {  	v36 =	vld [tilespmem:$0x1FFD0]  }
0x4d3: {  	v20 =	vld [tilespmem:$0x1FFE0]  }
0x4d4: {  	v32 =	vld [tilespmem:$0x1FFF0]  }
0x4d5: {  	[hbm4b:s18+s2] =	stream.linear.scatter [tilespmem:s11], [sflag:$0xA], $0x100, $0x38;
	v62 =	vld [tilespmem:$0x1FE40]  }
0x4d6: {  	_ =	swait.ge [sflag:s24], $0x4000  }
0x4d7: {  	[sflag:s24] =	ssyncset.done $0x0  }
0x4d8: {  	[sflag:s24] =	ssyncadd.s32 $0xFFFFC000  }
0x4d9: {  	_ =	swait.ge [sflag:s28], $0x4000  }
0x4da: {  	[sflag:s28] =	ssyncset.done $0x0  }
0x4db: {  	[sflag:s28] =	ssyncadd.s32 $0xFFFFC000  }
0x4dc: {  	_ =	swait.ge [sflag:s31], $0x4000  }
0x4dd: {  	[sflag:s31] =	ssyncset.done $0x0  }
0x4de: {  	[sflag:s31] =	ssyncadd.s32 $0xFFFFC000  }
0x4df: {  	_ =	swait.ge [sflag:s15], $0x4000  }
0x4e0: {  	[sflag:s15] =	ssyncset.done $0x0  }
0x4e1: {  	[sflag:s15] =	ssyncadd.s32 $0xFFFFC000  }
0x4e2: {  	_ =	swait.ge [sflag:s0], $0x4000  }
0x4e3: {  	[sflag:s0] =	ssyncset.done $0x0  }
0x4e4: {  	[sflag:s0] =	ssyncadd.s32 $0xFFFFC000  }
0x4e5: {  	_ =	swait.ge [sflag:s6], $0x4000  }
0x4e6: {  	s11 =	rddreg [dreg:$0x8]  }
0x4e7: {  	s9 =	rddreg [dreg:$0x7];
	s11 =	sadd.s32 $0x1, s11  }
0x4e8: {  	p0 =	sne.s32 s11, s9  }
.Ltmp9:
0x4e9: {  	_ = 	snop;
	(pc) =	sbr.rel @p0 .LBB2_1-.Ltmp9, $3  }
0x4ea: {  	_ =	sdelay $0x1  }
0x4eb: {  	[sflag:s6] =	ssyncset.done $0x0  }
0x4ec: {  	[sflag:s6] =	ssyncadd.s32 $0xFFFFC000  }
0x4ed: {  	_ =	sfence.sel $0x180000  }
0x4ee: {  	[bflag:$0x0] =	sbarrier.arrive $0xFFFF  }
0x4ef: {  	_ =	strace $0x90000047  }
0x4f0: {  	s0 =	stileid.u32;
	[bflag:$0x2] =	sbarrier.arrive $0xFFFF  }
0x4f1: {  	p0 =	sne.s32 s0, $0x0;
	s0 =	rddreg [dreg:$0x1]  }
0x4f2: {  	s0 =	sadd.s32 @!p0 $0x100000, s0  }
0x4f3: {  	[sflag:s0] =	ssyncadd.tile.s32 @!p0 $0x1;
	_ =	shalt  }
.Lfunc_end2:
_tile_overlayer_lowered:
.L_overlay_start_2:
0x4f4: {  	(tag) =	ssettag $0x2  }
0x4f5: {  	s0 =	rddreg [dreg:$0x0];
	s2 =	stileid.u32  }
0x4f6: {  	s1 =	rddreg [dreg:$0x1];
	p0 =	sne.s32 s2, $0x0  }
0x4f7: {  	s3 =	rddreg [dreg:$0x2];
	[bflag:$0x3] =	sbarrier.arrive $0xFFFF;
	s2 =	simm.s32 @!p0 $0x1C0B  }
0x4f8: {  	[timem:s3], [sflag:s2] =	dma.local @!p0 [hbm:s0], s1  }
0x4f9: {  	s0 =	simm.s32 @!p0 $0xB  }
0x4fa: {  	_ =	swait.ge @!p0 [sflag:s0], s1  }
0x4fb: {  	s1 =	ssub.s32 @!p0 $0x0, s1;
	[sflag:s0] =	ssyncset.done @!p0 $0x0  }
0x4fc: {  	[sflag:s0] =	ssyncadd.s32 @!p0 s1  }
0x4fd: {  	[bflag:$0x3] =	sbarrier.arrive $0xFFFF  }
0x4fe: {  	_ =	shalt  }

</sc_bundles>
